<compile_context>
chip_gen: v7x
topology: tpu7x:2x2x1
jax: 0.10.2.dev20260603
libtpu: 0.0.44.dev20260713+nightly
codegen_flags: <defaults>
</compile_context>

<pallas_src>
import functools

import jax
import jax.numpy as jnp
from jax import lax
from jax.experimental import pallas as pl
from jax.experimental.pallas import tpu as pltpu
from jax.experimental.pallas import tpu_sc as plsc

N = 10000
E = 320000
H = 128
LAYERS = 4
STEP = 0.1

NC = 2
NS = 16
NW = NC * NS
RPS = N // NS
NP1 = 10240
RPS1 = NP1 // NS
NP2 = 10240
RPS2 = NP2 // NS

GS_W = 125
GS_K = 40
GS_NBLK = E // (NW * GS_K * GS_W)
DG_W = 80
DG_ITERS = E // (NW * DG_W)

_f32 = jnp.float32


def _vector_mesh():
    return plsc.VectorSubcoreMesh(core_axis_name="c", subcore_axis_name="s")


@functools.partial(
    pl.kernel,
    out_type=jax.ShapeDtypeStruct((2 * NP1,), _f32),
    mesh=_vector_mesh(),
    scratch_types=[
        pltpu.VMEM((DG_ITERS, DG_W), jnp.int32),
        pltpu.VMEM((DG_W,), _f32),
        pltpu.VMEM((RPS1,), _f32),
        pltpu.VMEM_SHARED((NP1,), _f32),
    ],
)
def _sc_degree(col_hbm, ones_hbm, zeros_hbm, out_hbm, col_v, ones_v, stage_v, deg_sh):
    c = lax.axis_index("c")
    s = lax.axis_index("s")
    wid = c * NS + s
    pltpu.sync_copy(col_hbm.at[wid], col_v)
    pltpu.sync_copy(ones_hbm, ones_v)
    pltpu.sync_copy(zeros_hbm.at[pl.ds(s * RPS1, RPS1)], stage_v)
    pltpu.sync_copy(stage_v, deg_sh.at[pl.ds(s * RPS1, RPS1)])
    plsc.subcore_barrier()

    @pl.loop(0, DG_ITERS)
    def _(j):
        pltpu.sync_copy(ones_v, deg_sh.at[col_v.at[j]], add=True)

    plsc.subcore_barrier()
    pltpu.sync_copy(deg_sh.at[pl.ds(s * RPS1, RPS1)], stage_v)
    pltpu.sync_copy(stage_v, out_hbm.at[pl.ds(c * NP1 + s * RPS1, RPS1)])


@functools.partial(
    pl.kernel,
    out_type=jax.ShapeDtypeStruct((2 * NP2, H), _f32),
    mesh=_vector_mesh(),
    scratch_types=[
        pltpu.VMEM((GS_K, 2, GS_W), jnp.int32),
        pltpu.VMEM((GS_W, H), _f32),
        pltpu.VMEM((GS_W, H), _f32),
        pltpu.VMEM_SHARED((NP2, H), _f32),
        pltpu.SemaphoreType.DMA,
        pltpu.SemaphoreType.DMA,
    ],
)
def _sc_gather_scatter(outp_hbm, rc_hbm, zeros_hbm, out_hbm,
                       rcb, buf0, buf1, agg_sh, sem0, sem1):
    c = lax.axis_index("c")
    s = lax.axis_index("s")
    wid = c * NS + s
    pltpu.sync_copy(zeros_hbm.at[pl.ds(s * RPS2, RPS2)], agg_sh.at[pl.ds(s * RPS2, RPS2)])
    plsc.subcore_barrier()

    @pl.loop(0, GS_NBLK)
    def _(b):
        pltpu.sync_copy(rc_hbm.at[wid, b], rcb)
        @pl.loop(0, GS_K, step=2)
        def _(k):
            cp0 = pltpu.async_copy(outp_hbm.at[rcb.at[k, 0]], buf0, sem0)
            cp1 = pltpu.async_copy(outp_hbm.at[rcb.at[k + 1, 0]], buf1, sem1)
            cp0.wait()
            pltpu.sync_copy(buf0, agg_sh.at[rcb.at[k, 1]], add=True)
            cp1.wait()
            pltpu.sync_copy(buf1, agg_sh.at[rcb.at[k + 1, 1]], add=True)

    plsc.subcore_barrier()
    pltpu.sync_copy(agg_sh.at[pl.ds(s * RPS2, RPS2)],
                    out_hbm.at[pl.ds(c * NP2 + s * RPS2, RPS2)])


def _dotT(a, w):
    return lax.dot_general(a, w, (((1,), (1,)), ((), ())),
                           preferred_element_type=_f32)


def _elu(g):
    return jnp.where(g > 0, g, jnp.exp(jnp.minimum(g, 0.0)) - 1.0)


def _enc_body(x_ref, wenc_ref, g_ref, b_ref, wpair_ref, h0_ref, weff_ref):
    h = _dotT(x_ref[...], wenc_ref[...])
    mu = jnp.sum(h, axis=0, keepdims=True) / N
    var = jnp.sum(h * h, axis=0, keepdims=True) / N - mu * mu
    h0_ref[...] = (h - mu) * (g_ref[...] / jnp.sqrt(var + 1e-5)) + b_ref[...]

    wp = wpair_ref[...]
    w0raw = wp[:, :H]
    i2 = lax.broadcasted_iota(jnp.int32, (H, H), 0)
    j2 = lax.broadcasted_iota(jnp.int32, (H, H), 1)
    w0 = jnp.where(j2 > i2, w0raw, 0.0)
    w0 = w0 + w0.T
    q = wp[:, H:H + 1]
    r = wp[:, H + 1:H + 2]
    dvec = q * jnp.sum(jnp.abs(w0), axis=1, keepdims=True) + r
    weff_ref[...] = w0 + jnp.where(i2 == j2, dvec, 0.0)


def _prep_body(degp_ref, h0_ref, weff_ref, deginv_ref, outp_ref):
    deg = degp_ref[:, 0:1] + degp_ref[:, 1:2]
    deginv = jnp.where(deg > 0, lax.rsqrt(jnp.maximum(deg, 1.0)), 0.0)
    deginv_ref[...] = deginv
    outp_ref[...] = _dotT(h0_ref[...], weff_ref[...]) * deginv


def _update(aggp_ref, h_ref, h0_ref, deginv_ref, extw_ref, beta_ref):
    agg = aggp_ref[0, :N] + aggp_ref[1, :N]
    h = h_ref[...]
    g = deginv_ref[...] * agg - h * extw_ref[...] - h0_ref[...] * beta_ref[...]
    return h + STEP * _elu(g)


def _mid_body(aggp_ref, h_ref, h0_ref, deginv_ref, weff_ref, extw_ref,
              beta_ref, hn_ref, outp_ref):
    hn = _update(aggp_ref, h_ref, h0_ref, deginv_ref, extw_ref, beta_ref)
    hn_ref[...] = hn
    outp_ref[...] = _dotT(hn, weff_ref[...]) * deginv_ref[...]


def _fin_body(aggp_ref, h_ref, h0_ref, deginv_ref, extw_ref, beta_ref,
              w1_ref, b1_ref, w2_ref, b2_ref, out_ref):
    hn = _update(aggp_ref, h_ref, h0_ref, deginv_ref, extw_ref, beta_ref)
    t = _elu(_dotT(hn, w1_ref[...]) + b1_ref[...])
    out_ref[...] = _dotT(t, w2_ref[...]) + b2_ref[...]


_enc_call = pl.pallas_call(
    _enc_body,
    out_shape=[jax.ShapeDtypeStruct((N, H), _f32),
               jax.ShapeDtypeStruct((H, H), _f32)],
)
_prep_call = pl.pallas_call(
    _prep_body,
    out_shape=[jax.ShapeDtypeStruct((N, 1), _f32),
               jax.ShapeDtypeStruct((N, H), _f32)],
)
_mid_call = pl.pallas_call(
    _mid_body,
    out_shape=[jax.ShapeDtypeStruct((N, H), _f32),
               jax.ShapeDtypeStruct((N, H), _f32)],
)
_fin_call = pl.pallas_call(
    _fin_body,
    out_shape=jax.ShapeDtypeStruct((N, H), _f32),
)


def kernel(x, edges, W_enc, bn_gamma, bn_beta, ext_w, source_beta, W_pair,
           W1, b1, W2, b2):
    row, col = edges[0], edges[1]
    row4 = row.reshape(NW, GS_NBLK, GS_K, GS_W)
    col4 = col.reshape(NW, GS_NBLK, GS_K, GS_W)
    rc = jnp.stack([row4, col4], axis=3)
    col_dg = col.reshape(NW, DG_ITERS, DG_W)

    zeros2 = jnp.zeros((NP2, H), _f32)
    zeros1 = jnp.zeros((NP1,), _f32)
    ones1 = jnp.ones((DG_W,), _f32)

    deg_flat = _sc_degree(col_dg, ones1, zeros1)
    degp = deg_flat.reshape(2, NP1)[:, :N].T

    g2 = bn_gamma.reshape(1, H)
    b2_ = bn_beta.reshape(1, H)
    h0, weff = _enc_call(x, W_enc, g2, b2_, W_pair)
    deginv, outp = _prep_call(degp, h0, weff)

    extw = ext_w.reshape(1, H)
    sbeta = source_beta.reshape(1, 1)
    h = h0
    out = None
    for layer in range(LAYERS):
        agg_flat = _sc_gather_scatter(outp, rc, zeros2)
        aggp = agg_flat.reshape(2, NP2, H)
        if layer < LAYERS - 1:
            h, outp = _mid_call(aggp, h, h0, deginv, weff, extw, sbeta)
        else:
            out = _fin_call(aggp, h, h0, deginv, extw, sbeta,
                            W1, b1.reshape(1, H), W2, b2.reshape(1, H))
    return out

# --- scband reference (transcript-rebuilt; emitter-appended) ---
"""Pipeline reference for scband-graff-62783831933371 (READ-ONLY COPY).

The authoritative reference and input builder live on the scoring server;
editing this copy changes nothing except your own understanding.
"""

import jax, jax.numpy as jnp
import numpy as np

N = 10000
E = 320000
D_IN = 128
H = 128
LAYERS = 4
STEP = 0.1


def setup_inputs(seed: int = 0) -> dict:
    key = jax.random.key(seed)
    ks = jax.random.split(key, 10)
    x = jax.random.normal(ks[0], (N, D_IN), dtype=jnp.float32)
    edges = jax.random.randint(ks[1], (2, E), 0, N, dtype=jnp.int32)
    W_enc = jax.random.normal(ks[2], (H, D_IN), dtype=jnp.float32) / np.sqrt(D_IN)
    bn_gamma = jnp.ones((H,), dtype=jnp.float32)
    bn_beta = jnp.zeros((H,), dtype=jnp.float32)
    ext_w = jax.random.normal(ks[3], (1, H), dtype=jnp.float32)
    source_beta = jax.random.normal(ks[4], (1,), dtype=jnp.float32)
    W_pair = jax.random.normal(ks[5], (H, H + 2), dtype=jnp.float32) / np.sqrt(H + 2)
    W1 = jax.random.normal(ks[6], (H, H), dtype=jnp.float32) / np.sqrt(H)
    b1 = jnp.zeros((H,), dtype=jnp.float32)
    W2 = jax.random.normal(ks[7], (H, H), dtype=jnp.float32) / np.sqrt(H)
    b2 = jnp.zeros((H,), dtype=jnp.float32)
    return {"x": x, "edges": edges, "W_enc": W_enc, "bn_gamma": bn_gamma, "bn_beta": bn_beta,
            "ext_w": ext_w, "source_beta": source_beta, "W_pair": W_pair,
            "W1": W1, "b1": b1, "W2": W2, "b2": b2}


def _pairwise_weight(Wraw):
    # PairwiseParametrization: symmetric off-diagonal + constructed diagonal
    W0 = jnp.triu(Wraw[:, :-2], 1)
    W0 = W0 + W0.T
    q = Wraw[:, -2]
    r = Wraw[:, -1]
    w_diag = jnp.diag(q * jnp.sum(jnp.abs(W0), axis=1) + r)
    return W0 + w_diag


def _graff_conv(h, h0, row, col, Weff, ext_w, beta):
    out_p = h @ Weff.T
    deg = jnp.zeros((h.shape[0],), dtype=h.dtype).at[col].add(1.0)
    safe = jnp.where(deg > 0, deg, 1.0)
    deg_inv = jnp.where(deg > 0, 1.0 / jnp.sqrt(safe), 0.0)
    denom = deg_inv[row] * deg_inv[col]
    msg = denom[:, None] * out_p[row]
    agg = jnp.zeros_like(h).at[col].add(msg)
    return agg - h * ext_w - h0 * beta


def reference(x, edges, W_enc, bn_gamma, bn_beta, ext_w, source_beta, W_pair, W1, b1, W2, b2):
    row, col = edges[0], edges[1]
    h = x @ W_enc.T
    # BatchNorm1d (training mode, batch stats)
    mu = jnp.mean(h, axis=0)
    var = jnp.var(h, axis=0)
    h = (h - mu) / jnp.sqrt(var + 1e-5) * bn_gamma + bn_beta
    h0 = h
    Weff = _pairwise_weight(W_pair)
    for _ in range(LAYERS):
        h = h + STEP * jax.nn.elu(_graff_conv(h, h0, row, col, Weff, ext_w, source_beta))
    h = jax.nn.elu(h @ W1.T + b1)
    return h @ W2.T + b2

if __name__ == "__main__":
    import jax
    _d = setup_inputs()
    print(jax.jit(kernel)(*tuple(_d.values())))

</pallas_src>

<mosaic_0001>
#map = affine_map<(d0, d1) -> (0, 0, 0)>
#map1 = affine_map<(d0, d1) -> (0)>
module attributes {stable_mosaic.version = 14 : i64} {
  func.func @_sc_degree(%arg0: i32, %arg1: i32, %arg2: memref<32x125x80xi32, #tpu.memory_space<hbm>>, %arg3: memref<80xf32, #tpu.memory_space<hbm>>, %arg4: memref<10240xf32, #tpu.memory_space<hbm>>, %arg5: memref<20480xf32, #tpu.memory_space<hbm>>, %arg6: memref<125x80xi32, #tpu.memory_space<vmem>>, %arg7: memref<80xf32, #tpu.memory_space<vmem>>, %arg8: memref<640xf32, #tpu.memory_space<vmem>>, %arg9: memref<10240xf32, #tpu.memory_space<vmem_shared>>) attributes {dimension_semantics = [#tpu.dimension_semantics<core_parallel>, #tpu.dimension_semantics<subcore_parallel>], iteration_bounds = array<i64: 2, 16>, scalar_prefetch = 0 : i64, scratch_operands = 4 : i64, tpu.core_type = #tpu.core_type<sc_vector_subcore>, window_params = [{transform_indices = #map}, {transform_indices = #map1}, {transform_indices = #map1}, {transform_indices = #map1}]} {
    %mul3A = arith.constant 16 : i32
    %mul3A_0 = arith.muli %arg0, %mul3A : i32
    %add3A = arith.addi %mul3A_0, %arg1 : i32
    "tpu.region"() ({
      %run_scoped3A = tpu.sem_alloc : memref<!tpu.dma_semaphore, #tpu.memory_space<semaphore_mem>>
      %dma_start3A = arith.constant 0 : i32
      %dma_start3A_17 = arith.constant 0 : i32
      %dma_start3A_18 = tpu.memref_slice %arg2[%add3A, %dma_start3A, %dma_start3A_17] : memref<32x125x80xi32, #tpu.memory_space<hbm>> -> memref<1x125x80xi32, #tpu.memory_space<hbm>>
      %dma_start3A_19 = tpu.memref_squeeze %dma_start3A_18 : memref<1x125x80xi32, #tpu.memory_space<hbm>> -> memref<125x80xi32, #tpu.memory_space<hbm>>
      %dma_start3A_20 = arith.constant 0 : i32
      %dma_start3A_21 = arith.constant 0 : i32
      %dma_start3A_22 = tpu.memref_slice %arg2[%add3A, %dma_start3A_20, %dma_start3A_21] : memref<32x125x80xi32, #tpu.memory_space<hbm>> -> memref<1x125x80xi32, #tpu.memory_space<hbm>>
      %dma_start3A_23 = tpu.memref_squeeze %dma_start3A_22 : memref<1x125x80xi32, #tpu.memory_space<hbm>> -> memref<125x80xi32, #tpu.memory_space<hbm>>
      tpu.enqueue_dma source(%dma_start3A_23 : memref<125x80xi32, #tpu.memory_space<hbm>>) target(%arg6 : memref<125x80xi32, #tpu.memory_space<vmem>>) target_semaphore(%run_scoped3A : memref<!tpu.dma_semaphore, #tpu.memory_space<semaphore_mem>>)
      %dma_wait3A = arith.constant 0 : i32
      %dma_wait3A_24 = arith.constant 0 : i32
      %dma_wait3A_25 = tpu.memref_slice %arg2[%add3A, %dma_wait3A, %dma_wait3A_24] : memref<32x125x80xi32, #tpu.memory_space<hbm>> -> memref<1x125x80xi32, #tpu.memory_space<hbm>>
      %dma_wait3A_26 = tpu.memref_squeeze %dma_wait3A_25 : memref<1x125x80xi32, #tpu.memory_space<hbm>> -> memref<125x80xi32, #tpu.memory_space<hbm>>
      %dma_wait3A_27 = arith.constant 0 : i32
      %dma_wait3A_28 = arith.constant 0 : i32
      %dma_wait3A_29 = tpu.memref_slice %arg2[%add3A, %dma_wait3A_27, %dma_wait3A_28] : memref<32x125x80xi32, #tpu.memory_space<hbm>> -> memref<1x125x80xi32, #tpu.memory_space<hbm>>
      %dma_wait3A_30 = tpu.memref_squeeze %dma_wait3A_29 : memref<1x125x80xi32, #tpu.memory_space<hbm>> -> memref<125x80xi32, #tpu.memory_space<hbm>>
      tpu.wait_dma2 semaphore(%run_scoped3A : memref<!tpu.dma_semaphore, #tpu.memory_space<semaphore_mem>>) src(%dma_wait3A_30 : memref<125x80xi32, #tpu.memory_space<hbm>>) dst(%arg6 : memref<125x80xi32, #tpu.memory_space<vmem>>)
      tpu.yield
    }) : () -> ()
    "tpu.region"() ({
      %run_scoped3A = tpu.sem_alloc : memref<!tpu.dma_semaphore, #tpu.memory_space<semaphore_mem>>
      tpu.enqueue_dma source(%arg3 : memref<80xf32, #tpu.memory_space<hbm>>) target(%arg7 : memref<80xf32, #tpu.memory_space<vmem>>) target_semaphore(%run_scoped3A : memref<!tpu.dma_semaphore, #tpu.memory_space<semaphore_mem>>)
      tpu.wait_dma2 semaphore(%run_scoped3A : memref<!tpu.dma_semaphore, #tpu.memory_space<semaphore_mem>>) src(%arg3 : memref<80xf32, #tpu.memory_space<hbm>>) dst(%arg7 : memref<80xf32, #tpu.memory_space<vmem>>)
      tpu.yield
    }) : () -> ()
    %mul3A_1 = arith.constant 640 : i32
    %mul3A_2 = arith.muli %arg1, %mul3A_1 : i32
    "tpu.region"() ({
      %run_scoped3A = tpu.sem_alloc : memref<!tpu.dma_semaphore, #tpu.memory_space<semaphore_mem>>
      %dma_start3A = tpu.memref_slice %arg4[%mul3A_2] : memref<10240xf32, #tpu.memory_space<hbm>> -> memref<640xf32, #tpu.memory_space<hbm>>
      %dma_start3A_17 = tpu.memref_slice %arg4[%mul3A_2] : memref<10240xf32, #tpu.memory_space<hbm>> -> memref<640xf32, #tpu.memory_space<hbm>>
      tpu.enqueue_dma source(%dma_start3A_17 : memref<640xf32, #tpu.memory_space<hbm>>) target(%arg8 : memref<640xf32, #tpu.memory_space<vmem>>) target_semaphore(%run_scoped3A : memref<!tpu.dma_semaphore, #tpu.memory_space<semaphore_mem>>)
      %dma_wait3A = tpu.memref_slice %arg4[%mul3A_2] : memref<10240xf32, #tpu.memory_space<hbm>> -> memref<640xf32, #tpu.memory_space<hbm>>
      %dma_wait3A_18 = tpu.memref_slice %arg4[%mul3A_2] : memref<10240xf32, #tpu.memory_space<hbm>> -> memref<640xf32, #tpu.memory_space<hbm>>
      tpu.wait_dma2 semaphore(%run_scoped3A : memref<!tpu.dma_semaphore, #tpu.memory_space<semaphore_mem>>) src(%dma_wait3A_18 : memref<640xf32, #tpu.memory_space<hbm>>) dst(%arg8 : memref<640xf32, #tpu.memory_space<vmem>>)
      tpu.yield
    }) : () -> ()
    %mul3A_3 = arith.constant 640 : i32
    %mul3A_4 = arith.muli %arg1, %mul3A_3 : i32
    "tpu.region"() ({
      %run_scoped3A = tpu.sem_alloc : memref<!tpu.dma_semaphore, #tpu.memory_space<semaphore_mem>>
      %dma_start3A = tpu.memref_slice %arg9[%mul3A_4] : memref<10240xf32, #tpu.memory_space<vmem_shared>> -> memref<640xf32, #tpu.memory_space<vmem_shared>>
      %dma_start3A_17 = tpu.memref_slice %arg9[%mul3A_4] : memref<10240xf32, #tpu.memory_space<vmem_shared>> -> memref<640xf32, #tpu.memory_space<vmem_shared>>
      tpu.enqueue_dma source(%arg8 : memref<640xf32, #tpu.memory_space<vmem>>) target(%dma_start3A_17 : memref<640xf32, #tpu.memory_space<vmem_shared>>) target_semaphore(%run_scoped3A : memref<!tpu.dma_semaphore, #tpu.memory_space<semaphore_mem>>)
      %dma_wait3A = tpu.memref_slice %arg9[%mul3A_4] : memref<10240xf32, #tpu.memory_space<vmem_shared>> -> memref<640xf32, #tpu.memory_space<vmem_shared>>
      %dma_wait3A_18 = tpu.memref_slice %arg9[%mul3A_4] : memref<10240xf32, #tpu.memory_space<vmem_shared>> -> memref<640xf32, #tpu.memory_space<vmem_shared>>
      tpu.wait_dma2 semaphore(%run_scoped3A : memref<!tpu.dma_semaphore, #tpu.memory_space<semaphore_mem>>) src(%arg8 : memref<640xf32, #tpu.memory_space<vmem>>) dst(%dma_wait3A_18 : memref<640xf32, #tpu.memory_space<vmem_shared>>)
      tpu.yield
    }) : () -> ()
    %barrier3A = arith.constant 0 : index
    tpu.barrier barrier_id(%barrier3A)
    %scan3A = arith.constant 0 : i32
    %scan3A_5 = arith.constant 125 : i32
    %scan3A_6 = arith.addi %scan3A, %scan3A_5 : i32
    %scan3A_7 = arith.constant 1 : i32
    scf.for %scan3A_17 = %scan3A to %scan3A_6 step %scan3A_7  : i32 {
      %mul3A_18 = arith.constant 1 : i32
      %mul3A_19 = arith.muli %scan3A_17, %mul3A_18 : i32
      %add3A_20 = arith.constant 0 : i32
      %add3A_21 = arith.addi %add3A_20, %mul3A_19 : i32
      "tpu.region"() ({
        %run_scoped3A = tpu.sem_alloc : memref<!tpu.dma_semaphore, #tpu.memory_space<semaphore_mem>>
        %dma_start3A = arith.constant 0 : i32
        %dma_start3A_22 = tpu.memref_slice %arg6[%add3A_21, %dma_start3A] : memref<125x80xi32, #tpu.memory_space<vmem>> -> memref<1x80xi32, #tpu.memory_space<vmem>>
        %dma_start3A_23 = tpu.memref_squeeze %dma_start3A_22 : memref<1x80xi32, #tpu.memory_space<vmem>> -> memref<80xi32, #tpu.memory_space<vmem>>
        %dma_start3A_24 = arith.constant 0 : i32
        %dma_start3A_25 = tpu.memref_slice %arg9[%dma_start3A_24] : memref<10240xf32, #tpu.memory_space<vmem_shared>> -> memref<10240xf32, #tpu.memory_space<vmem_shared>>
        tpu.enqueue_indirect_dma source(%arg7 : memref<80xf32, #tpu.memory_space<vmem>>) target(%dma_start3A_25 : memref<10240xf32, #tpu.memory_space<vmem_shared>>) offsets(%dma_start3A_23 : memref<80xi32, #tpu.memory_space<vmem>>) semaphore(%run_scoped3A : memref<!tpu.dma_semaphore, #tpu.memory_space<semaphore_mem>>) {add = true}
        %dma_wait3A = arith.constant 0 : i32
        %dma_wait3A_26 = tpu.memref_slice %arg6[%add3A_21, %dma_wait3A] : memref<125x80xi32, #tpu.memory_space<vmem>> -> memref<1x80xi32, #tpu.memory_space<vmem>>
        %dma_wait3A_27 = tpu.memref_squeeze %dma_wait3A_26 : memref<1x80xi32, #tpu.memory_space<vmem>> -> memref<80xi32, #tpu.memory_space<vmem>>
        %dma_wait3A_28 = arith.constant 0 : i32
        %dma_wait3A_29 = tpu.memref_slice %arg9[%dma_wait3A_28] : memref<10240xf32, #tpu.memory_space<vmem_shared>> -> memref<10240xf32, #tpu.memory_space<vmem_shared>>
        tpu.wait_indirect_dma semaphore(%run_scoped3A : memref<!tpu.dma_semaphore, #tpu.memory_space<semaphore_mem>>) src(%arg7 : memref<80xf32, #tpu.memory_space<vmem>>) dst(%dma_wait3A_29 : memref<10240xf32, #tpu.memory_space<vmem_shared>>)
        tpu.yield
      }) : () -> ()
    }
    %scan3A_8 = arith.constant 125 : i32
    %barrier3A_9 = arith.constant 0 : index
    tpu.barrier barrier_id(%barrier3A_9)
    %mul3A_10 = arith.constant 640 : i32
    %mul3A_11 = arith.muli %arg1, %mul3A_10 : i32
    "tpu.region"() ({
      %run_scoped3A = tpu.sem_alloc : memref<!tpu.dma_semaphore, #tpu.memory_space<semaphore_mem>>
      %dma_start3A = tpu.memref_slice %arg9[%mul3A_11] : memref<10240xf32, #tpu.memory_space<vmem_shared>> -> memref<640xf32, #tpu.memory_space<vmem_shared>>
      %dma_start3A_17 = tpu.memref_slice %arg9[%mul3A_11] : memref<10240xf32, #tpu.memory_space<vmem_shared>> -> memref<640xf32, #tpu.memory_space<vmem_shared>>
      tpu.enqueue_dma source(%dma_start3A_17 : memref<640xf32, #tpu.memory_space<vmem_shared>>) target(%arg8 : memref<640xf32, #tpu.memory_space<vmem>>) target_semaphore(%run_scoped3A : memref<!tpu.dma_semaphore, #tpu.memory_space<semaphore_mem>>)
      %dma_wait3A = tpu.memref_slice %arg9[%mul3A_11] : memref<10240xf32, #tpu.memory_space<vmem_shared>> -> memref<640xf32, #tpu.memory_space<vmem_shared>>
      %dma_wait3A_18 = tpu.memref_slice %arg9[%mul3A_11] : memref<10240xf32, #tpu.memory_space<vmem_shared>> -> memref<640xf32, #tpu.memory_space<vmem_shared>>
      tpu.wait_dma2 semaphore(%run_scoped3A : memref<!tpu.dma_semaphore, #tpu.memory_space<semaphore_mem>>) src(%dma_wait3A_18 : memref<640xf32, #tpu.memory_space<vmem_shared>>) dst(%arg8 : memref<640xf32, #tpu.memory_space<vmem>>)
      tpu.yield
    }) : () -> ()
    %mul3A_12 = arith.constant 10240 : i32
    %mul3A_13 = arith.muli %arg0, %mul3A_12 : i32
    %mul3A_14 = arith.constant 640 : i32
    %mul3A_15 = arith.muli %arg1, %mul3A_14 : i32
    %add3A_16 = arith.addi %mul3A_13, %mul3A_15 : i32
    "tpu.region"() ({
      %run_scoped3A = tpu.sem_alloc : memref<!tpu.dma_semaphore, #tpu.memory_space<semaphore_mem>>
      %dma_start3A = tpu.memref_slice %arg5[%add3A_16] : memref<20480xf32, #tpu.memory_space<hbm>> -> memref<640xf32, #tpu.memory_space<hbm>>
      %dma_start3A_17 = tpu.memref_slice %arg5[%add3A_16] : memref<20480xf32, #tpu.memory_space<hbm>> -> memref<640xf32, #tpu.memory_space<hbm>>
      tpu.enqueue_dma source(%arg8 : memref<640xf32, #tpu.memory_space<vmem>>) target(%dma_start3A_17 : memref<640xf32, #tpu.memory_space<hbm>>) target_semaphore(%run_scoped3A : memref<!tpu.dma_semaphore, #tpu.memory_space<semaphore_mem>>)
      %dma_wait3A = tpu.memref_slice %arg5[%add3A_16] : memref<20480xf32, #tpu.memory_space<hbm>> -> memref<640xf32, #tpu.memory_space<hbm>>
      %dma_wait3A_18 = tpu.memref_slice %arg5[%add3A_16] : memref<20480xf32, #tpu.memory_space<hbm>> -> memref<640xf32, #tpu.memory_space<hbm>>
      tpu.wait_dma2 semaphore(%run_scoped3A : memref<!tpu.dma_semaphore, #tpu.memory_space<semaphore_mem>>) src(%arg8 : memref<640xf32, #tpu.memory_space<vmem>>) dst(%dma_wait3A_18 : memref<640xf32, #tpu.memory_space<hbm>>)
      tpu.yield
    }) : () -> ()
    return
  }
}

#map = affine_map<(d0, d1) -> (0, 0)>
#map1 = affine_map<(d0, d1) -> (0, 0, 0, 0, 0)>
module attributes {stable_mosaic.version = 14 : i64} {
  func.func @_sc_gather_scatter(%arg0: i32, %arg1: i32, %arg2: memref<10000x128xf32, #tpu.memory_space<hbm>>, %arg3: memref<32x2x40x2x125xi32, #tpu.memory_space<hbm>>, %arg4: memref<10240x128xf32, #tpu.memory_space<hbm>>, %arg5: memref<20480x128xf32, #tpu.memory_space<hbm>>, %arg6: memref<40x2x125xi32, #tpu.memory_space<vmem>>, %arg7: memref<125x128xf32, #tpu.memory_space<vmem>>, %arg8: memref<125x128xf32, #tpu.memory_space<vmem>>, %arg9: memref<10240x128xf32, #tpu.memory_space<vmem_shared>>, %arg10: memref<!tpu.dma_semaphore, #tpu.memory_space<semaphore_mem>>, %arg11: memref<!tpu.dma_semaphore, #tpu.memory_space<semaphore_mem>>) attributes {dimension_semantics = [#tpu.dimension_semantics<core_parallel>, #tpu.dimension_semantics<subcore_parallel>], iteration_bounds = array<i64: 2, 16>, scalar_prefetch = 0 : i64, scratch_operands = 6 : i64, tpu.core_type = #tpu.core_type<sc_vector_subcore>, window_params = [{transform_indices = #map}, {transform_indices = #map1}, {transform_indices = #map}, {transform_indices = #map}]} {
    %mul3A = arith.constant 16 : i32
    %mul3A_0 = arith.muli %arg0, %mul3A : i32
    %add3A = arith.addi %mul3A_0, %arg1 : i32
    %mul3A_1 = arith.constant 640 : i32
    %mul3A_2 = arith.muli %arg1, %mul3A_1 : i32
    %mul3A_3 = arith.constant 640 : i32
    %mul3A_4 = arith.muli %arg1, %mul3A_3 : i32
    "tpu.region"() ({
      %run_scoped3A = tpu.sem_alloc : memref<!tpu.dma_semaphore, #tpu.memory_space<semaphore_mem>>
      %dma_start3A = arith.constant 0 : i32
      %dma_start3A_17 = tpu.memref_slice %arg9[%mul3A_4, %dma_start3A] : memref<10240x128xf32, #tpu.memory_space<vmem_shared>> -> memref<640x128xf32, #tpu.memory_space<vmem_shared>>
      %dma_start3A_18 = arith.constant 0 : i32
      %dma_start3A_19 = tpu.memref_slice %arg4[%mul3A_2, %dma_start3A_18] : memref<10240x128xf32, #tpu.memory_space<hbm>> -> memref<640x128xf32, #tpu.memory_space<hbm>>
      tpu.enqueue_dma source(%dma_start3A_19 : memref<640x128xf32, #tpu.memory_space<hbm>>) target(%dma_start3A_17 : memref<640x128xf32, #tpu.memory_space<vmem_shared>>) target_semaphore(%run_scoped3A : memref<!tpu.dma_semaphore, #tpu.memory_space<semaphore_mem>>)
      %dma_wait3A = arith.constant 0 : i32
      %dma_wait3A_20 = tpu.memref_slice %arg9[%mul3A_4, %dma_wait3A] : memref<10240x128xf32, #tpu.memory_space<vmem_shared>> -> memref<640x128xf32, #tpu.memory_space<vmem_shared>>
      %dma_wait3A_21 = arith.constant 0 : i32
      %dma_wait3A_22 = tpu.memref_slice %arg4[%mul3A_2, %dma_wait3A_21] : memref<10240x128xf32, #tpu.memory_space<hbm>> -> memref<640x128xf32, #tpu.memory_space<hbm>>
      tpu.wait_dma2 semaphore(%run_scoped3A : memref<!tpu.dma_semaphore, #tpu.memory_space<semaphore_mem>>) src(%dma_wait3A_22 : memref<640x128xf32, #tpu.memory_space<hbm>>) dst(%dma_wait3A_20 : memref<640x128xf32, #tpu.memory_space<vmem_shared>>)
      tpu.yield
    }) : () -> ()
    %barrier3A = arith.constant 0 : index
    tpu.barrier barrier_id(%barrier3A)
    %scan3A = arith.constant 0 : i32
    %scan3A_5 = arith.constant 2 : i32
    %scan3A_6 = arith.addi %scan3A, %scan3A_5 : i32
    %scan3A_7 = arith.constant 1 : i32
    scf.for %scan3A_17 = %scan3A to %scan3A_6 step %scan3A_7  : i32 {
      %mul3A_18 = arith.constant 1 : i32
      %mul3A_19 = arith.muli %scan3A_17, %mul3A_18 : i32
      %add3A_20 = arith.constant 0 : i32
      %add3A_21 = arith.addi %add3A_20, %mul3A_19 : i32
      "tpu.region"() ({
        %run_scoped3A = tpu.sem_alloc : memref<!tpu.dma_semaphore, #tpu.memory_space<semaphore_mem>>
        %dma_start3A = arith.constant 0 : i32
        %dma_start3A_27 = arith.constant 0 : i32
        %dma_start3A_28 = arith.constant 0 : i32
        %dma_start3A_29 = tpu.memref_slice %arg3[%add3A, %add3A_21, %dma_start3A, %dma_start3A_27, %dma_start3A_28] : memref<32x2x40x2x125xi32, #tpu.memory_space<hbm>> -> memref<1x1x40x2x125xi32, #tpu.memory_space<hbm>>
        %dma_start3A_30 = tpu.memref_squeeze %dma_start3A_29 : memref<1x1x40x2x125xi32, #tpu.memory_space<hbm>> -> memref<40x2x125xi32, #tpu.memory_space<hbm>>
        %dma_start3A_31 = arith.constant 0 : i32
        %dma_start3A_32 = arith.constant 0 : i32
        %dma_start3A_33 = arith.constant 0 : i32
        %dma_start3A_34 = tpu.memref_slice %arg3[%add3A, %add3A_21, %dma_start3A_31, %dma_start3A_32, %dma_start3A_33] : memref<32x2x40x2x125xi32, #tpu.memory_space<hbm>> -> memref<1x1x40x2x125xi32, #tpu.memory_space<hbm>>
        %dma_start3A_35 = tpu.memref_squeeze %dma_start3A_34 : memref<1x1x40x2x125xi32, #tpu.memory_space<hbm>> -> memref<40x2x125xi32, #tpu.memory_space<hbm>>
        tpu.enqueue_dma source(%dma_start3A_35 : memref<40x2x125xi32, #tpu.memory_space<hbm>>) target(%arg6 : memref<40x2x125xi32, #tpu.memory_space<vmem>>) target_semaphore(%run_scoped3A : memref<!tpu.dma_semaphore, #tpu.memory_space<semaphore_mem>>)
        %dma_wait3A = arith.constant 0 : i32
        %dma_wait3A_36 = arith.constant 0 : i32
        %dma_wait3A_37 = arith.constant 0 : i32
        %dma_wait3A_38 = tpu.memref_slice %arg3[%add3A, %add3A_21, %dma_wait3A, %dma_wait3A_36, %dma_wait3A_37] : memref<32x2x40x2x125xi32, #tpu.memory_space<hbm>> -> memref<1x1x40x2x125xi32, #tpu.memory_space<hbm>>
        %dma_wait3A_39 = tpu.memref_squeeze %dma_wait3A_38 : memref<1x1x40x2x125xi32, #tpu.memory_space<hbm>> -> memref<40x2x125xi32, #tpu.memory_space<hbm>>
        %dma_wait3A_40 = arith.constant 0 : i32
        %dma_wait3A_41 = arith.constant 0 : i32
        %dma_wait3A_42 = arith.constant 0 : i32
        %dma_wait3A_43 = tpu.memref_slice %arg3[%add3A, %add3A_21, %dma_wait3A_40, %dma_wait3A_41, %dma_wait3A_42] : memref<32x2x40x2x125xi32, #tpu.memory_space<hbm>> -> memref<1x1x40x2x125xi32, #tpu.memory_space<hbm>>
        %dma_wait3A_44 = tpu.memref_squeeze %dma_wait3A_43 : memref<1x1x40x2x125xi32, #tpu.memory_space<hbm>> -> memref<40x2x125xi32, #tpu.memory_space<hbm>>
        tpu.wait_dma2 semaphore(%run_scoped3A : memref<!tpu.dma_semaphore, #tpu.memory_space<semaphore_mem>>) src(%dma_wait3A_44 : memref<40x2x125xi32, #tpu.memory_space<hbm>>) dst(%arg6 : memref<40x2x125xi32, #tpu.memory_space<vmem>>)
        tpu.yield
      }) : () -> ()
      %scan3A_22 = arith.constant 0 : i32
      %scan3A_23 = arith.constant 20 : i32
      %scan3A_24 = arith.addi %scan3A_22, %scan3A_23 : i32
      %scan3A_25 = arith.constant 1 : i32
      scf.for %scan3A_27 = %scan3A_22 to %scan3A_24 step %scan3A_25  : i32 {
        %mul3A_28 = arith.constant 2 : i32
        %mul3A_29 = arith.muli %scan3A_27, %mul3A_28 : i32
        %add3A_30 = arith.constant 0 : i32
        %add3A_31 = arith.addi %add3A_30, %mul3A_29 : i32
        %dma_start3A = arith.constant 0 : i32
        %dma_start3A_32 = arith.constant 0 : i32
        %dma_start3A_33 = tpu.memref_slice %arg6[%add3A_31, %dma_start3A, %dma_start3A_32] : memref<40x2x125xi32, #tpu.memory_space<vmem>> -> memref<1x1x125xi32, #tpu.memory_space<vmem>>
        %dma_start3A_34 = tpu.memref_squeeze %dma_start3A_33 : memref<1x1x125xi32, #tpu.memory_space<vmem>> -> memref<125xi32, #tpu.memory_space<vmem>>
        %dma_start3A_35 = arith.constant 0 : i32
        %dma_start3A_36 = arith.constant 0 : i32
        %dma_start3A_37 = tpu.memref_slice %arg2[%dma_start3A_35, %dma_start3A_36] : memref<10000x128xf32, #tpu.memory_space<hbm>> -> memref<10000x128xf32, #tpu.memory_space<hbm>>
        tpu.enqueue_indirect_dma source(%dma_start3A_37 : memref<10000x128xf32, #tpu.memory_space<hbm>>) target(%arg7 : memref<125x128xf32, #tpu.memory_space<vmem>>) offsets(%dma_start3A_34 : memref<125xi32, #tpu.memory_space<vmem>>) semaphore(%arg10 : memref<!tpu.dma_semaphore, #tpu.memory_space<semaphore_mem>>)
        %add3A_38 = arith.constant 1 : i32
        %add3A_39 = arith.addi %add3A_31, %add3A_38 : i32
        %dma_start3A_40 = arith.constant 0 : i32
        %dma_start3A_41 = arith.constant 0 : i32
        %dma_start3A_42 = tpu.memref_slice %arg6[%add3A_39, %dma_start3A_40, %dma_start3A_41] : memref<40x2x125xi32, #tpu.memory_space<vmem>> -> memref<1x1x125xi32, #tpu.memory_space<vmem>>
        %dma_start3A_43 = tpu.memref_squeeze %dma_start3A_42 : memref<1x1x125xi32, #tpu.memory_space<vmem>> -> memref<125xi32, #tpu.memory_space<vmem>>
        %dma_start3A_44 = arith.constant 0 : i32
        %dma_start3A_45 = arith.constant 0 : i32
        %dma_start3A_46 = tpu.memref_slice %arg2[%dma_start3A_44, %dma_start3A_45] : memref<10000x128xf32, #tpu.memory_space<hbm>> -> memref<10000x128xf32, #tpu.memory_space<hbm>>
        tpu.enqueue_indirect_dma source(%dma_start3A_46 : memref<10000x128xf32, #tpu.memory_space<hbm>>) target(%arg8 : memref<125x128xf32, #tpu.memory_space<vmem>>) offsets(%dma_start3A_43 : memref<125xi32, #tpu.memory_space<vmem>>) semaphore(%arg11 : memref<!tpu.dma_semaphore, #tpu.memory_space<semaphore_mem>>)
        %dma_wait3A = arith.constant 0 : i32
        %dma_wait3A_47 = arith.constant 0 : i32
        %dma_wait3A_48 = tpu.memref_slice %arg6[%add3A_31, %dma_wait3A, %dma_wait3A_47] : memref<40x2x125xi32, #tpu.memory_space<vmem>> -> memref<1x1x125xi32, #tpu.memory_space<vmem>>
        %dma_wait3A_49 = tpu.memref_squeeze %dma_wait3A_48 : memref<1x1x125xi32, #tpu.memory_space<vmem>> -> memref<125xi32, #tpu.memory_space<vmem>>
        %dma_wait3A_50 = arith.constant 0 : i32
        %dma_wait3A_51 = arith.constant 0 : i32
        %dma_wait3A_52 = tpu.memref_slice %arg2[%dma_wait3A_50, %dma_wait3A_51] : memref<10000x128xf32, #tpu.memory_space<hbm>> -> memref<10000x128xf32, #tpu.memory_space<hbm>>
        tpu.wait_indirect_dma semaphore(%arg10 : memref<!tpu.dma_semaphore, #tpu.memory_space<semaphore_mem>>) src(%dma_wait3A_52 : memref<10000x128xf32, #tpu.memory_space<hbm>>) dst(%arg7 : memref<125x128xf32, #tpu.memory_space<vmem>>)
        %run_scoped3A = arith.constant 1 : i32
        "tpu.region"() ({
          %run_scoped3A_63 = tpu.sem_alloc : memref<!tpu.dma_semaphore, #tpu.memory_space<semaphore_mem>>
          %dma_start3A_64 = arith.constant 0 : i32
          %dma_start3A_65 = tpu.memref_slice %arg6[%add3A_31, %run_scoped3A, %dma_start3A_64] : memref<40x2x125xi32, #tpu.memory_space<vmem>> -> memref<1x1x125xi32, #tpu.memory_space<vmem>>
          %dma_start3A_66 = tpu.memref_squeeze %dma_start3A_65 : memref<1x1x125xi32, #tpu.memory_space<vmem>> -> memref<125xi32, #tpu.memory_space<vmem>>
          %dma_start3A_67 = arith.constant 0 : i32
          %dma_start3A_68 = arith.constant 0 : i32
          %dma_start3A_69 = tpu.memref_slice %arg9[%dma_start3A_67, %dma_start3A_68] : memref<10240x128xf32, #tpu.memory_space<vmem_shared>> -> memref<10240x128xf32, #tpu.memory_space<vmem_shared>>
          tpu.enqueue_indirect_dma source(%arg7 : memref<125x128xf32, #tpu.memory_space<vmem>>) target(%dma_start3A_69 : memref<10240x128xf32, #tpu.memory_space<vmem_shared>>) offsets(%dma_start3A_66 : memref<125xi32, #tpu.memory_space<vmem>>) semaphore(%run_scoped3A_63 : memref<!tpu.dma_semaphore, #tpu.memory_space<semaphore_mem>>) {add = true}
          %dma_wait3A_70 = arith.constant 0 : i32
          %dma_wait3A_71 = tpu.memref_slice %arg6[%add3A_31, %run_scoped3A, %dma_wait3A_70] : memref<40x2x125xi32, #tpu.memory_space<vmem>> -> memref<1x1x125xi32, #tpu.memory_space<vmem>>
          %dma_wait3A_72 = tpu.memref_squeeze %dma_wait3A_71 : memref<1x1x125xi32, #tpu.memory_space<vmem>> -> memref<125xi32, #tpu.memory_space<vmem>>
          %dma_wait3A_73 = arith.constant 0 : i32
          %dma_wait3A_74 = arith.constant 0 : i32
          %dma_wait3A_75 = tpu.memref_slice %arg9[%dma_wait3A_73, %dma_wait3A_74] : memref<10240x128xf32, #tpu.memory_space<vmem_shared>> -> memref<10240x128xf32, #tpu.memory_space<vmem_shared>>
          tpu.wait_indirect_dma semaphore(%run_scoped3A_63 : memref<!tpu.dma_semaphore, #tpu.memory_space<semaphore_mem>>) src(%arg7 : memref<125x128xf32, #tpu.memory_space<vmem>>) dst(%dma_wait3A_75 : memref<10240x128xf32, #tpu.memory_space<vmem_shared>>)
          tpu.yield
        }) : () -> ()
        %dma_wait3A_53 = arith.constant 0 : i32
        %dma_wait3A_54 = arith.constant 0 : i32
        %dma_wait3A_55 = tpu.memref_slice %arg6[%add3A_39, %dma_wait3A_53, %dma_wait3A_54] : memref<40x2x125xi32, #tpu.memory_space<vmem>> -> memref<1x1x125xi32, #tpu.memory_space<vmem>>
        %dma_wait3A_56 = tpu.memref_squeeze %dma_wait3A_55 : memref<1x1x125xi32, #tpu.memory_space<vmem>> -> memref<125xi32, #tpu.memory_space<vmem>>
        %dma_wait3A_57 = arith.constant 0 : i32
        %dma_wait3A_58 = arith.constant 0 : i32
        %dma_wait3A_59 = tpu.memref_slice %arg2[%dma_wait3A_57, %dma_wait3A_58] : memref<10000x128xf32, #tpu.memory_space<hbm>> -> memref<10000x128xf32, #tpu.memory_space<hbm>>
        tpu.wait_indirect_dma semaphore(%arg11 : memref<!tpu.dma_semaphore, #tpu.memory_space<semaphore_mem>>) src(%dma_wait3A_59 : memref<10000x128xf32, #tpu.memory_space<hbm>>) dst(%arg8 : memref<125x128xf32, #tpu.memory_space<vmem>>)
        %add3A_60 = arith.constant 1 : i32
        %add3A_61 = arith.addi %add3A_31, %add3A_60 : i32
        %run_scoped3A_62 = arith.constant 1 : i32
        "tpu.region"() ({
          %run_scoped3A_63 = tpu.sem_alloc : memref<!tpu.dma_semaphore, #tpu.memory_space<semaphore_mem>>
          %dma_start3A_64 = arith.constant 0 : i32
          %dma_start3A_65 = tpu.memref_slice %arg6[%add3A_61, %run_scoped3A_62, %dma_start3A_64] : memref<40x2x125xi32, #tpu.memory_space<vmem>> -> memref<1x1x125xi32, #tpu.memory_space<vmem>>
          %dma_start3A_66 = tpu.memref_squeeze %dma_start3A_65 : memref<1x1x125xi32, #tpu.memory_space<vmem>> -> memref<125xi32, #tpu.memory_space<vmem>>
          %dma_start3A_67 = arith.constant 0 : i32
          %dma_start3A_68 = arith.constant 0 : i32
          %dma_start3A_69 = tpu.memref_slice %arg9[%dma_start3A_67, %dma_start3A_68] : memref<10240x128xf32, #tpu.memory_space<vmem_shared>> -> memref<10240x128xf32, #tpu.memory_space<vmem_shared>>
          tpu.enqueue_indirect_dma source(%arg8 : memref<125x128xf32, #tpu.memory_space<vmem>>) target(%dma_start3A_69 : memref<10240x128xf32, #tpu.memory_space<vmem_shared>>) offsets(%dma_start3A_66 : memref<125xi32, #tpu.memory_space<vmem>>) semaphore(%run_scoped3A_63 : memref<!tpu.dma_semaphore, #tpu.memory_space<semaphore_mem>>) {add = true}
          %dma_wait3A_70 = arith.constant 0 : i32
          %dma_wait3A_71 = tpu.memref_slice %arg6[%add3A_61, %run_scoped3A_62, %dma_wait3A_70] : memref<40x2x125xi32, #tpu.memory_space<vmem>> -> memref<1x1x125xi32, #tpu.memory_space<vmem>>
          %dma_wait3A_72 = tpu.memref_squeeze %dma_wait3A_71 : memref<1x1x125xi32, #tpu.memory_space<vmem>> -> memref<125xi32, #tpu.memory_space<vmem>>
          %dma_wait3A_73 = arith.constant 0 : i32
          %dma_wait3A_74 = arith.constant 0 : i32
          %dma_wait3A_75 = tpu.memref_slice %arg9[%dma_wait3A_73, %dma_wait3A_74] : memref<10240x128xf32, #tpu.memory_space<vmem_shared>> -> memref<10240x128xf32, #tpu.memory_space<vmem_shared>>
          tpu.wait_indirect_dma semaphore(%run_scoped3A_63 : memref<!tpu.dma_semaphore, #tpu.memory_space<semaphore_mem>>) src(%arg8 : memref<125x128xf32, #tpu.memory_space<vmem>>) dst(%dma_wait3A_75 : memref<10240x128xf32, #tpu.memory_space<vmem_shared>>)
          tpu.yield
        }) : () -> ()
      }
      %scan3A_26 = arith.constant 20 : i32
    }
    %scan3A_8 = arith.constant 2 : i32
    %barrier3A_9 = arith.constant 0 : index
    tpu.barrier barrier_id(%barrier3A_9)
    %mul3A_10 = arith.constant 640 : i32
    %mul3A_11 = arith.muli %arg1, %mul3A_10 : i32
    %mul3A_12 = arith.constant 10240 : i32
    %mul3A_13 = arith.muli %arg0, %mul3A_12 : i32
    %mul3A_14 = arith.constant 640 : i32
    %mul3A_15 = arith.muli %arg1, %mul3A_14 : i32
    %add3A_16 = arith.addi %mul3A_13, %mul3A_15 : i32
    "tpu.region"() ({
      %run_scoped3A = tpu.sem_alloc : memref<!tpu.dma_semaphore, #tpu.memory_space<semaphore_mem>>
      %dma_start3A = arith.constant 0 : i32
      %dma_start3A_17 = tpu.memref_slice %arg5[%add3A_16, %dma_start3A] : memref<20480x128xf32, #tpu.memory_space<hbm>> -> memref<640x128xf32, #tpu.memory_space<hbm>>
      %dma_start3A_18 = arith.constant 0 : i32
      %dma_start3A_19 = tpu.memref_slice %arg9[%mul3A_11, %dma_start3A_18] : memref<10240x128xf32, #tpu.memory_space<vmem_shared>> -> memref<640x128xf32, #tpu.memory_space<vmem_shared>>
      tpu.enqueue_dma source(%dma_start3A_19 : memref<640x128xf32, #tpu.memory_space<vmem_shared>>) target(%dma_start3A_17 : memref<640x128xf32, #tpu.memory_space<hbm>>) target_semaphore(%run_scoped3A : memref<!tpu.dma_semaphore, #tpu.memory_space<semaphore_mem>>)
      %dma_wait3A = arith.constant 0 : i32
      %dma_wait3A_20 = tpu.memref_slice %arg5[%add3A_16, %dma_wait3A] : memref<20480x128xf32, #tpu.memory_space<hbm>> -> memref<640x128xf32, #tpu.memory_space<hbm>>
      %dma_wait3A_21 = arith.constant 0 : i32
      %dma_wait3A_22 = tpu.memref_slice %arg9[%mul3A_11, %dma_wait3A_21] : memref<10240x128xf32, #tpu.memory_space<vmem_shared>> -> memref<640x128xf32, #tpu.memory_space<vmem_shared>>
      tpu.wait_dma2 semaphore(%run_scoped3A : memref<!tpu.dma_semaphore, #tpu.memory_space<semaphore_mem>>) src(%dma_wait3A_22 : memref<640x128xf32, #tpu.memory_space<vmem_shared>>) dst(%dma_wait3A_20 : memref<640x128xf32, #tpu.memory_space<hbm>>)
      tpu.yield
    }) : () -> ()
    return
  }
}

#map = affine_map<(d0, d1) -> (0, 0)>
#map1 = affine_map<(d0, d1) -> (0, 0, 0, 0, 0)>
module attributes {stable_mosaic.version = 14 : i64} {
  func.func @_sc_gather_scatter(%arg0: i32, %arg1: i32, %arg2: memref<10000x128xf32, #tpu.memory_space<hbm>>, %arg3: memref<32x2x40x2x125xi32, #tpu.memory_space<hbm>>, %arg4: memref<10240x128xf32, #tpu.memory_space<hbm>>, %arg5: memref<20480x128xf32, #tpu.memory_space<hbm>>, %arg6: memref<40x2x125xi32, #tpu.memory_space<vmem>>, %arg7: memref<125x128xf32, #tpu.memory_space<vmem>>, %arg8: memref<125x128xf32, #tpu.memory_space<vmem>>, %arg9: memref<10240x128xf32, #tpu.memory_space<vmem_shared>>, %arg10: memref<!tpu.dma_semaphore, #tpu.memory_space<semaphore_mem>>, %arg11: memref<!tpu.dma_semaphore, #tpu.memory_space<semaphore_mem>>) attributes {dimension_semantics = [#tpu.dimension_semantics<core_parallel>, #tpu.dimension_semantics<subcore_parallel>], iteration_bounds = array<i64: 2, 16>, scalar_prefetch = 0 : i64, scratch_operands = 6 : i64, tpu.core_type = #tpu.core_type<sc_vector_subcore>, window_params = [{transform_indices = #map}, {transform_indices = #map1}, {transform_indices = #map}, {transform_indices = #map}]} {
    %mul3A = arith.constant 16 : i32
    %mul3A_0 = arith.muli %arg0, %mul3A : i32
    %add3A = arith.addi %mul3A_0, %arg1 : i32
    %mul3A_1 = arith.constant 640 : i32
    %mul3A_2 = arith.muli %arg1, %mul3A_1 : i32
    %mul3A_3 = arith.constant 640 : i32
    %mul3A_4 = arith.muli %arg1, %mul3A_3 : i32
    "tpu.region"() ({
      %run_scoped3A = tpu.sem_alloc : memref<!tpu.dma_semaphore, #tpu.memory_space<semaphore_mem>>
      %dma_start3A = arith.constant 0 : i32
      %dma_start3A_17 = tpu.memref_slice %arg9[%mul3A_4, %dma_start3A] : memref<10240x128xf32, #tpu.memory_space<vmem_shared>> -> memref<640x128xf32, #tpu.memory_space<vmem_shared>>
      %dma_start3A_18 = arith.constant 0 : i32
      %dma_start3A_19 = tpu.memref_slice %arg4[%mul3A_2, %dma_start3A_18] : memref<10240x128xf32, #tpu.memory_space<hbm>> -> memref<640x128xf32, #tpu.memory_space<hbm>>
      tpu.enqueue_dma source(%dma_start3A_19 : memref<640x128xf32, #tpu.memory_space<hbm>>) target(%dma_start3A_17 : memref<640x128xf32, #tpu.memory_space<vmem_shared>>) target_semaphore(%run_scoped3A : memref<!tpu.dma_semaphore, #tpu.memory_space<semaphore_mem>>)
      %dma_wait3A = arith.constant 0 : i32
      %dma_wait3A_20 = tpu.memref_slice %arg9[%mul3A_4, %dma_wait3A] : memref<10240x128xf32, #tpu.memory_space<vmem_shared>> -> memref<640x128xf32, #tpu.memory_space<vmem_shared>>
      %dma_wait3A_21 = arith.constant 0 : i32
      %dma_wait3A_22 = tpu.memref_slice %arg4[%mul3A_2, %dma_wait3A_21] : memref<10240x128xf32, #tpu.memory_space<hbm>> -> memref<640x128xf32, #tpu.memory_space<hbm>>
      tpu.wait_dma2 semaphore(%run_scoped3A : memref<!tpu.dma_semaphore, #tpu.memory_space<semaphore_mem>>) src(%dma_wait3A_22 : memref<640x128xf32, #tpu.memory_space<hbm>>) dst(%dma_wait3A_20 : memref<640x128xf32, #tpu.memory_space<vmem_shared>>)
      tpu.yield
    }) : () -> ()
    %barrier3A = arith.constant 0 : index
    tpu.barrier barrier_id(%barrier3A)
    %scan3A = arith.constant 0 : i32
    %scan3A_5 = arith.constant 2 : i32
    %scan3A_6 = arith.addi %scan3A, %scan3A_5 : i32
    %scan3A_7 = arith.constant 1 : i32
    scf.for %scan3A_17 = %scan3A to %scan3A_6 step %scan3A_7  : i32 {
      %mul3A_18 = arith.constant 1 : i32
      %mul3A_19 = arith.muli %scan3A_17, %mul3A_18 : i32
      %add3A_20 = arith.constant 0 : i32
      %add3A_21 = arith.addi %add3A_20, %mul3A_19 : i32
      "tpu.region"() ({
        %run_scoped3A = tpu.sem_alloc : memref<!tpu.dma_semaphore, #tpu.memory_space<semaphore_mem>>
        %dma_start3A = arith.constant 0 : i32
        %dma_start3A_27 = arith.constant 0 : i32
        %dma_start3A_28 = arith.constant 0 : i32
        %dma_start3A_29 = tpu.memref_slice %arg3[%add3A, %add3A_21, %dma_start3A, %dma_start3A_27, %dma_start3A_28] : memref<32x2x40x2x125xi32, #tpu.memory_space<hbm>> -> memref<1x1x40x2x125xi32, #tpu.memory_space<hbm>>
        %dma_start3A_30 = tpu.memref_squeeze %dma_start3A_29 : memref<1x1x40x2x125xi32, #tpu.memory_space<hbm>> -> memref<40x2x125xi32, #tpu.memory_space<hbm>>
        %dma_start3A_31 = arith.constant 0 : i32
        %dma_start3A_32 = arith.constant 0 : i32
        %dma_start3A_33 = arith.constant 0 : i32
        %dma_start3A_34 = tpu.memref_slice %arg3[%add3A, %add3A_21, %dma_start3A_31, %dma_start3A_32, %dma_start3A_33] : memref<32x2x40x2x125xi32, #tpu.memory_space<hbm>> -> memref<1x1x40x2x125xi32, #tpu.memory_space<hbm>>
        %dma_start3A_35 = tpu.memref_squeeze %dma_start3A_34 : memref<1x1x40x2x125xi32, #tpu.memory_space<hbm>> -> memref<40x2x125xi32, #tpu.memory_space<hbm>>
        tpu.enqueue_dma source(%dma_start3A_35 : memref<40x2x125xi32, #tpu.memory_space<hbm>>) target(%arg6 : memref<40x2x125xi32, #tpu.memory_space<vmem>>) target_semaphore(%run_scoped3A : memref<!tpu.dma_semaphore, #tpu.memory_space<semaphore_mem>>)
        %dma_wait3A = arith.constant 0 : i32
        %dma_wait3A_36 = arith.constant 0 : i32
        %dma_wait3A_37 = arith.constant 0 : i32
        %dma_wait3A_38 = tpu.memref_slice %arg3[%add3A, %add3A_21, %dma_wait3A, %dma_wait3A_36, %dma_wait3A_37] : memref<32x2x40x2x125xi32, #tpu.memory_space<hbm>> -> memref<1x1x40x2x125xi32, #tpu.memory_space<hbm>>
        %dma_wait3A_39 = tpu.memref_squeeze %dma_wait3A_38 : memref<1x1x40x2x125xi32, #tpu.memory_space<hbm>> -> memref<40x2x125xi32, #tpu.memory_space<hbm>>
        %dma_wait3A_40 = arith.constant 0 : i32
        %dma_wait3A_41 = arith.constant 0 : i32
        %dma_wait3A_42 = arith.constant 0 : i32
        %dma_wait3A_43 = tpu.memref_slice %arg3[%add3A, %add3A_21, %dma_wait3A_40, %dma_wait3A_41, %dma_wait3A_42] : memref<32x2x40x2x125xi32, #tpu.memory_space<hbm>> -> memref<1x1x40x2x125xi32, #tpu.memory_space<hbm>>
        %dma_wait3A_44 = tpu.memref_squeeze %dma_wait3A_43 : memref<1x1x40x2x125xi32, #tpu.memory_space<hbm>> -> memref<40x2x125xi32, #tpu.memory_space<hbm>>
        tpu.wait_dma2 semaphore(%run_scoped3A : memref<!tpu.dma_semaphore, #tpu.memory_space<semaphore_mem>>) src(%dma_wait3A_44 : memref<40x2x125xi32, #tpu.memory_space<hbm>>) dst(%arg6 : memref<40x2x125xi32, #tpu.memory_space<vmem>>)
        tpu.yield
      }) : () -> ()
      %scan3A_22 = arith.constant 0 : i32
      %scan3A_23 = arith.constant 20 : i32
      %scan3A_24 = arith.addi %scan3A_22, %scan3A_23 : i32
      %scan3A_25 = arith.constant 1 : i32
      scf.for %scan3A_27 = %scan3A_22 to %scan3A_24 step %scan3A_25  : i32 {
        %mul3A_28 = arith.constant 2 : i32
        %mul3A_29 = arith.muli %scan3A_27, %mul3A_28 : i32
        %add3A_30 = arith.constant 0 : i32
        %add3A_31 = arith.addi %add3A_30, %mul3A_29 : i32
        %dma_start3A = arith.constant 0 : i32
        %dma_start3A_32 = arith.constant 0 : i32
        %dma_start3A_33 = tpu.memref_slice %arg6[%add3A_31, %dma_start3A, %dma_start3A_32] : memref<40x2x125xi32, #tpu.memory_space<vmem>> -> memref<1x1x125xi32, #tpu.memory_space<vmem>>
        %dma_start3A_34 = tpu.memref_squeeze %dma_start3A_33 : memref<1x1x125xi32, #tpu.memory_space<vmem>> -> memref<125xi32, #tpu.memory_space<vmem>>
        %dma_start3A_35 = arith.constant 0 : i32
        %dma_start3A_36 = arith.constant 0 : i32
        %dma_start3A_37 = tpu.memref_slice %arg2[%dma_start3A_35, %dma_start3A_36] : memref<10000x128xf32, #tpu.memory_space<hbm>> -> memref<10000x128xf32, #tpu.memory_space<hbm>>
        tpu.enqueue_indirect_dma source(%dma_start3A_37 : memref<10000x128xf32, #tpu.memory_space<hbm>>) target(%arg7 : memref<125x128xf32, #tpu.memory_space<vmem>>) offsets(%dma_start3A_34 : memref<125xi32, #tpu.memory_space<vmem>>) semaphore(%arg10 : memref<!tpu.dma_semaphore, #tpu.memory_space<semaphore_mem>>)
        %add3A_38 = arith.constant 1 : i32
        %add3A_39 = arith.addi %add3A_31, %add3A_38 : i32
        %dma_start3A_40 = arith.constant 0 : i32
        %dma_start3A_41 = arith.constant 0 : i32
        %dma_start3A_42 = tpu.memref_slice %arg6[%add3A_39, %dma_start3A_40, %dma_start3A_41] : memref<40x2x125xi32, #tpu.memory_space<vmem>> -> memref<1x1x125xi32, #tpu.memory_space<vmem>>
        %dma_start3A_43 = tpu.memref_squeeze %dma_start3A_42 : memref<1x1x125xi32, #tpu.memory_space<vmem>> -> memref<125xi32, #tpu.memory_space<vmem>>
        %dma_start3A_44 = arith.constant 0 : i32
        %dma_start3A_45 = arith.constant 0 : i32
        %dma_start3A_46 = tpu.memref_slice %arg2[%dma_start3A_44, %dma_start3A_45] : memref<10000x128xf32, #tpu.memory_space<hbm>> -> memref<10000x128xf32, #tpu.memory_space<hbm>>
        tpu.enqueue_indirect_dma source(%dma_start3A_46 : memref<10000x128xf32, #tpu.memory_space<hbm>>) target(%arg8 : memref<125x128xf32, #tpu.memory_space<vmem>>) offsets(%dma_start3A_43 : memref<125xi32, #tpu.memory_space<vmem>>) semaphore(%arg11 : memref<!tpu.dma_semaphore, #tpu.memory_space<semaphore_mem>>)
        %dma_wait3A = arith.constant 0 : i32
        %dma_wait3A_47 = arith.constant 0 : i32
        %dma_wait3A_48 = tpu.memref_slice %arg6[%add3A_31, %dma_wait3A, %dma_wait3A_47] : memref<40x2x125xi32, #tpu.memory_space<vmem>> -> memref<1x1x125xi32, #tpu.memory_space<vmem>>
        %dma_wait3A_49 = tpu.memref_squeeze %dma_wait3A_48 : memref<1x1x125xi32, #tpu.memory_space<vmem>> -> memref<125xi32, #tpu.memory_space<vmem>>
        %dma_wait3A_50 = arith.constant 0 : i32
        %dma_wait3A_51 = arith.constant 0 : i32
        %dma_wait3A_52 = tpu.memref_slice %arg2[%dma_wait3A_50, %dma_wait3A_51] : memref<10000x128xf32, #tpu.memory_space<hbm>> -> memref<10000x128xf32, #tpu.memory_space<hbm>>
        tpu.wait_indirect_dma semaphore(%arg10 : memref<!tpu.dma_semaphore, #tpu.memory_space<semaphore_mem>>) src(%dma_wait3A_52 : memref<10000x128xf32, #tpu.memory_space<hbm>>) dst(%arg7 : memref<125x128xf32, #tpu.memory_space<vmem>>)
        %run_scoped3A = arith.constant 1 : i32
        "tpu.region"() ({
          %run_scoped3A_63 = tpu.sem_alloc : memref<!tpu.dma_semaphore, #tpu.memory_space<semaphore_mem>>
          %dma_start3A_64 = arith.constant 0 : i32
          %dma_start3A_65 = tpu.memref_slice %arg6[%add3A_31, %run_scoped3A, %dma_start3A_64] : memref<40x2x125xi32, #tpu.memory_space<vmem>> -> memref<1x1x125xi32, #tpu.memory_space<vmem>>
          %dma_start3A_66 = tpu.memref_squeeze %dma_start3A_65 : memref<1x1x125xi32, #tpu.memory_space<vmem>> -> memref<125xi32, #tpu.memory_space<vmem>>
          %dma_start3A_67 = arith.constant 0 : i32
          %dma_start3A_68 = arith.constant 0 : i32
          %dma_start3A_69 = tpu.memref_slice %arg9[%dma_start3A_67, %dma_start3A_68] : memref<10240x128xf32, #tpu.memory_space<vmem_shared>> -> memref<10240x128xf32, #tpu.memory_space<vmem_shared>>
          tpu.enqueue_indirect_dma source(%arg7 : memref<125x128xf32, #tpu.memory_space<vmem>>) target(%dma_start3A_69 : memref<10240x128xf32, #tpu.memory_space<vmem_shared>>) offsets(%dma_start3A_66 : memref<125xi32, #tpu.memory_space<vmem>>) semaphore(%run_scoped3A_63 : memref<!tpu.dma_semaphore, #tpu.memory_space<semaphore_mem>>) {add = true}
          %dma_wait3A_70 = arith.constant 0 : i32
          %dma_wait3A_71 = tpu.memref_slice %arg6[%add3A_31, %run_scoped3A, %dma_wait3A_70] : memref<40x2x125xi32, #tpu.memory_space<vmem>> -> memref<1x1x125xi32, #tpu.memory_space<vmem>>
          %dma_wait3A_72 = tpu.memref_squeeze %dma_wait3A_71 : memref<1x1x125xi32, #tpu.memory_space<vmem>> -> memref<125xi32, #tpu.memory_space<vmem>>
          %dma_wait3A_73 = arith.constant 0 : i32
          %dma_wait3A_74 = arith.constant 0 : i32
          %dma_wait3A_75 = tpu.memref_slice %arg9[%dma_wait3A_73, %dma_wait3A_74] : memref<10240x128xf32, #tpu.memory_space<vmem_shared>> -> memref<10240x128xf32, #tpu.memory_space<vmem_shared>>
          tpu.wait_indirect_dma semaphore(%run_scoped3A_63 : memref<!tpu.dma_semaphore, #tpu.memory_space<semaphore_mem>>) src(%arg7 : memref<125x128xf32, #tpu.memory_space<vmem>>) dst(%dma_wait3A_75 : memref<10240x128xf32, #tpu.memory_space<vmem_shared>>)
          tpu.yield
        }) : () -> ()
        %dma_wait3A_53 = arith.constant 0 : i32
        %dma_wait3A_54 = arith.constant 0 : i32
        %dma_wait3A_55 = tpu.memref_slice %arg6[%add3A_39, %dma_wait3A_53, %dma_wait3A_54] : memref<40x2x125xi32, #tpu.memory_space<vmem>> -> memref<1x1x125xi32, #tpu.memory_space<vmem>>
        %dma_wait3A_56 = tpu.memref_squeeze %dma_wait3A_55 : memref<1x1x125xi32, #tpu.memory_space<vmem>> -> memref<125xi32, #tpu.memory_space<vmem>>
        %dma_wait3A_57 = arith.constant 0 : i32
        %dma_wait3A_58 = arith.constant 0 : i32
        %dma_wait3A_59 = tpu.memref_slice %arg2[%dma_wait3A_57, %dma_wait3A_58] : memref<10000x128xf32, #tpu.memory_space<hbm>> -> memref<10000x128xf32, #tpu.memory_space<hbm>>
        tpu.wait_indirect_dma semaphore(%arg11 : memref<!tpu.dma_semaphore, #tpu.memory_space<semaphore_mem>>) src(%dma_wait3A_59 : memref<10000x128xf32, #tpu.memory_space<hbm>>) dst(%arg8 : memref<125x128xf32, #tpu.memory_space<vmem>>)
        %add3A_60 = arith.constant 1 : i32
        %add3A_61 = arith.addi %add3A_31, %add3A_60 : i32
        %run_scoped3A_62 = arith.constant 1 : i32
        "tpu.region"() ({
          %run_scoped3A_63 = tpu.sem_alloc : memref<!tpu.dma_semaphore, #tpu.memory_space<semaphore_mem>>
          %dma_start3A_64 = arith.constant 0 : i32
          %dma_start3A_65 = tpu.memref_slice %arg6[%add3A_61, %run_scoped3A_62, %dma_start3A_64] : memref<40x2x125xi32, #tpu.memory_space<vmem>> -> memref<1x1x125xi32, #tpu.memory_space<vmem>>
          %dma_start3A_66 = tpu.memref_squeeze %dma_start3A_65 : memref<1x1x125xi32, #tpu.memory_space<vmem>> -> memref<125xi32, #tpu.memory_space<vmem>>
          %dma_start3A_67 = arith.constant 0 : i32
          %dma_start3A_68 = arith.constant 0 : i32
          %dma_start3A_69 = tpu.memref_slice %arg9[%dma_start3A_67, %dma_start3A_68] : memref<10240x128xf32, #tpu.memory_space<vmem_shared>> -> memref<10240x128xf32, #tpu.memory_space<vmem_shared>>
          tpu.enqueue_indirect_dma source(%arg8 : memref<125x128xf32, #tpu.memory_space<vmem>>) target(%dma_start3A_69 : memref<10240x128xf32, #tpu.memory_space<vmem_shared>>) offsets(%dma_start3A_66 : memref<125xi32, #tpu.memory_space<vmem>>) semaphore(%run_scoped3A_63 : memref<!tpu.dma_semaphore, #tpu.memory_space<semaphore_mem>>) {add = true}
          %dma_wait3A_70 = arith.constant 0 : i32
          %dma_wait3A_71 = tpu.memref_slice %arg6[%add3A_61, %run_scoped3A_62, %dma_wait3A_70] : memref<40x2x125xi32, #tpu.memory_space<vmem>> -> memref<1x1x125xi32, #tpu.memory_space<vmem>>
          %dma_wait3A_72 = tpu.memref_squeeze %dma_wait3A_71 : memref<1x1x125xi32, #tpu.memory_space<vmem>> -> memref<125xi32, #tpu.memory_space<vmem>>
          %dma_wait3A_73 = arith.constant 0 : i32
          %dma_wait3A_74 = arith.constant 0 : i32
          %dma_wait3A_75 = tpu.memref_slice %arg9[%dma_wait3A_73, %dma_wait3A_74] : memref<10240x128xf32, #tpu.memory_space<vmem_shared>> -> memref<10240x128xf32, #tpu.memory_space<vmem_shared>>
          tpu.wait_indirect_dma semaphore(%run_scoped3A_63 : memref<!tpu.dma_semaphore, #tpu.memory_space<semaphore_mem>>) src(%arg8 : memref<125x128xf32, #tpu.memory_space<vmem>>) dst(%dma_wait3A_75 : memref<10240x128xf32, #tpu.memory_space<vmem_shared>>)
          tpu.yield
        }) : () -> ()
      }
      %scan3A_26 = arith.constant 20 : i32
    }
    %scan3A_8 = arith.constant 2 : i32
    %barrier3A_9 = arith.constant 0 : index
    tpu.barrier barrier_id(%barrier3A_9)
    %mul3A_10 = arith.constant 640 : i32
    %mul3A_11 = arith.muli %arg1, %mul3A_10 : i32
    %mul3A_12 = arith.constant 10240 : i32
    %mul3A_13 = arith.muli %arg0, %mul3A_12 : i32
    %mul3A_14 = arith.constant 640 : i32
    %mul3A_15 = arith.muli %arg1, %mul3A_14 : i32
    %add3A_16 = arith.addi %mul3A_13, %mul3A_15 : i32
    "tpu.region"() ({
      %run_scoped3A = tpu.sem_alloc : memref<!tpu.dma_semaphore, #tpu.memory_space<semaphore_mem>>
      %dma_start3A = arith.constant 0 : i32
      %dma_start3A_17 = tpu.memref_slice %arg5[%add3A_16, %dma_start3A] : memref<20480x128xf32, #tpu.memory_space<hbm>> -> memref<640x128xf32, #tpu.memory_space<hbm>>
      %dma_start3A_18 = arith.constant 0 : i32
      %dma_start3A_19 = tpu.memref_slice %arg9[%mul3A_11, %dma_start3A_18] : memref<10240x128xf32, #tpu.memory_space<vmem_shared>> -> memref<640x128xf32, #tpu.memory_space<vmem_shared>>
      tpu.enqueue_dma source(%dma_start3A_19 : memref<640x128xf32, #tpu.memory_space<vmem_shared>>) target(%dma_start3A_17 : memref<640x128xf32, #tpu.memory_space<hbm>>) target_semaphore(%run_scoped3A : memref<!tpu.dma_semaphore, #tpu.memory_space<semaphore_mem>>)
      %dma_wait3A = arith.constant 0 : i32
      %dma_wait3A_20 = tpu.memref_slice %arg5[%add3A_16, %dma_wait3A] : memref<20480x128xf32, #tpu.memory_space<hbm>> -> memref<640x128xf32, #tpu.memory_space<hbm>>
      %dma_wait3A_21 = arith.constant 0 : i32
      %dma_wait3A_22 = tpu.memref_slice %arg9[%mul3A_11, %dma_wait3A_21] : memref<10240x128xf32, #tpu.memory_space<vmem_shared>> -> memref<640x128xf32, #tpu.memory_space<vmem_shared>>
      tpu.wait_dma2 semaphore(%run_scoped3A : memref<!tpu.dma_semaphore, #tpu.memory_space<semaphore_mem>>) src(%dma_wait3A_22 : memref<640x128xf32, #tpu.memory_space<vmem_shared>>) dst(%dma_wait3A_20 : memref<640x128xf32, #tpu.memory_space<hbm>>)
      tpu.yield
    }) : () -> ()
    return
  }
}

#map = affine_map<(d0, d1) -> (0, 0)>
#map1 = affine_map<(d0, d1) -> (0, 0, 0, 0, 0)>
module attributes {stable_mosaic.version = 14 : i64} {
  func.func @_sc_gather_scatter(%arg0: i32, %arg1: i32, %arg2: memref<10000x128xf32, #tpu.memory_space<hbm>>, %arg3: memref<32x2x40x2x125xi32, #tpu.memory_space<hbm>>, %arg4: memref<10240x128xf32, #tpu.memory_space<hbm>>, %arg5: memref<20480x128xf32, #tpu.memory_space<hbm>>, %arg6: memref<40x2x125xi32, #tpu.memory_space<vmem>>, %arg7: memref<125x128xf32, #tpu.memory_space<vmem>>, %arg8: memref<125x128xf32, #tpu.memory_space<vmem>>, %arg9: memref<10240x128xf32, #tpu.memory_space<vmem_shared>>, %arg10: memref<!tpu.dma_semaphore, #tpu.memory_space<semaphore_mem>>, %arg11: memref<!tpu.dma_semaphore, #tpu.memory_space<semaphore_mem>>) attributes {dimension_semantics = [#tpu.dimension_semantics<core_parallel>, #tpu.dimension_semantics<subcore_parallel>], iteration_bounds = array<i64: 2, 16>, scalar_prefetch = 0 : i64, scratch_operands = 6 : i64, tpu.core_type = #tpu.core_type<sc_vector_subcore>, window_params = [{transform_indices = #map}, {transform_indices = #map1}, {transform_indices = #map}, {transform_indices = #map}]} {
    %mul3A = arith.constant 16 : i32
    %mul3A_0 = arith.muli %arg0, %mul3A : i32
    %add3A = arith.addi %mul3A_0, %arg1 : i32
    %mul3A_1 = arith.constant 640 : i32
    %mul3A_2 = arith.muli %arg1, %mul3A_1 : i32
    %mul3A_3 = arith.constant 640 : i32
    %mul3A_4 = arith.muli %arg1, %mul3A_3 : i32
    "tpu.region"() ({
      %run_scoped3A = tpu.sem_alloc : memref<!tpu.dma_semaphore, #tpu.memory_space<semaphore_mem>>
      %dma_start3A = arith.constant 0 : i32
      %dma_start3A_17 = tpu.memref_slice %arg9[%mul3A_4, %dma_start3A] : memref<10240x128xf32, #tpu.memory_space<vmem_shared>> -> memref<640x128xf32, #tpu.memory_space<vmem_shared>>
      %dma_start3A_18 = arith.constant 0 : i32
      %dma_start3A_19 = tpu.memref_slice %arg4[%mul3A_2, %dma_start3A_18] : memref<10240x128xf32, #tpu.memory_space<hbm>> -> memref<640x128xf32, #tpu.memory_space<hbm>>
      tpu.enqueue_dma source(%dma_start3A_19 : memref<640x128xf32, #tpu.memory_space<hbm>>) target(%dma_start3A_17 : memref<640x128xf32, #tpu.memory_space<vmem_shared>>) target_semaphore(%run_scoped3A : memref<!tpu.dma_semaphore, #tpu.memory_space<semaphore_mem>>)
      %dma_wait3A = arith.constant 0 : i32
      %dma_wait3A_20 = tpu.memref_slice %arg9[%mul3A_4, %dma_wait3A] : memref<10240x128xf32, #tpu.memory_space<vmem_shared>> -> memref<640x128xf32, #tpu.memory_space<vmem_shared>>
      %dma_wait3A_21 = arith.constant 0 : i32
      %dma_wait3A_22 = tpu.memref_slice %arg4[%mul3A_2, %dma_wait3A_21] : memref<10240x128xf32, #tpu.memory_space<hbm>> -> memref<640x128xf32, #tpu.memory_space<hbm>>
      tpu.wait_dma2 semaphore(%run_scoped3A : memref<!tpu.dma_semaphore, #tpu.memory_space<semaphore_mem>>) src(%dma_wait3A_22 : memref<640x128xf32, #tpu.memory_space<hbm>>) dst(%dma_wait3A_20 : memref<640x128xf32, #tpu.memory_space<vmem_shared>>)
      tpu.yield
    }) : () -> ()
    %barrier3A = arith.constant 0 : index
    tpu.barrier barrier_id(%barrier3A)
    %scan3A = arith.constant 0 : i32
    %scan3A_5 = arith.constant 2 : i32
    %scan3A_6 = arith.addi %scan3A, %scan3A_5 : i32
    %scan3A_7 = arith.constant 1 : i32
    scf.for %scan3A_17 = %scan3A to %scan3A_6 step %scan3A_7  : i32 {
      %mul3A_18 = arith.constant 1 : i32
      %mul3A_19 = arith.muli %scan3A_17, %mul3A_18 : i32
      %add3A_20 = arith.constant 0 : i32
      %add3A_21 = arith.addi %add3A_20, %mul3A_19 : i32
      "tpu.region"() ({
        %run_scoped3A = tpu.sem_alloc : memref<!tpu.dma_semaphore, #tpu.memory_space<semaphore_mem>>
        %dma_start3A = arith.constant 0 : i32
        %dma_start3A_27 = arith.constant 0 : i32
        %dma_start3A_28 = arith.constant 0 : i32
        %dma_start3A_29 = tpu.memref_slice %arg3[%add3A, %add3A_21, %dma_start3A, %dma_start3A_27, %dma_start3A_28] : memref<32x2x40x2x125xi32, #tpu.memory_space<hbm>> -> memref<1x1x40x2x125xi32, #tpu.memory_space<hbm>>
        %dma_start3A_30 = tpu.memref_squeeze %dma_start3A_29 : memref<1x1x40x2x125xi32, #tpu.memory_space<hbm>> -> memref<40x2x125xi32, #tpu.memory_space<hbm>>
        %dma_start3A_31 = arith.constant 0 : i32
        %dma_start3A_32 = arith.constant 0 : i32
        %dma_start3A_33 = arith.constant 0 : i32
        %dma_start3A_34 = tpu.memref_slice %arg3[%add3A, %add3A_21, %dma_start3A_31, %dma_start3A_32, %dma_start3A_33] : memref<32x2x40x2x125xi32, #tpu.memory_space<hbm>> -> memref<1x1x40x2x125xi32, #tpu.memory_space<hbm>>
        %dma_start3A_35 = tpu.memref_squeeze %dma_start3A_34 : memref<1x1x40x2x125xi32, #tpu.memory_space<hbm>> -> memref<40x2x125xi32, #tpu.memory_space<hbm>>
        tpu.enqueue_dma source(%dma_start3A_35 : memref<40x2x125xi32, #tpu.memory_space<hbm>>) target(%arg6 : memref<40x2x125xi32, #tpu.memory_space<vmem>>) target_semaphore(%run_scoped3A : memref<!tpu.dma_semaphore, #tpu.memory_space<semaphore_mem>>)
        %dma_wait3A = arith.constant 0 : i32
        %dma_wait3A_36 = arith.constant 0 : i32
        %dma_wait3A_37 = arith.constant 0 : i32
        %dma_wait3A_38 = tpu.memref_slice %arg3[%add3A, %add3A_21, %dma_wait3A, %dma_wait3A_36, %dma_wait3A_37] : memref<32x2x40x2x125xi32, #tpu.memory_space<hbm>> -> memref<1x1x40x2x125xi32, #tpu.memory_space<hbm>>
        %dma_wait3A_39 = tpu.memref_squeeze %dma_wait3A_38 : memref<1x1x40x2x125xi32, #tpu.memory_space<hbm>> -> memref<40x2x125xi32, #tpu.memory_space<hbm>>
        %dma_wait3A_40 = arith.constant 0 : i32
        %dma_wait3A_41 = arith.constant 0 : i32
        %dma_wait3A_42 = arith.constant 0 : i32
        %dma_wait3A_43 = tpu.memref_slice %arg3[%add3A, %add3A_21, %dma_wait3A_40, %dma_wait3A_41, %dma_wait3A_42] : memref<32x2x40x2x125xi32, #tpu.memory_space<hbm>> -> memref<1x1x40x2x125xi32, #tpu.memory_space<hbm>>
        %dma_wait3A_44 = tpu.memref_squeeze %dma_wait3A_43 : memref<1x1x40x2x125xi32, #tpu.memory_space<hbm>> -> memref<40x2x125xi32, #tpu.memory_space<hbm>>
        tpu.wait_dma2 semaphore(%run_scoped3A : memref<!tpu.dma_semaphore, #tpu.memory_space<semaphore_mem>>) src(%dma_wait3A_44 : memref<40x2x125xi32, #tpu.memory_space<hbm>>) dst(%arg6 : memref<40x2x125xi32, #tpu.memory_space<vmem>>)
        tpu.yield
      }) : () -> ()
      %scan3A_22 = arith.constant 0 : i32
      %scan3A_23 = arith.constant 20 : i32
      %scan3A_24 = arith.addi %scan3A_22, %scan3A_23 : i32
      %scan3A_25 = arith.constant 1 : i32
      scf.for %scan3A_27 = %scan3A_22 to %scan3A_24 step %scan3A_25  : i32 {
        %mul3A_28 = arith.constant 2 : i32
        %mul3A_29 = arith.muli %scan3A_27, %mul3A_28 : i32
        %add3A_30 = arith.constant 0 : i32
        %add3A_31 = arith.addi %add3A_30, %mul3A_29 : i32
        %dma_start3A = arith.constant 0 : i32
        %dma_start3A_32 = arith.constant 0 : i32
        %dma_start3A_33 = tpu.memref_slice %arg6[%add3A_31, %dma_start3A, %dma_start3A_32] : memref<40x2x125xi32, #tpu.memory_space<vmem>> -> memref<1x1x125xi32, #tpu.memory_space<vmem>>
        %dma_start3A_34 = tpu.memref_squeeze %dma_start3A_33 : memref<1x1x125xi32, #tpu.memory_space<vmem>> -> memref<125xi32, #tpu.memory_space<vmem>>
        %dma_start3A_35 = arith.constant 0 : i32
        %dma_start3A_36 = arith.constant 0 : i32
        %dma_start3A_37 = tpu.memref_slice %arg2[%dma_start3A_35, %dma_start3A_36] : memref<10000x128xf32, #tpu.memory_space<hbm>> -> memref<10000x128xf32, #tpu.memory_space<hbm>>
        tpu.enqueue_indirect_dma source(%dma_start3A_37 : memref<10000x128xf32, #tpu.memory_space<hbm>>) target(%arg7 : memref<125x128xf32, #tpu.memory_space<vmem>>) offsets(%dma_start3A_34 : memref<125xi32, #tpu.memory_space<vmem>>) semaphore(%arg10 : memref<!tpu.dma_semaphore, #tpu.memory_space<semaphore_mem>>)
        %add3A_38 = arith.constant 1 : i32
        %add3A_39 = arith.addi %add3A_31, %add3A_38 : i32
        %dma_start3A_40 = arith.constant 0 : i32
        %dma_start3A_41 = arith.constant 0 : i32
        %dma_start3A_42 = tpu.memref_slice %arg6[%add3A_39, %dma_start3A_40, %dma_start3A_41] : memref<40x2x125xi32, #tpu.memory_space<vmem>> -> memref<1x1x125xi32, #tpu.memory_space<vmem>>
        %dma_start3A_43 = tpu.memref_squeeze %dma_start3A_42 : memref<1x1x125xi32, #tpu.memory_space<vmem>> -> memref<125xi32, #tpu.memory_space<vmem>>
        %dma_start3A_44 = arith.constant 0 : i32
        %dma_start3A_45 = arith.constant 0 : i32
        %dma_start3A_46 = tpu.memref_slice %arg2[%dma_start3A_44, %dma_start3A_45] : memref<10000x128xf32, #tpu.memory_space<hbm>> -> memref<10000x128xf32, #tpu.memory_space<hbm>>
        tpu.enqueue_indirect_dma source(%dma_start3A_46 : memref<10000x128xf32, #tpu.memory_space<hbm>>) target(%arg8 : memref<125x128xf32, #tpu.memory_space<vmem>>) offsets(%dma_start3A_43 : memref<125xi32, #tpu.memory_space<vmem>>) semaphore(%arg11 : memref<!tpu.dma_semaphore, #tpu.memory_space<semaphore_mem>>)
        %dma_wait3A = arith.constant 0 : i32
        %dma_wait3A_47 = arith.constant 0 : i32
        %dma_wait3A_48 = tpu.memref_slice %arg6[%add3A_31, %dma_wait3A, %dma_wait3A_47] : memref<40x2x125xi32, #tpu.memory_space<vmem>> -> memref<1x1x125xi32, #tpu.memory_space<vmem>>
        %dma_wait3A_49 = tpu.memref_squeeze %dma_wait3A_48 : memref<1x1x125xi32, #tpu.memory_space<vmem>> -> memref<125xi32, #tpu.memory_space<vmem>>
        %dma_wait3A_50 = arith.constant 0 : i32
        %dma_wait3A_51 = arith.constant 0 : i32
        %dma_wait3A_52 = tpu.memref_slice %arg2[%dma_wait3A_50, %dma_wait3A_51] : memref<10000x128xf32, #tpu.memory_space<hbm>> -> memref<10000x128xf32, #tpu.memory_space<hbm>>
        tpu.wait_indirect_dma semaphore(%arg10 : memref<!tpu.dma_semaphore, #tpu.memory_space<semaphore_mem>>) src(%dma_wait3A_52 : memref<10000x128xf32, #tpu.memory_space<hbm>>) dst(%arg7 : memref<125x128xf32, #tpu.memory_space<vmem>>)
        %run_scoped3A = arith.constant 1 : i32
        "tpu.region"() ({
          %run_scoped3A_63 = tpu.sem_alloc : memref<!tpu.dma_semaphore, #tpu.memory_space<semaphore_mem>>
          %dma_start3A_64 = arith.constant 0 : i32
          %dma_start3A_65 = tpu.memref_slice %arg6[%add3A_31, %run_scoped3A, %dma_start3A_64] : memref<40x2x125xi32, #tpu.memory_space<vmem>> -> memref<1x1x125xi32, #tpu.memory_space<vmem>>
          %dma_start3A_66 = tpu.memref_squeeze %dma_start3A_65 : memref<1x1x125xi32, #tpu.memory_space<vmem>> -> memref<125xi32, #tpu.memory_space<vmem>>
          %dma_start3A_67 = arith.constant 0 : i32
          %dma_start3A_68 = arith.constant 0 : i32
          %dma_start3A_69 = tpu.memref_slice %arg9[%dma_start3A_67, %dma_start3A_68] : memref<10240x128xf32, #tpu.memory_space<vmem_shared>> -> memref<10240x128xf32, #tpu.memory_space<vmem_shared>>
          tpu.enqueue_indirect_dma source(%arg7 : memref<125x128xf32, #tpu.memory_space<vmem>>) target(%dma_start3A_69 : memref<10240x128xf32, #tpu.memory_space<vmem_shared>>) offsets(%dma_start3A_66 : memref<125xi32, #tpu.memory_space<vmem>>) semaphore(%run_scoped3A_63 : memref<!tpu.dma_semaphore, #tpu.memory_space<semaphore_mem>>) {add = true}
          %dma_wait3A_70 = arith.constant 0 : i32
          %dma_wait3A_71 = tpu.memref_slice %arg6[%add3A_31, %run_scoped3A, %dma_wait3A_70] : memref<40x2x125xi32, #tpu.memory_space<vmem>> -> memref<1x1x125xi32, #tpu.memory_space<vmem>>
          %dma_wait3A_72 = tpu.memref_squeeze %dma_wait3A_71 : memref<1x1x125xi32, #tpu.memory_space<vmem>> -> memref<125xi32, #tpu.memory_space<vmem>>
          %dma_wait3A_73 = arith.constant 0 : i32
          %dma_wait3A_74 = arith.constant 0 : i32
          %dma_wait3A_75 = tpu.memref_slice %arg9[%dma_wait3A_73, %dma_wait3A_74] : memref<10240x128xf32, #tpu.memory_space<vmem_shared>> -> memref<10240x128xf32, #tpu.memory_space<vmem_shared>>
          tpu.wait_indirect_dma semaphore(%run_scoped3A_63 : memref<!tpu.dma_semaphore, #tpu.memory_space<semaphore_mem>>) src(%arg7 : memref<125x128xf32, #tpu.memory_space<vmem>>) dst(%dma_wait3A_75 : memref<10240x128xf32, #tpu.memory_space<vmem_shared>>)
          tpu.yield
        }) : () -> ()
        %dma_wait3A_53 = arith.constant 0 : i32
        %dma_wait3A_54 = arith.constant 0 : i32
        %dma_wait3A_55 = tpu.memref_slice %arg6[%add3A_39, %dma_wait3A_53, %dma_wait3A_54] : memref<40x2x125xi32, #tpu.memory_space<vmem>> -> memref<1x1x125xi32, #tpu.memory_space<vmem>>
        %dma_wait3A_56 = tpu.memref_squeeze %dma_wait3A_55 : memref<1x1x125xi32, #tpu.memory_space<vmem>> -> memref<125xi32, #tpu.memory_space<vmem>>
        %dma_wait3A_57 = arith.constant 0 : i32
        %dma_wait3A_58 = arith.constant 0 : i32
        %dma_wait3A_59 = tpu.memref_slice %arg2[%dma_wait3A_57, %dma_wait3A_58] : memref<10000x128xf32, #tpu.memory_space<hbm>> -> memref<10000x128xf32, #tpu.memory_space<hbm>>
        tpu.wait_indirect_dma semaphore(%arg11 : memref<!tpu.dma_semaphore, #tpu.memory_space<semaphore_mem>>) src(%dma_wait3A_59 : memref<10000x128xf32, #tpu.memory_space<hbm>>) dst(%arg8 : memref<125x128xf32, #tpu.memory_space<vmem>>)
        %add3A_60 = arith.constant 1 : i32
        %add3A_61 = arith.addi %add3A_31, %add3A_60 : i32
        %run_scoped3A_62 = arith.constant 1 : i32
        "tpu.region"() ({
          %run_scoped3A_63 = tpu.sem_alloc : memref<!tpu.dma_semaphore, #tpu.memory_space<semaphore_mem>>
          %dma_start3A_64 = arith.constant 0 : i32
          %dma_start3A_65 = tpu.memref_slice %arg6[%add3A_61, %run_scoped3A_62, %dma_start3A_64] : memref<40x2x125xi32, #tpu.memory_space<vmem>> -> memref<1x1x125xi32, #tpu.memory_space<vmem>>
          %dma_start3A_66 = tpu.memref_squeeze %dma_start3A_65 : memref<1x1x125xi32, #tpu.memory_space<vmem>> -> memref<125xi32, #tpu.memory_space<vmem>>
          %dma_start3A_67 = arith.constant 0 : i32
          %dma_start3A_68 = arith.constant 0 : i32
          %dma_start3A_69 = tpu.memref_slice %arg9[%dma_start3A_67, %dma_start3A_68] : memref<10240x128xf32, #tpu.memory_space<vmem_shared>> -> memref<10240x128xf32, #tpu.memory_space<vmem_shared>>
          tpu.enqueue_indirect_dma source(%arg8 : memref<125x128xf32, #tpu.memory_space<vmem>>) target(%dma_start3A_69 : memref<10240x128xf32, #tpu.memory_space<vmem_shared>>) offsets(%dma_start3A_66 : memref<125xi32, #tpu.memory_space<vmem>>) semaphore(%run_scoped3A_63 : memref<!tpu.dma_semaphore, #tpu.memory_space<semaphore_mem>>) {add = true}
          %dma_wait3A_70 = arith.constant 0 : i32
          %dma_wait3A_71 = tpu.memref_slice %arg6[%add3A_61, %run_scoped3A_62, %dma_wait3A_70] : memref<40x2x125xi32, #tpu.memory_space<vmem>> -> memref<1x1x125xi32, #tpu.memory_space<vmem>>
          %dma_wait3A_72 = tpu.memref_squeeze %dma_wait3A_71 : memref<1x1x125xi32, #tpu.memory_space<vmem>> -> memref<125xi32, #tpu.memory_space<vmem>>
          %dma_wait3A_73 = arith.constant 0 : i32
          %dma_wait3A_74 = arith.constant 0 : i32
          %dma_wait3A_75 = tpu.memref_slice %arg9[%dma_wait3A_73, %dma_wait3A_74] : memref<10240x128xf32, #tpu.memory_space<vmem_shared>> -> memref<10240x128xf32, #tpu.memory_space<vmem_shared>>
          tpu.wait_indirect_dma semaphore(%run_scoped3A_63 : memref<!tpu.dma_semaphore, #tpu.memory_space<semaphore_mem>>) src(%arg8 : memref<125x128xf32, #tpu.memory_space<vmem>>) dst(%dma_wait3A_75 : memref<10240x128xf32, #tpu.memory_space<vmem_shared>>)
          tpu.yield
        }) : () -> ()
      }
      %scan3A_26 = arith.constant 20 : i32
    }
    %scan3A_8 = arith.constant 2 : i32
    %barrier3A_9 = arith.constant 0 : index
    tpu.barrier barrier_id(%barrier3A_9)
    %mul3A_10 = arith.constant 640 : i32
    %mul3A_11 = arith.muli %arg1, %mul3A_10 : i32
    %mul3A_12 = arith.constant 10240 : i32
    %mul3A_13 = arith.muli %arg0, %mul3A_12 : i32
    %mul3A_14 = arith.constant 640 : i32
    %mul3A_15 = arith.muli %arg1, %mul3A_14 : i32
    %add3A_16 = arith.addi %mul3A_13, %mul3A_15 : i32
    "tpu.region"() ({
      %run_scoped3A = tpu.sem_alloc : memref<!tpu.dma_semaphore, #tpu.memory_space<semaphore_mem>>
      %dma_start3A = arith.constant 0 : i32
      %dma_start3A_17 = tpu.memref_slice %arg5[%add3A_16, %dma_start3A] : memref<20480x128xf32, #tpu.memory_space<hbm>> -> memref<640x128xf32, #tpu.memory_space<hbm>>
      %dma_start3A_18 = arith.constant 0 : i32
      %dma_start3A_19 = tpu.memref_slice %arg9[%mul3A_11, %dma_start3A_18] : memref<10240x128xf32, #tpu.memory_space<vmem_shared>> -> memref<640x128xf32, #tpu.memory_space<vmem_shared>>
      tpu.enqueue_dma source(%dma_start3A_19 : memref<640x128xf32, #tpu.memory_space<vmem_shared>>) target(%dma_start3A_17 : memref<640x128xf32, #tpu.memory_space<hbm>>) target_semaphore(%run_scoped3A : memref<!tpu.dma_semaphore, #tpu.memory_space<semaphore_mem>>)
      %dma_wait3A = arith.constant 0 : i32
      %dma_wait3A_20 = tpu.memref_slice %arg5[%add3A_16, %dma_wait3A] : memref<20480x128xf32, #tpu.memory_space<hbm>> -> memref<640x128xf32, #tpu.memory_space<hbm>>
      %dma_wait3A_21 = arith.constant 0 : i32
      %dma_wait3A_22 = tpu.memref_slice %arg9[%mul3A_11, %dma_wait3A_21] : memref<10240x128xf32, #tpu.memory_space<vmem_shared>> -> memref<640x128xf32, #tpu.memory_space<vmem_shared>>
      tpu.wait_dma2 semaphore(%run_scoped3A : memref<!tpu.dma_semaphore, #tpu.memory_space<semaphore_mem>>) src(%dma_wait3A_22 : memref<640x128xf32, #tpu.memory_space<vmem_shared>>) dst(%dma_wait3A_20 : memref<640x128xf32, #tpu.memory_space<hbm>>)
      tpu.yield
    }) : () -> ()
    return
  }
}

#map = affine_map<(d0, d1) -> (0, 0)>
#map1 = affine_map<(d0, d1) -> (0, 0, 0, 0, 0)>
module attributes {stable_mosaic.version = 14 : i64} {
  func.func @_sc_gather_scatter(%arg0: i32, %arg1: i32, %arg2: memref<10000x128xf32, #tpu.memory_space<hbm>>, %arg3: memref<32x2x40x2x125xi32, #tpu.memory_space<hbm>>, %arg4: memref<10240x128xf32, #tpu.memory_space<hbm>>, %arg5: memref<20480x128xf32, #tpu.memory_space<hbm>>, %arg6: memref<40x2x125xi32, #tpu.memory_space<vmem>>, %arg7: memref<125x128xf32, #tpu.memory_space<vmem>>, %arg8: memref<125x128xf32, #tpu.memory_space<vmem>>, %arg9: memref<10240x128xf32, #tpu.memory_space<vmem_shared>>, %arg10: memref<!tpu.dma_semaphore, #tpu.memory_space<semaphore_mem>>, %arg11: memref<!tpu.dma_semaphore, #tpu.memory_space<semaphore_mem>>) attributes {dimension_semantics = [#tpu.dimension_semantics<core_parallel>, #tpu.dimension_semantics<subcore_parallel>], iteration_bounds = array<i64: 2, 16>, scalar_prefetch = 0 : i64, scratch_operands = 6 : i64, tpu.core_type = #tpu.core_type<sc_vector_subcore>, window_params = [{transform_indices = #map}, {transform_indices = #map1}, {transform_indices = #map}, {transform_indices = #map}]} {
    %mul3A = arith.constant 16 : i32
    %mul3A_0 = arith.muli %arg0, %mul3A : i32
    %add3A = arith.addi %mul3A_0, %arg1 : i32
    %mul3A_1 = arith.constant 640 : i32
    %mul3A_2 = arith.muli %arg1, %mul3A_1 : i32
    %mul3A_3 = arith.constant 640 : i32
    %mul3A_4 = arith.muli %arg1, %mul3A_3 : i32
    "tpu.region"() ({
      %run_scoped3A = tpu.sem_alloc : memref<!tpu.dma_semaphore, #tpu.memory_space<semaphore_mem>>
      %dma_start3A = arith.constant 0 : i32
      %dma_start3A_17 = tpu.memref_slice %arg9[%mul3A_4, %dma_start3A] : memref<10240x128xf32, #tpu.memory_space<vmem_shared>> -> memref<640x128xf32, #tpu.memory_space<vmem_shared>>
      %dma_start3A_18 = arith.constant 0 : i32
      %dma_start3A_19 = tpu.memref_slice %arg4[%mul3A_2, %dma_start3A_18] : memref<10240x128xf32, #tpu.memory_space<hbm>> -> memref<640x128xf32, #tpu.memory_space<hbm>>
      tpu.enqueue_dma source(%dma_start3A_19 : memref<640x128xf32, #tpu.memory_space<hbm>>) target(%dma_start3A_17 : memref<640x128xf32, #tpu.memory_space<vmem_shared>>) target_semaphore(%run_scoped3A : memref<!tpu.dma_semaphore, #tpu.memory_space<semaphore_mem>>)
      %dma_wait3A = arith.constant 0 : i32
      %dma_wait3A_20 = tpu.memref_slice %arg9[%mul3A_4, %dma_wait3A] : memref<10240x128xf32, #tpu.memory_space<vmem_shared>> -> memref<640x128xf32, #tpu.memory_space<vmem_shared>>
      %dma_wait3A_21 = arith.constant 0 : i32
      %dma_wait3A_22 = tpu.memref_slice %arg4[%mul3A_2, %dma_wait3A_21] : memref<10240x128xf32, #tpu.memory_space<hbm>> -> memref<640x128xf32, #tpu.memory_space<hbm>>
      tpu.wait_dma2 semaphore(%run_scoped3A : memref<!tpu.dma_semaphore, #tpu.memory_space<semaphore_mem>>) src(%dma_wait3A_22 : memref<640x128xf32, #tpu.memory_space<hbm>>) dst(%dma_wait3A_20 : memref<640x128xf32, #tpu.memory_space<vmem_shared>>)
      tpu.yield
    }) : () -> ()
    %barrier3A = arith.constant 0 : index
    tpu.barrier barrier_id(%barrier3A)
    %scan3A = arith.constant 0 : i32
    %scan3A_5 = arith.constant 2 : i32
    %scan3A_6 = arith.addi %scan3A, %scan3A_5 : i32
    %scan3A_7 = arith.constant 1 : i32
    scf.for %scan3A_17 = %scan3A to %scan3A_6 step %scan3A_7  : i32 {
      %mul3A_18 = arith.constant 1 : i32
      %mul3A_19 = arith.muli %scan3A_17, %mul3A_18 : i32
      %add3A_20 = arith.constant 0 : i32
      %add3A_21 = arith.addi %add3A_20, %mul3A_19 : i32
      "tpu.region"() ({
        %run_scoped3A = tpu.sem_alloc : memref<!tpu.dma_semaphore, #tpu.memory_space<semaphore_mem>>
        %dma_start3A = arith.constant 0 : i32
        %dma_start3A_27 = arith.constant 0 : i32
        %dma_start3A_28 = arith.constant 0 : i32
        %dma_start3A_29 = tpu.memref_slice %arg3[%add3A, %add3A_21, %dma_start3A, %dma_start3A_27, %dma_start3A_28] : memref<32x2x40x2x125xi32, #tpu.memory_space<hbm>> -> memref<1x1x40x2x125xi32, #tpu.memory_space<hbm>>
        %dma_start3A_30 = tpu.memref_squeeze %dma_start3A_29 : memref<1x1x40x2x125xi32, #tpu.memory_space<hbm>> -> memref<40x2x125xi32, #tpu.memory_space<hbm>>
        %dma_start3A_31 = arith.constant 0 : i32
        %dma_start3A_32 = arith.constant 0 : i32
        %dma_start3A_33 = arith.constant 0 : i32
        %dma_start3A_34 = tpu.memref_slice %arg3[%add3A, %add3A_21, %dma_start3A_31, %dma_start3A_32, %dma_start3A_33] : memref<32x2x40x2x125xi32, #tpu.memory_space<hbm>> -> memref<1x1x40x2x125xi32, #tpu.memory_space<hbm>>
        %dma_start3A_35 = tpu.memref_squeeze %dma_start3A_34 : memref<1x1x40x2x125xi32, #tpu.memory_space<hbm>> -> memref<40x2x125xi32, #tpu.memory_space<hbm>>
        tpu.enqueue_dma source(%dma_start3A_35 : memref<40x2x125xi32, #tpu.memory_space<hbm>>) target(%arg6 : memref<40x2x125xi32, #tpu.memory_space<vmem>>) target_semaphore(%run_scoped3A : memref<!tpu.dma_semaphore, #tpu.memory_space<semaphore_mem>>)
        %dma_wait3A = arith.constant 0 : i32
        %dma_wait3A_36 = arith.constant 0 : i32
        %dma_wait3A_37 = arith.constant 0 : i32
        %dma_wait3A_38 = tpu.memref_slice %arg3[%add3A, %add3A_21, %dma_wait3A, %dma_wait3A_36, %dma_wait3A_37] : memref<32x2x40x2x125xi32, #tpu.memory_space<hbm>> -> memref<1x1x40x2x125xi32, #tpu.memory_space<hbm>>
        %dma_wait3A_39 = tpu.memref_squeeze %dma_wait3A_38 : memref<1x1x40x2x125xi32, #tpu.memory_space<hbm>> -> memref<40x2x125xi32, #tpu.memory_space<hbm>>
        %dma_wait3A_40 = arith.constant 0 : i32
        %dma_wait3A_41 = arith.constant 0 : i32
        %dma_wait3A_42 = arith.constant 0 : i32
        %dma_wait3A_43 = tpu.memref_slice %arg3[%add3A, %add3A_21, %dma_wait3A_40, %dma_wait3A_41, %dma_wait3A_42] : memref<32x2x40x2x125xi32, #tpu.memory_space<hbm>> -> memref<1x1x40x2x125xi32, #tpu.memory_space<hbm>>
        %dma_wait3A_44 = tpu.memref_squeeze %dma_wait3A_43 : memref<1x1x40x2x125xi32, #tpu.memory_space<hbm>> -> memref<40x2x125xi32, #tpu.memory_space<hbm>>
        tpu.wait_dma2 semaphore(%run_scoped3A : memref<!tpu.dma_semaphore, #tpu.memory_space<semaphore_mem>>) src(%dma_wait3A_44 : memref<40x2x125xi32, #tpu.memory_space<hbm>>) dst(%arg6 : memref<40x2x125xi32, #tpu.memory_space<vmem>>)
        tpu.yield
      }) : () -> ()
      %scan3A_22 = arith.constant 0 : i32
      %scan3A_23 = arith.constant 20 : i32
      %scan3A_24 = arith.addi %scan3A_22, %scan3A_23 : i32
      %scan3A_25 = arith.constant 1 : i32
      scf.for %scan3A_27 = %scan3A_22 to %scan3A_24 step %scan3A_25  : i32 {
        %mul3A_28 = arith.constant 2 : i32
        %mul3A_29 = arith.muli %scan3A_27, %mul3A_28 : i32
        %add3A_30 = arith.constant 0 : i32
        %add3A_31 = arith.addi %add3A_30, %mul3A_29 : i32
        %dma_start3A = arith.constant 0 : i32
        %dma_start3A_32 = arith.constant 0 : i32
        %dma_start3A_33 = tpu.memref_slice %arg6[%add3A_31, %dma_start3A, %dma_start3A_32] : memref<40x2x125xi32, #tpu.memory_space<vmem>> -> memref<1x1x125xi32, #tpu.memory_space<vmem>>
        %dma_start3A_34 = tpu.memref_squeeze %dma_start3A_33 : memref<1x1x125xi32, #tpu.memory_space<vmem>> -> memref<125xi32, #tpu.memory_space<vmem>>
        %dma_start3A_35 = arith.constant 0 : i32
        %dma_start3A_36 = arith.constant 0 : i32
        %dma_start3A_37 = tpu.memref_slice %arg2[%dma_start3A_35, %dma_start3A_36] : memref<10000x128xf32, #tpu.memory_space<hbm>> -> memref<10000x128xf32, #tpu.memory_space<hbm>>
        tpu.enqueue_indirect_dma source(%dma_start3A_37 : memref<10000x128xf32, #tpu.memory_space<hbm>>) target(%arg7 : memref<125x128xf32, #tpu.memory_space<vmem>>) offsets(%dma_start3A_34 : memref<125xi32, #tpu.memory_space<vmem>>) semaphore(%arg10 : memref<!tpu.dma_semaphore, #tpu.memory_space<semaphore_mem>>)
        %add3A_38 = arith.constant 1 : i32
        %add3A_39 = arith.addi %add3A_31, %add3A_38 : i32
        %dma_start3A_40 = arith.constant 0 : i32
        %dma_start3A_41 = arith.constant 0 : i32
        %dma_start3A_42 = tpu.memref_slice %arg6[%add3A_39, %dma_start3A_40, %dma_start3A_41] : memref<40x2x125xi32, #tpu.memory_space<vmem>> -> memref<1x1x125xi32, #tpu.memory_space<vmem>>
        %dma_start3A_43 = tpu.memref_squeeze %dma_start3A_42 : memref<1x1x125xi32, #tpu.memory_space<vmem>> -> memref<125xi32, #tpu.memory_space<vmem>>
        %dma_start3A_44 = arith.constant 0 : i32
        %dma_start3A_45 = arith.constant 0 : i32
        %dma_start3A_46 = tpu.memref_slice %arg2[%dma_start3A_44, %dma_start3A_45] : memref<10000x128xf32, #tpu.memory_space<hbm>> -> memref<10000x128xf32, #tpu.memory_space<hbm>>
        tpu.enqueue_indirect_dma source(%dma_start3A_46 : memref<10000x128xf32, #tpu.memory_space<hbm>>) target(%arg8 : memref<125x128xf32, #tpu.memory_space<vmem>>) offsets(%dma_start3A_43 : memref<125xi32, #tpu.memory_space<vmem>>) semaphore(%arg11 : memref<!tpu.dma_semaphore, #tpu.memory_space<semaphore_mem>>)
        %dma_wait3A = arith.constant 0 : i32
        %dma_wait3A_47 = arith.constant 0 : i32
        %dma_wait3A_48 = tpu.memref_slice %arg6[%add3A_31, %dma_wait3A, %dma_wait3A_47] : memref<40x2x125xi32, #tpu.memory_space<vmem>> -> memref<1x1x125xi32, #tpu.memory_space<vmem>>
        %dma_wait3A_49 = tpu.memref_squeeze %dma_wait3A_48 : memref<1x1x125xi32, #tpu.memory_space<vmem>> -> memref<125xi32, #tpu.memory_space<vmem>>
        %dma_wait3A_50 = arith.constant 0 : i32
        %dma_wait3A_51 = arith.constant 0 : i32
        %dma_wait3A_52 = tpu.memref_slice %arg2[%dma_wait3A_50, %dma_wait3A_51] : memref<10000x128xf32, #tpu.memory_space<hbm>> -> memref<10000x128xf32, #tpu.memory_space<hbm>>
        tpu.wait_indirect_dma semaphore(%arg10 : memref<!tpu.dma_semaphore, #tpu.memory_space<semaphore_mem>>) src(%dma_wait3A_52 : memref<10000x128xf32, #tpu.memory_space<hbm>>) dst(%arg7 : memref<125x128xf32, #tpu.memory_space<vmem>>)
        %run_scoped3A = arith.constant 1 : i32
        "tpu.region"() ({
          %run_scoped3A_63 = tpu.sem_alloc : memref<!tpu.dma_semaphore, #tpu.memory_space<semaphore_mem>>
          %dma_start3A_64 = arith.constant 0 : i32
          %dma_start3A_65 = tpu.memref_slice %arg6[%add3A_31, %run_scoped3A, %dma_start3A_64] : memref<40x2x125xi32, #tpu.memory_space<vmem>> -> memref<1x1x125xi32, #tpu.memory_space<vmem>>
          %dma_start3A_66 = tpu.memref_squeeze %dma_start3A_65 : memref<1x1x125xi32, #tpu.memory_space<vmem>> -> memref<125xi32, #tpu.memory_space<vmem>>
          %dma_start3A_67 = arith.constant 0 : i32
          %dma_start3A_68 = arith.constant 0 : i32
          %dma_start3A_69 = tpu.memref_slice %arg9[%dma_start3A_67, %dma_start3A_68] : memref<10240x128xf32, #tpu.memory_space<vmem_shared>> -> memref<10240x128xf32, #tpu.memory_space<vmem_shared>>
          tpu.enqueue_indirect_dma source(%arg7 : memref<125x128xf32, #tpu.memory_space<vmem>>) target(%dma_start3A_69 : memref<10240x128xf32, #tpu.memory_space<vmem_shared>>) offsets(%dma_start3A_66 : memref<125xi32, #tpu.memory_space<vmem>>) semaphore(%run_scoped3A_63 : memref<!tpu.dma_semaphore, #tpu.memory_space<semaphore_mem>>) {add = true}
          %dma_wait3A_70 = arith.constant 0 : i32
          %dma_wait3A_71 = tpu.memref_slice %arg6[%add3A_31, %run_scoped3A, %dma_wait3A_70] : memref<40x2x125xi32, #tpu.memory_space<vmem>> -> memref<1x1x125xi32, #tpu.memory_space<vmem>>
          %dma_wait3A_72 = tpu.memref_squeeze %dma_wait3A_71 : memref<1x1x125xi32, #tpu.memory_space<vmem>> -> memref<125xi32, #tpu.memory_space<vmem>>
          %dma_wait3A_73 = arith.constant 0 : i32
          %dma_wait3A_74 = arith.constant 0 : i32
          %dma_wait3A_75 = tpu.memref_slice %arg9[%dma_wait3A_73, %dma_wait3A_74] : memref<10240x128xf32, #tpu.memory_space<vmem_shared>> -> memref<10240x128xf32, #tpu.memory_space<vmem_shared>>
          tpu.wait_indirect_dma semaphore(%run_scoped3A_63 : memref<!tpu.dma_semaphore, #tpu.memory_space<semaphore_mem>>) src(%arg7 : memref<125x128xf32, #tpu.memory_space<vmem>>) dst(%dma_wait3A_75 : memref<10240x128xf32, #tpu.memory_space<vmem_shared>>)
          tpu.yield
        }) : () -> ()
        %dma_wait3A_53 = arith.constant 0 : i32
        %dma_wait3A_54 = arith.constant 0 : i32
        %dma_wait3A_55 = tpu.memref_slice %arg6[%add3A_39, %dma_wait3A_53, %dma_wait3A_54] : memref<40x2x125xi32, #tpu.memory_space<vmem>> -> memref<1x1x125xi32, #tpu.memory_space<vmem>>
        %dma_wait3A_56 = tpu.memref_squeeze %dma_wait3A_55 : memref<1x1x125xi32, #tpu.memory_space<vmem>> -> memref<125xi32, #tpu.memory_space<vmem>>
        %dma_wait3A_57 = arith.constant 0 : i32
        %dma_wait3A_58 = arith.constant 0 : i32
        %dma_wait3A_59 = tpu.memref_slice %arg2[%dma_wait3A_57, %dma_wait3A_58] : memref<10000x128xf32, #tpu.memory_space<hbm>> -> memref<10000x128xf32, #tpu.memory_space<hbm>>
        tpu.wait_indirect_dma semaphore(%arg11 : memref<!tpu.dma_semaphore, #tpu.memory_space<semaphore_mem>>) src(%dma_wait3A_59 : memref<10000x128xf32, #tpu.memory_space<hbm>>) dst(%arg8 : memref<125x128xf32, #tpu.memory_space<vmem>>)
        %add3A_60 = arith.constant 1 : i32
        %add3A_61 = arith.addi %add3A_31, %add3A_60 : i32
        %run_scoped3A_62 = arith.constant 1 : i32
        "tpu.region"() ({
          %run_scoped3A_63 = tpu.sem_alloc : memref<!tpu.dma_semaphore, #tpu.memory_space<semaphore_mem>>
          %dma_start3A_64 = arith.constant 0 : i32
          %dma_start3A_65 = tpu.memref_slice %arg6[%add3A_61, %run_scoped3A_62, %dma_start3A_64] : memref<40x2x125xi32, #tpu.memory_space<vmem>> -> memref<1x1x125xi32, #tpu.memory_space<vmem>>
          %dma_start3A_66 = tpu.memref_squeeze %dma_start3A_65 : memref<1x1x125xi32, #tpu.memory_space<vmem>> -> memref<125xi32, #tpu.memory_space<vmem>>
          %dma_start3A_67 = arith.constant 0 : i32
          %dma_start3A_68 = arith.constant 0 : i32
          %dma_start3A_69 = tpu.memref_slice %arg9[%dma_start3A_67, %dma_start3A_68] : memref<10240x128xf32, #tpu.memory_space<vmem_shared>> -> memref<10240x128xf32, #tpu.memory_space<vmem_shared>>
          tpu.enqueue_indirect_dma source(%arg8 : memref<125x128xf32, #tpu.memory_space<vmem>>) target(%dma_start3A_69 : memref<10240x128xf32, #tpu.memory_space<vmem_shared>>) offsets(%dma_start3A_66 : memref<125xi32, #tpu.memory_space<vmem>>) semaphore(%run_scoped3A_63 : memref<!tpu.dma_semaphore, #tpu.memory_space<semaphore_mem>>) {add = true}
          %dma_wait3A_70 = arith.constant 0 : i32
          %dma_wait3A_71 = tpu.memref_slice %arg6[%add3A_61, %run_scoped3A_62, %dma_wait3A_70] : memref<40x2x125xi32, #tpu.memory_space<vmem>> -> memref<1x1x125xi32, #tpu.memory_space<vmem>>
          %dma_wait3A_72 = tpu.memref_squeeze %dma_wait3A_71 : memref<1x1x125xi32, #tpu.memory_space<vmem>> -> memref<125xi32, #tpu.memory_space<vmem>>
          %dma_wait3A_73 = arith.constant 0 : i32
          %dma_wait3A_74 = arith.constant 0 : i32
          %dma_wait3A_75 = tpu.memref_slice %arg9[%dma_wait3A_73, %dma_wait3A_74] : memref<10240x128xf32, #tpu.memory_space<vmem_shared>> -> memref<10240x128xf32, #tpu.memory_space<vmem_shared>>
          tpu.wait_indirect_dma semaphore(%run_scoped3A_63 : memref<!tpu.dma_semaphore, #tpu.memory_space<semaphore_mem>>) src(%arg8 : memref<125x128xf32, #tpu.memory_space<vmem>>) dst(%dma_wait3A_75 : memref<10240x128xf32, #tpu.memory_space<vmem_shared>>)
          tpu.yield
        }) : () -> ()
      }
      %scan3A_26 = arith.constant 20 : i32
    }
    %scan3A_8 = arith.constant 2 : i32
    %barrier3A_9 = arith.constant 0 : index
    tpu.barrier barrier_id(%barrier3A_9)
    %mul3A_10 = arith.constant 640 : i32
    %mul3A_11 = arith.muli %arg1, %mul3A_10 : i32
    %mul3A_12 = arith.constant 10240 : i32
    %mul3A_13 = arith.muli %arg0, %mul3A_12 : i32
    %mul3A_14 = arith.constant 640 : i32
    %mul3A_15 = arith.muli %arg1, %mul3A_14 : i32
    %add3A_16 = arith.addi %mul3A_13, %mul3A_15 : i32
    "tpu.region"() ({
      %run_scoped3A = tpu.sem_alloc : memref<!tpu.dma_semaphore, #tpu.memory_space<semaphore_mem>>
      %dma_start3A = arith.constant 0 : i32
      %dma_start3A_17 = tpu.memref_slice %arg5[%add3A_16, %dma_start3A] : memref<20480x128xf32, #tpu.memory_space<hbm>> -> memref<640x128xf32, #tpu.memory_space<hbm>>
      %dma_start3A_18 = arith.constant 0 : i32
      %dma_start3A_19 = tpu.memref_slice %arg9[%mul3A_11, %dma_start3A_18] : memref<10240x128xf32, #tpu.memory_space<vmem_shared>> -> memref<640x128xf32, #tpu.memory_space<vmem_shared>>
      tpu.enqueue_dma source(%dma_start3A_19 : memref<640x128xf32, #tpu.memory_space<vmem_shared>>) target(%dma_start3A_17 : memref<640x128xf32, #tpu.memory_space<hbm>>) target_semaphore(%run_scoped3A : memref<!tpu.dma_semaphore, #tpu.memory_space<semaphore_mem>>)
      %dma_wait3A = arith.constant 0 : i32
      %dma_wait3A_20 = tpu.memref_slice %arg5[%add3A_16, %dma_wait3A] : memref<20480x128xf32, #tpu.memory_space<hbm>> -> memref<640x128xf32, #tpu.memory_space<hbm>>
      %dma_wait3A_21 = arith.constant 0 : i32
      %dma_wait3A_22 = tpu.memref_slice %arg9[%mul3A_11, %dma_wait3A_21] : memref<10240x128xf32, #tpu.memory_space<vmem_shared>> -> memref<640x128xf32, #tpu.memory_space<vmem_shared>>
      tpu.wait_dma2 semaphore(%run_scoped3A : memref<!tpu.dma_semaphore, #tpu.memory_space<semaphore_mem>>) src(%dma_wait3A_22 : memref<640x128xf32, #tpu.memory_space<vmem_shared>>) dst(%dma_wait3A_20 : memref<640x128xf32, #tpu.memory_space<hbm>>)
      tpu.yield
    }) : () -> ()
    return
  }
}

module attributes {stable_mosaic.version = 14 : i64} {
  func.func @_enc_body(%arg0: memref<10000x128xf32, #tpu.memory_space<vmem>>, %arg1: memref<128x128xf32, #tpu.memory_space<vmem>>, %arg2: memref<1x128xf32, #tpu.memory_space<vmem>>, %arg3: memref<1x128xf32, #tpu.memory_space<vmem>>, %arg4: memref<128x130xf32, #tpu.memory_space<vmem>>, %arg5: memref<10000x128xf32, #tpu.memory_space<vmem>>, %arg6: memref<128x128xf32, #tpu.memory_space<vmem>>) attributes {dimension_semantics = [], scalar_prefetch = 0 : i64, scratch_operands = 0 : i64, tpu.core_type = #tpu.core_type<tc>} {
    %get3A = arith.constant 0 : index
    %get3A_0 = arith.constant 0 : index
    %get3A_1 = vector.load %arg0[%get3A, %get3A_0] : memref<10000x128xf32, #tpu.memory_space<vmem>>, vector<10000x128xf32>
    %get3A_2 = arith.constant 0 : index
    %get3A_3 = arith.constant 0 : index
    %get3A_4 = vector.load %arg1[%get3A_2, %get3A_3] : memref<128x128xf32, #tpu.memory_space<vmem>>, vector<128x128xf32>
    %dot_general3A = arith.constant dense<0.000000e+00> : vector<10000x128xf32>
    %dot_general3A_5 = tpu.matmul %get3A_1, %get3A_4, %dot_general3A {dimension_numbers = #tpu.dot_dimension_numbers<[1], [1], [0], [0], [0, 0, 1, 0], [], []>, transpose_lhs_hint = false} : vector<10000x128xf32>, vector<128x128xf32>, vector<10000x128xf32> -> vector<10000x128xf32>
    %reduce_sum3A = arith.constant dense<0.000000e+00> : vector<128xf32>
    %reduce_sum3A_6 = vector.multi_reduction <add>, %dot_general3A_5, %reduce_sum3A [0] : vector<10000x128xf32> to vector<128xf32>
    %broadcast_in_dim3A = vector.shape_cast %reduce_sum3A_6 : vector<128xf32> to vector<1x128xf32>
    %div3A = arith.constant 1.000000e+04 : f32
    %div3A_7 = vector.broadcast %div3A : f32 to vector<1x128xf32>
    %div3A_8 = arith.divf %broadcast_in_dim3A, %div3A_7 : vector<1x128xf32>
    %mul3A = arith.mulf %dot_general3A_5, %dot_general3A_5 : vector<10000x128xf32>
    %reduce_sum3A_9 = arith.constant dense<0.000000e+00> : vector<128xf32>
    %reduce_sum3A_10 = vector.multi_reduction <add>, %mul3A, %reduce_sum3A_9 [0] : vector<10000x128xf32> to vector<128xf32>
    %broadcast_in_dim3A_11 = vector.shape_cast %reduce_sum3A_10 : vector<128xf32> to vector<1x128xf32>
    %div3A_12 = arith.constant 1.000000e+04 : f32
    %div3A_13 = vector.broadcast %div3A_12 : f32 to vector<1x128xf32>
    %div3A_14 = arith.divf %broadcast_in_dim3A_11, %div3A_13 : vector<1x128xf32>
    %mul3A_15 = arith.mulf %div3A_8, %div3A_8 : vector<1x128xf32>
    %sub3A = arith.subf %div3A_14, %mul3A_15 : vector<1x128xf32>
    %sub3A_16 = vector.broadcast %div3A_8 : vector<1x128xf32> to vector<10000x128xf32>
    %sub3A_17 = arith.subf %dot_general3A_5, %sub3A_16 : vector<10000x128xf32>
    %get3A_18 = arith.constant 0 : index
    %get3A_19 = arith.constant 0 : index
    %get3A_20 = vector.load %arg2[%get3A_18, %get3A_19] : memref<1x128xf32, #tpu.memory_space<vmem>>, vector<1x128xf32>
    %add3A = arith.constant 9.99999974E-6 : f32
    %add3A_21 = vector.broadcast %add3A : f32 to vector<1x128xf32>
    %add3A_22 = arith.addf %sub3A, %add3A_21 : vector<1x128xf32>
    %sqrt3A = math.sqrt %add3A_22 : vector<1x128xf32>
    %div3A_23 = arith.divf %get3A_20, %sqrt3A : vector<1x128xf32>
    %mul3A_24 = vector.broadcast %div3A_23 : vector<1x128xf32> to vector<10000x128xf32>
    %mul3A_25 = arith.mulf %sub3A_17, %mul3A_24 : vector<10000x128xf32>
    %get3A_26 = arith.constant 0 : index
    %get3A_27 = arith.constant 0 : index
    %get3A_28 = vector.load %arg3[%get3A_26, %get3A_27] : memref<1x128xf32, #tpu.memory_space<vmem>>, vector<1x128xf32>
    %add3A_29 = vector.broadcast %get3A_28 : vector<1x128xf32> to vector<10000x128xf32>
    %add3A_30 = arith.addf %mul3A_25, %add3A_29 : vector<10000x128xf32>
    %swap3A = arith.constant 0 : index
    %swap3A_31 = arith.constant 0 : index
    %swap3A_32 = vector.load %arg5[%swap3A, %swap3A_31] : memref<10000x128xf32, #tpu.memory_space<vmem>>, vector<10000x128xf32>
    tpu.vector_store %arg5[%swap3A, %swap3A_31], %add3A_30 {strides = array<i32>} : memref<10000x128xf32, #tpu.memory_space<vmem>>, vector<10000x128xf32>,
    %get3A_33 = arith.constant 0 : index
    %get3A_34 = arith.constant 0 : index
    %get3A_35 = vector.load %arg4[%get3A_33, %get3A_34] : memref<128x130xf32, #tpu.memory_space<vmem>>, vector<128x130xf32>
    %slice3A = vector.extract_strided_slice %get3A_35 {offsets = [0, 0], sizes = [128, 128], strides = [1, 1]} : vector<128x130xf32> to vector<128x128xf32>
    %iota3A = tpu.iota {dimensions = array<i32: 0>} : vector<128x128xi32>
    %iota3A_36 = tpu.iota {dimensions = array<i32: 1>} : vector<128x128xi32>
    %gt3A = arith.cmpi sgt, %iota3A_36, %iota3A : vector<128x128xi32>
    %jit3A = arith.constant 0.000000e+00 : f32
    %broadcast_in_dim3A_37 = vector.broadcast %jit3A : f32 to vector<128x128xf32>
    %select_n3A = arith.select %gt3A, %slice3A, %broadcast_in_dim3A_37 : vector<128x128xi1>, vector<128x128xf32>
    %transpose3A = tpu.transpose %select_n3A, [1, 0] : vector<128x128xf32> -> vector<128x128xf32>
    %add3A_38 = arith.addf %select_n3A, %transpose3A : vector<128x128xf32>
    %slice3A_39 = vector.extract_strided_slice %get3A_35 {offsets = [0, 128], sizes = [128, 1], strides = [1, 1]} : vector<128x130xf32> to vector<128x1xf32>
    %slice3A_40 = vector.extract_strided_slice %get3A_35 {offsets = [0, 129], sizes = [128, 1], strides = [1, 1]} : vector<128x130xf32> to vector<128x1xf32>
    %abs3A = math.absf %add3A_38 : vector<128x128xf32>
    %reduce_sum3A_41 = arith.constant dense<0.000000e+00> : vector<128xf32>
    %reduce_sum3A_42 = vector.multi_reduction <add>, %abs3A, %reduce_sum3A_41 [1] : vector<128x128xf32> to vector<128xf32>
    %broadcast_in_dim3A_43 = vector.shape_cast %reduce_sum3A_42 : vector<128xf32> to vector<128x1xf32>
    %mul3A_44 = arith.mulf %slice3A_39, %broadcast_in_dim3A_43 : vector<128x1xf32>
    %add3A_45 = arith.addf %mul3A_44, %slice3A_40 : vector<128x1xf32>
    %eq3A = arith.cmpi eq, %iota3A, %iota3A_36 : vector<128x128xi32>
    %jit3A_46 = arith.constant 0.000000e+00 : f32
    %broadcast_in_dim3A_47 = vector.shape_cast %add3A_45 : vector<128x1xf32> to vector<128x1xf32>
    %broadcast_in_dim3A_48 = vector.broadcast %broadcast_in_dim3A_47 : vector<128x1xf32> to vector<128x128xf32>
    %broadcast_in_dim3A_49 = vector.broadcast %jit3A_46 : f32 to vector<128x128xf32>
    %select_n3A_50 = arith.select %eq3A, %broadcast_in_dim3A_48, %broadcast_in_dim3A_49 : vector<128x128xi1>, vector<128x128xf32>
    %add3A_51 = arith.addf %add3A_38, %select_n3A_50 : vector<128x128xf32>
    %swap3A_52 = arith.constant 0 : index
    %swap3A_53 = arith.constant 0 : index
    %swap3A_54 = vector.load %arg6[%swap3A_52, %swap3A_53] : memref<128x128xf32, #tpu.memory_space<vmem>>, vector<128x128xf32>
    tpu.vector_store %arg6[%swap3A_52, %swap3A_53], %add3A_51 {strides = array<i32>} : memref<128x128xf32, #tpu.memory_space<vmem>>, vector<128x128xf32>,
    return
  }
}

module attributes {stable_mosaic.version = 14 : i64} {
  func.func @_prep_body(%arg0: memref<10000x2xf32, #tpu.memory_space<vmem>>, %arg1: memref<10000x128xf32, #tpu.memory_space<vmem>>, %arg2: memref<128x128xf32, #tpu.memory_space<vmem>>, %arg3: memref<10000x1xf32, #tpu.memory_space<vmem>>, %arg4: memref<10000x128xf32, #tpu.memory_space<vmem>>) attributes {dimension_semantics = [], scalar_prefetch = 0 : i64, scratch_operands = 0 : i64, tpu.core_type = #tpu.core_type<tc>} {
    %get3A = arith.constant 0 : index
    %get3A_0 = arith.constant 0 : index
    %get3A_1 = vector.load %arg0[%get3A, %get3A_0] : memref<10000x2xf32, #tpu.memory_space<vmem>>, vector<10000x1xf32>
    %get3A_2 = arith.constant 0 : index
    %get3A_3 = arith.constant 1 : index
    %get3A_4 = vector.load %arg0[%get3A_2, %get3A_3] : memref<10000x2xf32, #tpu.memory_space<vmem>>, vector<10000x1xf32>
    %add3A = arith.addf %get3A_1, %get3A_4 : vector<10000x1xf32>
    %gt3A = arith.constant 0.000000e+00 : f32
    %gt3A_5 = vector.broadcast %gt3A : f32 to vector<10000x1xf32>
    %gt3A_6 = arith.cmpf ogt, %add3A, %gt3A_5 : vector<10000x1xf32>
    %max3A = arith.constant 1.000000e+00 : f32
    %max3A_7 = vector.broadcast %max3A : f32 to vector<10000x1xf32>
    %max3A_8 = arith.maximumf %add3A, %max3A_7 : vector<10000x1xf32>
    %rsqrt3A = math.rsqrt %max3A_8 : vector<10000x1xf32>
    %jit3A = arith.constant 0.000000e+00 : f32
    %broadcast_in_dim3A = vector.broadcast %jit3A : f32 to vector<10000x1xf32>
    %select_n3A = arith.select %gt3A_6, %rsqrt3A, %broadcast_in_dim3A : vector<10000x1xi1>, vector<10000x1xf32>
    %swap3A = arith.constant 0 : index
    %swap3A_9 = arith.constant 0 : index
    %swap3A_10 = vector.load %arg3[%swap3A, %swap3A_9] : memref<10000x1xf32, #tpu.memory_space<vmem>>, vector<10000x1xf32>
    tpu.vector_store %arg3[%swap3A, %swap3A_9], %select_n3A {strides = array<i32>} : memref<10000x1xf32, #tpu.memory_space<vmem>>, vector<10000x1xf32>,
    %get3A_11 = arith.constant 0 : index
    %get3A_12 = arith.constant 0 : index
    %get3A_13 = vector.load %arg1[%get3A_11, %get3A_12] : memref<10000x128xf32, #tpu.memory_space<vmem>>, vector<10000x128xf32>
    %get3A_14 = arith.constant 0 : index
    %get3A_15 = arith.constant 0 : index
    %get3A_16 = vector.load %arg2[%get3A_14, %get3A_15] : memref<128x128xf32, #tpu.memory_space<vmem>>, vector<128x128xf32>
    %dot_general3A = arith.constant dense<0.000000e+00> : vector<10000x128xf32>
    %dot_general3A_17 = tpu.matmul %get3A_13, %get3A_16, %dot_general3A {dimension_numbers = #tpu.dot_dimension_numbers<[1], [1], [0], [0], [0, 0, 1, 0], [], []>, transpose_lhs_hint = false} : vector<10000x128xf32>, vector<128x128xf32>, vector<10000x128xf32> -> vector<10000x128xf32>
    %mul3A = vector.broadcast %select_n3A : vector<10000x1xf32> to vector<10000x128xf32>
    %mul3A_18 = arith.mulf %dot_general3A_17, %mul3A : vector<10000x128xf32>
    %swap3A_19 = arith.constant 0 : index
    %swap3A_20 = arith.constant 0 : index
    %swap3A_21 = vector.load %arg4[%swap3A_19, %swap3A_20] : memref<10000x128xf32, #tpu.memory_space<vmem>>, vector<10000x128xf32>
    tpu.vector_store %arg4[%swap3A_19, %swap3A_20], %mul3A_18 {strides = array<i32>} : memref<10000x128xf32, #tpu.memory_space<vmem>>, vector<10000x128xf32>,
    return
  }
}

module attributes {stable_mosaic.version = 14 : i64} {
  func.func @_mid_body(%arg0: memref<2x10240x128xf32, #tpu.memory_space<vmem>>, %arg1: memref<10000x128xf32, #tpu.memory_space<vmem>>, %arg2: memref<10000x128xf32, #tpu.memory_space<vmem>>, %arg3: memref<10000x1xf32, #tpu.memory_space<vmem>>, %arg4: memref<128x128xf32, #tpu.memory_space<vmem>>, %arg5: memref<1x128xf32, #tpu.memory_space<vmem>>, %arg6: memref<1x1xf32, #tpu.memory_space<vmem>>, %arg7: memref<10000x128xf32, #tpu.memory_space<vmem>>, %arg8: memref<10000x128xf32, #tpu.memory_space<vmem>>) attributes {dimension_semantics = [], scalar_prefetch = 0 : i64, scratch_operands = 0 : i64, tpu.core_type = #tpu.core_type<tc>} {
    %get3A = arith.constant 0 : index
    %get3A_0 = arith.constant 0 : index
    %get3A_1 = arith.constant 0 : index
    %get3A_2 = vector.load %arg0[%get3A, %get3A_0, %get3A_1] : memref<2x10240x128xf32, #tpu.memory_space<vmem>>, vector<1x10000x128xf32>
    %get3A_3 = vector.shape_cast %get3A_2 : vector<1x10000x128xf32> to vector<10000x128xf32>
    %get3A_4 = arith.constant 1 : index
    %get3A_5 = arith.constant 0 : index
    %get3A_6 = arith.constant 0 : index
    %get3A_7 = vector.load %arg0[%get3A_4, %get3A_5, %get3A_6] : memref<2x10240x128xf32, #tpu.memory_space<vmem>>, vector<1x10000x128xf32>
    %get3A_8 = vector.shape_cast %get3A_7 : vector<1x10000x128xf32> to vector<10000x128xf32>
    %add3A = arith.addf %get3A_3, %get3A_8 : vector<10000x128xf32>
    %get3A_9 = arith.constant 0 : index
    %get3A_10 = arith.constant 0 : index
    %get3A_11 = vector.load %arg1[%get3A_9, %get3A_10] : memref<10000x128xf32, #tpu.memory_space<vmem>>, vector<10000x128xf32>
    %get3A_12 = arith.constant 0 : index
    %get3A_13 = arith.constant 0 : index
    %get3A_14 = vector.load %arg3[%get3A_12, %get3A_13] : memref<10000x1xf32, #tpu.memory_space<vmem>>, vector<10000x1xf32>
    %mul3A = vector.broadcast %get3A_14 : vector<10000x1xf32> to vector<10000x128xf32>
    %mul3A_15 = arith.mulf %mul3A, %add3A : vector<10000x128xf32>
    %get3A_16 = arith.constant 0 : index
    %get3A_17 = arith.constant 0 : index
    %get3A_18 = vector.load %arg5[%get3A_16, %get3A_17] : memref<1x128xf32, #tpu.memory_space<vmem>>, vector<1x128xf32>
    %mul3A_19 = vector.broadcast %get3A_18 : vector<1x128xf32> to vector<10000x128xf32>
    %mul3A_20 = arith.mulf %get3A_11, %mul3A_19 : vector<10000x128xf32>
    %sub3A = arith.subf %mul3A_15, %mul3A_20 : vector<10000x128xf32>
    %get3A_21 = arith.constant 0 : index
    %get3A_22 = arith.constant 0 : index
    %get3A_23 = vector.load %arg2[%get3A_21, %get3A_22] : memref<10000x128xf32, #tpu.memory_space<vmem>>, vector<10000x128xf32>
    %get3A_24 = arith.constant 0 : index
    %get3A_25 = arith.constant 0 : index
    %get3A_26 = vector.load %arg6[%get3A_24, %get3A_25] : memref<1x1xf32, #tpu.memory_space<vmem>>, vector<1x1xf32>
    %mul3A_27 = vector.broadcast %get3A_26 : vector<1x1xf32> to vector<10000x128xf32>
    %mul3A_28 = arith.mulf %get3A_23, %mul3A_27 : vector<10000x128xf32>
    %sub3A_29 = arith.subf %sub3A, %mul3A_28 : vector<10000x128xf32>
    %gt3A = arith.constant 0.000000e+00 : f32
    %gt3A_30 = vector.broadcast %gt3A : f32 to vector<10000x128xf32>
    %gt3A_31 = arith.cmpf ogt, %sub3A_29, %gt3A_30 : vector<10000x128xf32>
    %min3A = arith.constant 0.000000e+00 : f32
    %min3A_32 = vector.broadcast %min3A : f32 to vector<10000x128xf32>
    %min3A_33 = arith.minimumf %sub3A_29, %min3A_32 : vector<10000x128xf32>
    %exp3A = math.exp %min3A_33 : vector<10000x128xf32>
    %sub3A_34 = arith.constant 1.000000e+00 : f32
    %sub3A_35 = vector.broadcast %sub3A_34 : f32 to vector<10000x128xf32>
    %sub3A_36 = arith.subf %exp3A, %sub3A_35 : vector<10000x128xf32>
    %select_n3A = arith.select %gt3A_31, %sub3A_29, %sub3A_36 : vector<10000x128xi1>, vector<10000x128xf32>
    %mul3A_37 = arith.constant 1.000000e-01 : f32
    %mul3A_38 = vector.broadcast %mul3A_37 : f32 to vector<10000x128xf32>
    %mul3A_39 = arith.mulf %mul3A_38, %select_n3A : vector<10000x128xf32>
    %add3A_40 = arith.addf %get3A_11, %mul3A_39 : vector<10000x128xf32>
    %swap3A = arith.constant 0 : index
    %swap3A_41 = arith.constant 0 : index
    %swap3A_42 = vector.load %arg7[%swap3A, %swap3A_41] : memref<10000x128xf32, #tpu.memory_space<vmem>>, vector<10000x128xf32>
    tpu.vector_store %arg7[%swap3A, %swap3A_41], %add3A_40 {strides = array<i32>} : memref<10000x128xf32, #tpu.memory_space<vmem>>, vector<10000x128xf32>,
    %get3A_43 = arith.constant 0 : index
    %get3A_44 = arith.constant 0 : index
    %get3A_45 = vector.load %arg4[%get3A_43, %get3A_44] : memref<128x128xf32, #tpu.memory_space<vmem>>, vector<128x128xf32>
    %dot_general3A = arith.constant dense<0.000000e+00> : vector<10000x128xf32>
    %dot_general3A_46 = tpu.matmul %add3A_40, %get3A_45, %dot_general3A {dimension_numbers = #tpu.dot_dimension_numbers<[1], [1], [0], [0], [0, 0, 1, 0], [], []>, transpose_lhs_hint = false} : vector<10000x128xf32>, vector<128x128xf32>, vector<10000x128xf32> -> vector<10000x128xf32>
    %get3A_47 = arith.constant 0 : index
    %get3A_48 = arith.constant 0 : index
    %get3A_49 = vector.load %arg3[%get3A_47, %get3A_48] : memref<10000x1xf32, #tpu.memory_space<vmem>>, vector<10000x1xf32>
    %mul3A_50 = vector.broadcast %get3A_49 : vector<10000x1xf32> to vector<10000x128xf32>
    %mul3A_51 = arith.mulf %dot_general3A_46, %mul3A_50 : vector<10000x128xf32>
    %swap3A_52 = arith.constant 0 : index
    %swap3A_53 = arith.constant 0 : index
    %swap3A_54 = vector.load %arg8[%swap3A_52, %swap3A_53] : memref<10000x128xf32, #tpu.memory_space<vmem>>, vector<10000x128xf32>
    tpu.vector_store %arg8[%swap3A_52, %swap3A_53], %mul3A_51 {strides = array<i32>} : memref<10000x128xf32, #tpu.memory_space<vmem>>, vector<10000x128xf32>,
    return
  }
}

module attributes {stable_mosaic.version = 14 : i64} {
  func.func @_mid_body(%arg0: memref<2x10240x128xf32, #tpu.memory_space<vmem>>, %arg1: memref<10000x128xf32, #tpu.memory_space<vmem>>, %arg2: memref<10000x128xf32, #tpu.memory_space<vmem>>, %arg3: memref<10000x1xf32, #tpu.memory_space<vmem>>, %arg4: memref<128x128xf32, #tpu.memory_space<vmem>>, %arg5: memref<1x128xf32, #tpu.memory_space<vmem>>, %arg6: memref<1x1xf32, #tpu.memory_space<vmem>>, %arg7: memref<10000x128xf32, #tpu.memory_space<vmem>>, %arg8: memref<10000x128xf32, #tpu.memory_space<vmem>>) attributes {dimension_semantics = [], scalar_prefetch = 0 : i64, scratch_operands = 0 : i64, tpu.core_type = #tpu.core_type<tc>} {
    %get3A = arith.constant 0 : index
    %get3A_0 = arith.constant 0 : index
    %get3A_1 = arith.constant 0 : index
    %get3A_2 = vector.load %arg0[%get3A, %get3A_0, %get3A_1] : memref<2x10240x128xf32, #tpu.memory_space<vmem>>, vector<1x10000x128xf32>
    %get3A_3 = vector.shape_cast %get3A_2 : vector<1x10000x128xf32> to vector<10000x128xf32>
    %get3A_4 = arith.constant 1 : index
    %get3A_5 = arith.constant 0 : index
    %get3A_6 = arith.constant 0 : index
    %get3A_7 = vector.load %arg0[%get3A_4, %get3A_5, %get3A_6] : memref<2x10240x128xf32, #tpu.memory_space<vmem>>, vector<1x10000x128xf32>
    %get3A_8 = vector.shape_cast %get3A_7 : vector<1x10000x128xf32> to vector<10000x128xf32>
    %add3A = arith.addf %get3A_3, %get3A_8 : vector<10000x128xf32>
    %get3A_9 = arith.constant 0 : index
    %get3A_10 = arith.constant 0 : index
    %get3A_11 = vector.load %arg1[%get3A_9, %get3A_10] : memref<10000x128xf32, #tpu.memory_space<vmem>>, vector<10000x128xf32>
    %get3A_12 = arith.constant 0 : index
    %get3A_13 = arith.constant 0 : index
    %get3A_14 = vector.load %arg3[%get3A_12, %get3A_13] : memref<10000x1xf32, #tpu.memory_space<vmem>>, vector<10000x1xf32>
    %mul3A = vector.broadcast %get3A_14 : vector<10000x1xf32> to vector<10000x128xf32>
    %mul3A_15 = arith.mulf %mul3A, %add3A : vector<10000x128xf32>
    %get3A_16 = arith.constant 0 : index
    %get3A_17 = arith.constant 0 : index
    %get3A_18 = vector.load %arg5[%get3A_16, %get3A_17] : memref<1x128xf32, #tpu.memory_space<vmem>>, vector<1x128xf32>
    %mul3A_19 = vector.broadcast %get3A_18 : vector<1x128xf32> to vector<10000x128xf32>
    %mul3A_20 = arith.mulf %get3A_11, %mul3A_19 : vector<10000x128xf32>
    %sub3A = arith.subf %mul3A_15, %mul3A_20 : vector<10000x128xf32>
    %get3A_21 = arith.constant 0 : index
    %get3A_22 = arith.constant 0 : index
    %get3A_23 = vector.load %arg2[%get3A_21, %get3A_22] : memref<10000x128xf32, #tpu.memory_space<vmem>>, vector<10000x128xf32>
    %get3A_24 = arith.constant 0 : index
    %get3A_25 = arith.constant 0 : index
    %get3A_26 = vector.load %arg6[%get3A_24, %get3A_25] : memref<1x1xf32, #tpu.memory_space<vmem>>, vector<1x1xf32>
    %mul3A_27 = vector.broadcast %get3A_26 : vector<1x1xf32> to vector<10000x128xf32>
    %mul3A_28 = arith.mulf %get3A_23, %mul3A_27 : vector<10000x128xf32>
    %sub3A_29 = arith.subf %sub3A, %mul3A_28 : vector<10000x128xf32>
    %gt3A = arith.constant 0.000000e+00 : f32
    %gt3A_30 = vector.broadcast %gt3A : f32 to vector<10000x128xf32>
    %gt3A_31 = arith.cmpf ogt, %sub3A_29, %gt3A_30 : vector<10000x128xf32>
    %min3A = arith.constant 0.000000e+00 : f32
    %min3A_32 = vector.broadcast %min3A : f32 to vector<10000x128xf32>
    %min3A_33 = arith.minimumf %sub3A_29, %min3A_32 : vector<10000x128xf32>
    %exp3A = math.exp %min3A_33 : vector<10000x128xf32>
    %sub3A_34 = arith.constant 1.000000e+00 : f32
    %sub3A_35 = vector.broadcast %sub3A_34 : f32 to vector<10000x128xf32>
    %sub3A_36 = arith.subf %exp3A, %sub3A_35 : vector<10000x128xf32>
    %select_n3A = arith.select %gt3A_31, %sub3A_29, %sub3A_36 : vector<10000x128xi1>, vector<10000x128xf32>
    %mul3A_37 = arith.constant 1.000000e-01 : f32
    %mul3A_38 = vector.broadcast %mul3A_37 : f32 to vector<10000x128xf32>
    %mul3A_39 = arith.mulf %mul3A_38, %select_n3A : vector<10000x128xf32>
    %add3A_40 = arith.addf %get3A_11, %mul3A_39 : vector<10000x128xf32>
    %swap3A = arith.constant 0 : index
    %swap3A_41 = arith.constant 0 : index
    %swap3A_42 = vector.load %arg7[%swap3A, %swap3A_41] : memref<10000x128xf32, #tpu.memory_space<vmem>>, vector<10000x128xf32>
    tpu.vector_store %arg7[%swap3A, %swap3A_41], %add3A_40 {strides = array<i32>} : memref<10000x128xf32, #tpu.memory_space<vmem>>, vector<10000x128xf32>,
    %get3A_43 = arith.constant 0 : index
    %get3A_44 = arith.constant 0 : index
    %get3A_45 = vector.load %arg4[%get3A_43, %get3A_44] : memref<128x128xf32, #tpu.memory_space<vmem>>, vector<128x128xf32>
    %dot_general3A = arith.constant dense<0.000000e+00> : vector<10000x128xf32>
    %dot_general3A_46 = tpu.matmul %add3A_40, %get3A_45, %dot_general3A {dimension_numbers = #tpu.dot_dimension_numbers<[1], [1], [0], [0], [0, 0, 1, 0], [], []>, transpose_lhs_hint = false} : vector<10000x128xf32>, vector<128x128xf32>, vector<10000x128xf32> -> vector<10000x128xf32>
    %get3A_47 = arith.constant 0 : index
    %get3A_48 = arith.constant 0 : index
    %get3A_49 = vector.load %arg3[%get3A_47, %get3A_48] : memref<10000x1xf32, #tpu.memory_space<vmem>>, vector<10000x1xf32>
    %mul3A_50 = vector.broadcast %get3A_49 : vector<10000x1xf32> to vector<10000x128xf32>
    %mul3A_51 = arith.mulf %dot_general3A_46, %mul3A_50 : vector<10000x128xf32>
    %swap3A_52 = arith.constant 0 : index
    %swap3A_53 = arith.constant 0 : index
    %swap3A_54 = vector.load %arg8[%swap3A_52, %swap3A_53] : memref<10000x128xf32, #tpu.memory_space<vmem>>, vector<10000x128xf32>
    tpu.vector_store %arg8[%swap3A_52, %swap3A_53], %mul3A_51 {strides = array<i32>} : memref<10000x128xf32, #tpu.memory_space<vmem>>, vector<10000x128xf32>,
    return
  }
}

module attributes {stable_mosaic.version = 14 : i64} {
  func.func @_fin_body(%arg0: memref<2x10240x128xf32, #tpu.memory_space<vmem>>, %arg1: memref<10000x128xf32, #tpu.memory_space<vmem>>, %arg2: memref<10000x128xf32, #tpu.memory_space<vmem>>, %arg3: memref<10000x1xf32, #tpu.memory_space<vmem>>, %arg4: memref<1x128xf32, #tpu.memory_space<vmem>>, %arg5: memref<1x1xf32, #tpu.memory_space<vmem>>, %arg6: memref<128x128xf32, #tpu.memory_space<vmem>>, %arg7: memref<1x128xf32, #tpu.memory_space<vmem>>, %arg8: memref<128x128xf32, #tpu.memory_space<vmem>>, %arg9: memref<1x128xf32, #tpu.memory_space<vmem>>, %arg10: memref<10000x128xf32, #tpu.memory_space<vmem>>) attributes {dimension_semantics = [], scalar_prefetch = 0 : i64, scratch_operands = 0 : i64, tpu.core_type = #tpu.core_type<tc>} {
    %get3A = arith.constant 0 : index
    %get3A_0 = arith.constant 0 : index
    %get3A_1 = arith.constant 0 : index
    %get3A_2 = vector.load %arg0[%get3A, %get3A_0, %get3A_1] : memref<2x10240x128xf32, #tpu.memory_space<vmem>>, vector<1x10000x128xf32>
    %get3A_3 = vector.shape_cast %get3A_2 : vector<1x10000x128xf32> to vector<10000x128xf32>
    %get3A_4 = arith.constant 1 : index
    %get3A_5 = arith.constant 0 : index
    %get3A_6 = arith.constant 0 : index
    %get3A_7 = vector.load %arg0[%get3A_4, %get3A_5, %get3A_6] : memref<2x10240x128xf32, #tpu.memory_space<vmem>>, vector<1x10000x128xf32>
    %get3A_8 = vector.shape_cast %get3A_7 : vector<1x10000x128xf32> to vector<10000x128xf32>
    %add3A = arith.addf %get3A_3, %get3A_8 : vector<10000x128xf32>
    %get3A_9 = arith.constant 0 : index
    %get3A_10 = arith.constant 0 : index
    %get3A_11 = vector.load %arg1[%get3A_9, %get3A_10] : memref<10000x128xf32, #tpu.memory_space<vmem>>, vector<10000x128xf32>
    %get3A_12 = arith.constant 0 : index
    %get3A_13 = arith.constant 0 : index
    %get3A_14 = vector.load %arg3[%get3A_12, %get3A_13] : memref<10000x1xf32, #tpu.memory_space<vmem>>, vector<10000x1xf32>
    %mul3A = vector.broadcast %get3A_14 : vector<10000x1xf32> to vector<10000x128xf32>
    %mul3A_15 = arith.mulf %mul3A, %add3A : vector<10000x128xf32>
    %get3A_16 = arith.constant 0 : index
    %get3A_17 = arith.constant 0 : index
    %get3A_18 = vector.load %arg4[%get3A_16, %get3A_17] : memref<1x128xf32, #tpu.memory_space<vmem>>, vector<1x128xf32>
    %mul3A_19 = vector.broadcast %get3A_18 : vector<1x128xf32> to vector<10000x128xf32>
    %mul3A_20 = arith.mulf %get3A_11, %mul3A_19 : vector<10000x128xf32>
    %sub3A = arith.subf %mul3A_15, %mul3A_20 : vector<10000x128xf32>
    %get3A_21 = arith.constant 0 : index
    %get3A_22 = arith.constant 0 : index
    %get3A_23 = vector.load %arg2[%get3A_21, %get3A_22] : memref<10000x128xf32, #tpu.memory_space<vmem>>, vector<10000x128xf32>
    %get3A_24 = arith.constant 0 : index
    %get3A_25 = arith.constant 0 : index
    %get3A_26 = vector.load %arg5[%get3A_24, %get3A_25] : memref<1x1xf32, #tpu.memory_space<vmem>>, vector<1x1xf32>
    %mul3A_27 = vector.broadcast %get3A_26 : vector<1x1xf32> to vector<10000x128xf32>
    %mul3A_28 = arith.mulf %get3A_23, %mul3A_27 : vector<10000x128xf32>
    %sub3A_29 = arith.subf %sub3A, %mul3A_28 : vector<10000x128xf32>
    %gt3A = arith.constant 0.000000e+00 : f32
    %gt3A_30 = vector.broadcast %gt3A : f32 to vector<10000x128xf32>
    %gt3A_31 = arith.cmpf ogt, %sub3A_29, %gt3A_30 : vector<10000x128xf32>
    %min3A = arith.constant 0.000000e+00 : f32
    %min3A_32 = vector.broadcast %min3A : f32 to vector<10000x128xf32>
    %min3A_33 = arith.minimumf %sub3A_29, %min3A_32 : vector<10000x128xf32>
    %exp3A = math.exp %min3A_33 : vector<10000x128xf32>
    %sub3A_34 = arith.constant 1.000000e+00 : f32
    %sub3A_35 = vector.broadcast %sub3A_34 : f32 to vector<10000x128xf32>
    %sub3A_36 = arith.subf %exp3A, %sub3A_35 : vector<10000x128xf32>
    %select_n3A = arith.select %gt3A_31, %sub3A_29, %sub3A_36 : vector<10000x128xi1>, vector<10000x128xf32>
    %mul3A_37 = arith.constant 1.000000e-01 : f32
    %mul3A_38 = vector.broadcast %mul3A_37 : f32 to vector<10000x128xf32>
    %mul3A_39 = arith.mulf %mul3A_38, %select_n3A : vector<10000x128xf32>
    %add3A_40 = arith.addf %get3A_11, %mul3A_39 : vector<10000x128xf32>
    %get3A_41 = arith.constant 0 : index
    %get3A_42 = arith.constant 0 : index
    %get3A_43 = vector.load %arg6[%get3A_41, %get3A_42] : memref<128x128xf32, #tpu.memory_space<vmem>>, vector<128x128xf32>
    %dot_general3A = arith.constant dense<0.000000e+00> : vector<10000x128xf32>
    %dot_general3A_44 = tpu.matmul %add3A_40, %get3A_43, %dot_general3A {dimension_numbers = #tpu.dot_dimension_numbers<[1], [1], [0], [0], [0, 0, 1, 0], [], []>, transpose_lhs_hint = false} : vector<10000x128xf32>, vector<128x128xf32>, vector<10000x128xf32> -> vector<10000x128xf32>
    %get3A_45 = arith.constant 0 : index
    %get3A_46 = arith.constant 0 : index
    %get3A_47 = vector.load %arg7[%get3A_45, %get3A_46] : memref<1x128xf32, #tpu.memory_space<vmem>>, vector<1x128xf32>
    %add3A_48 = vector.broadcast %get3A_47 : vector<1x128xf32> to vector<10000x128xf32>
    %add3A_49 = arith.addf %dot_general3A_44, %add3A_48 : vector<10000x128xf32>
    %gt3A_50 = arith.constant 0.000000e+00 : f32
    %gt3A_51 = vector.broadcast %gt3A_50 : f32 to vector<10000x128xf32>
    %gt3A_52 = arith.cmpf ogt, %add3A_49, %gt3A_51 : vector<10000x128xf32>
    %min3A_53 = arith.constant 0.000000e+00 : f32
    %min3A_54 = vector.broadcast %min3A_53 : f32 to vector<10000x128xf32>
    %min3A_55 = arith.minimumf %add3A_49, %min3A_54 : vector<10000x128xf32>
    %exp3A_56 = math.exp %min3A_55 : vector<10000x128xf32>
    %sub3A_57 = arith.constant 1.000000e+00 : f32
    %sub3A_58 = vector.broadcast %sub3A_57 : f32 to vector<10000x128xf32>
    %sub3A_59 = arith.subf %exp3A_56, %sub3A_58 : vector<10000x128xf32>
    %select_n3A_60 = arith.select %gt3A_52, %add3A_49, %sub3A_59 : vector<10000x128xi1>, vector<10000x128xf32>
    %get3A_61 = arith.constant 0 : index
    %get3A_62 = arith.constant 0 : index
    %get3A_63 = vector.load %arg8[%get3A_61, %get3A_62] : memref<128x128xf32, #tpu.memory_space<vmem>>, vector<128x128xf32>
    %dot_general3A_64 = arith.constant dense<0.000000e+00> : vector<10000x128xf32>
    %dot_general3A_65 = tpu.matmul %select_n3A_60, %get3A_63, %dot_general3A_64 {dimension_numbers = #tpu.dot_dimension_numbers<[1], [1], [0], [0], [0, 0, 1, 0], [], []>, transpose_lhs_hint = false} : vector<10000x128xf32>, vector<128x128xf32>, vector<10000x128xf32> -> vector<10000x128xf32>
    %get3A_66 = arith.constant 0 : index
    %get3A_67 = arith.constant 0 : index
    %get3A_68 = vector.load %arg9[%get3A_66, %get3A_67] : memref<1x128xf32, #tpu.memory_space<vmem>>, vector<1x128xf32>
    %add3A_69 = vector.broadcast %get3A_68 : vector<1x128xf32> to vector<10000x128xf32>
    %add3A_70 = arith.addf %dot_general3A_65, %add3A_69 : vector<10000x128xf32>
    %swap3A = arith.constant 0 : index
    %swap3A_71 = arith.constant 0 : index
    %swap3A_72 = vector.load %arg10[%swap3A, %swap3A_71] : memref<10000x128xf32, #tpu.memory_space<vmem>>, vector<10000x128xf32>
    tpu.vector_store %arg10[%swap3A, %swap3A_71], %add3A_70 {strides = array<i32>} : memref<10000x128xf32, #tpu.memory_space<vmem>>, vector<10000x128xf32>,
    return
  }
}

</mosaic_0001>

<sc_bundles>
// kernel: kernel.13.cloned.1.call-start
scs
__scs_entry_jumppad:
0x0: {  	(pc) =	sbr.rel $0x88, $3  }
0x1: {  	(tag) =	ssettag $0x0;
	lr =	simm.s32 $0x1  }
0x2: {  	[smem:$0x3F95] =	sst lr;
	_ =	strace $0xD0000000  }
0x3: {  	_ = 	snop  }
0x4: {  	_ = 	snop  }
0x5: {  	_ = 	snop  }
0x6: {  	_ = 	snop  }
0x7: {  	_ = 	snop  }
__scs_overlays_trampoline_lowered:
0x8: {  	[smem:$0x3FA4] =	sst s0  }
0x9: {  	[smem:$0x3FA5] =	sst s1  }
0xa: {  	[smem:$0x3FA6] =	sst s2  }
0xb: {  	[smem:$0x3FA7] =	sst s3  }
0xc: {  	[smem:$0x3FA8] =	sst s4  }
0xd: {  	[smem:$0x3FA9] =	sst s5  }
0xe: {  	[smem:$0x3FAA] =	sst s6  }
0xf: {  	[smem:$0x3FAB] =	sst s7  }
0x10: {  	[smem:$0x3FAC] =	sst s8  }
0x11: {  	[smem:$0x3FAD] =	sst s9;
	s0 =	simm.s32 @!p0 $0x0  }
0x12: {  	s1 =	sld [smem:$0x3F93];
	s0 =	simm.s32 @p0 $0x1  }
0x13: {  	[smem:$0x3FAE] =	sst s0;
	s0 =	simm.s32 @!p1 $0x0  }
0x14: {  	s2 =	sld [smem:$0x3F92];
	s0 =	simm.s32 @p1 $0x1  }
0x15: {  	[smem:$0x3FAF] =	sst s0;
	s0 =	simm.s32 @!p2 $0x0  }
0x16: {  	s3 =	sld [smem:$0x3FDB];
	s0 =	simm.s32 @p2 $0x1  }
0x17: {  	s4 =	simm.s32 $0x1BF5;
	[smem:$0x3FB1] =	sst s0  }
0x18: {  	s0 =	sld [smem:$0x3F94];
	_ =	swait.ge [sflag:s4], $0x0  }
0x19: {  	s7 =	sld [smem:$0x3F95]  }
0x1a: {  	s8 =	sadd.s32 $0xFFFFE003, lr  }
0x1b: {  	s9 =	sadd.s32 $0xFFFFFEF7, lr;
	s5 =	simm.s32 $0xFFFFFFFF;
	p2 =	slt.u32 s8, $0xFFFFF086  }
0x1c: {  	p1 =	slt.u32 s9, $0xF7A;
	s5 =	simm.s32 @!p2 $0x0  }
0x1d: {  	s5 =	simm.s32 @p1 $0x1;
	p0 =	seq.s32 s7, s2  }
0x1e: {  	s7 =	smul.u32 @!p0 $0xF7A, s2;
	p2 =	seq.s32 @!p0 s5, $0x0  }
0x1f: {  	s9 =	smul.u32 $0xF7A, s1;
	s8 =	simm.s32 @!p0 $0x1BF5;
	p2 =	por !p2, p0  }
0x20: {  	[sflag:s8] =	ssyncset.s32 @!p0 $0xFFFFF086;
	s6 =	sadd.s32 @!p0 s3, s7;
	s7 =	simm.s32 @!p0 $0x108  }
0x21: {  	s3 =	sadd.s32 s3, s9;
	s6 =	sadd.s32 @!p0 $0x88, s6;
	s7 =	simm.s32 @p2 $0x1082  }
0x22: {  	[simem:s7], [sflag:s8] =	dma.local @!p0 [hbm:s6], $0xF7A  }
0x23: {  	s9 =	sor.u32 $0xD0000000, s2;
	s6 =	simm.s32 $0x108;
	_ =	swait.ge @!p0 [sflag:s8], $0x0  }
0x24: {  	s3 =	sadd.s32 $0x88, s3;
	s6 =	simm.s32 @!p1 $0x1082;
	[sflag:s4] =	ssyncset.s32 $0xFFFFF086  }
0x25: {  	[simem:s6], [sflag:s4] =	dma.local [hbm:s3], $0xF7A  }
0x26: {  	[smem:$0x3F95] =	sst s1;
	(tag) =	ssettag s2;
	_ =	strace s9  }
0x27: {  	s1 =	sld [smem:$0x3FA5]  }
0x28: {  	s2 =	sld [smem:$0x3FA6]  }
0x29: {  	s4 =	sld [smem:$0x3FA8]  }
0x2a: {  	p0 =	seq.s32 s5, $0x0;
	s5 =	sld [smem:$0x3FA9]  }
0x2b: {  	s6 =	sld [smem:$0x3FAA]  }
0x2c: {  	s7 =	sld [smem:$0x3FAB]  }
0x2d: {  	s3 =	simm.s32 $0x108;
	s8 =	sld [smem:$0x3FAC]  }
0x2e: {  	s3 =	simm.s32 @!p0 $0x1082;
	s9 =	sld [smem:$0x3FAD]  }
0x2f: {  	lr =	sadd.s32 s0, s3;
	s0 =	sld [smem:$0x3FA4]  }
0x30: {  	s3 =	sld [smem:$0x3FA7]  }
0x31: {  	[smem:$0x3FB0] =	sst s10  }
0x32: {  	s10 =	sld [smem:$0x3FAE];
	_ =	sdelay $0x3  }
0x33: {  	p0 =	seq.s32 s10, $0x1;
	s10 =	sld [smem:$0x3FB0];
	_ =	sdelay $0x3  }
0x34: {  	[smem:$0x3FB0] =	sst s10  }
0x35: {  	s10 =	sld [smem:$0x3FAF];
	_ =	sdelay $0x3  }
0x36: {  	p1 =	seq.s32 s10, $0x1;
	s10 =	sld [smem:$0x3FB0];
	_ =	sdelay $0x3  }
0x37: {  	[smem:$0x3FB0] =	sst s10  }
0x38: {  	s10 =	sld [smem:$0x3FB1]  }
0x39: {  	_ = 	snop;
	(pc) =	sbr.ind lr, $3  }
0x3a: {  	_ = 	snop  }
0x3b: {  	_ = 	snop  }
0x3c: {  	p2 =	seq.s32 s10, $0x1;
	s10 =	sld [smem:$0x3FB0]  }
0x3d: {  	_ =	shalt  }
0x3e: {  	_ =	shalt  }
0x3f: {  	_ =	shalt  }
0x40: {  	_ =	shalt  }
0x41: {  	_ =	shalt  }
0x42: {  	_ =	shalt  }
0x43: {  	_ =	shalt  }
0x44: {  	_ =	shalt  }
0x45: {  	_ =	shalt  }
0x46: {  	_ =	shalt  }
0x47: {  	_ =	shalt  }
0x48: {  	_ =	shalt  }
0x49: {  	_ =	shalt  }
0x4a: {  	_ =	shalt  }
0x4b: {  	_ =	shalt  }
0x4c: {  	_ =	shalt  }
0x4d: {  	_ =	shalt  }
0x4e: {  	_ =	shalt  }
0x4f: {  	_ =	shalt  }
0x50: {  	_ =	shalt  }
0x51: {  	_ =	shalt  }
0x52: {  	_ =	shalt  }
0x53: {  	_ =	shalt  }
0x54: {  	_ =	shalt  }
0x55: {  	_ =	shalt  }
0x56: {  	_ =	shalt  }
0x57: {  	_ =	shalt  }
0x58: {  	_ =	shalt  }
0x59: {  	_ =	shalt  }
0x5a: {  	_ =	shalt  }
0x5b: {  	_ =	shalt  }
0x5c: {  	_ =	shalt  }
0x5d: {  	_ =	shalt  }
0x5e: {  	_ =	shalt  }
0x5f: {  	_ =	shalt  }
0x60: {  	_ =	shalt  }
0x61: {  	_ =	shalt  }
0x62: {  	_ =	shalt  }
0x63: {  	_ =	shalt  }
0x64: {  	_ =	shalt  }
0x65: {  	_ =	shalt  }
0x66: {  	_ =	shalt  }
0x67: {  	_ =	shalt  }
0x68: {  	_ =	shalt  }
0x69: {  	_ =	shalt  }
0x6a: {  	_ =	shalt  }
0x6b: {  	_ =	shalt  }
0x6c: {  	_ =	shalt  }
0x6d: {  	_ =	shalt  }
0x6e: {  	_ =	shalt  }
0x6f: {  	_ =	shalt  }
0x70: {  	_ =	shalt  }
0x71: {  	_ =	shalt  }
0x72: {  	_ =	shalt  }
0x73: {  	_ =	shalt  }
0x74: {  	_ =	shalt  }
0x75: {  	_ =	shalt  }
0x76: {  	_ =	shalt  }
0x77: {  	_ =	shalt  }
0x78: {  	_ =	shalt  }
0x79: {  	_ =	shalt  }
0x7a: {  	_ =	shalt  }
0x7b: {  	_ =	shalt  }
0x7c: {  	_ =	shalt  }
0x7d: {  	_ =	shalt  }
0x7e: {  	_ =	shalt  }
0x7f: {  	_ =	shalt  }
0x80: {  	_ =	shalt  }
0x81: {  	_ =	shalt  }
0x82: {  	_ =	shalt  }
0x83: {  	_ =	shalt  }
0x84: {  	_ =	shalt  }
0x85: {  	_ =	shalt  }
0x86: {  	_ =	shalt  }
0x87: {  	_ =	shalt  }
.Lfunc_end0:
.L_simem_size_0:
called_computation_lowered:
.L_overlay_start_0:
0x88: {  	s2 =	sld [smem:$0x3FD9]  }
0x89: {  	s3 =	sld [smem:$0x3FFE];
	_ =	sdelay $0x1  }
0x8a: {  	s1 =	srdreg.scid  }
0x8b: {  	s0 =	sand.u32 $0x1, s1  }
0x8c: {  	s17 =	sshll.u32 s0, $0xA;
	s2 =	sadd.s32 s3, s2  }
0x8d: {  	s2 =	sadd.s32 s2, s17  }
0x8e: {  	[smem:$0x3FBC] =	sst s2  }
0x8f: {  	_ = 	snop  }
0x90: {  	s2 =	sld [smem:$0x3FD0];
	(tm) =	ssettm $0x1  }
0x91: {  	s18 =	sld [smem:$0x3FFB];
	_ =	sdelay $0x3  }
0x92: {  	_ =	strace s18  }
0x93: {  	s3 =	sld [smem:$0x3FFC];
	_ =	sdelay $0x3  }
0x94: {  	_ =	strace s3  }
0x95: {  	s3 =	sld [smem:$0x3FFD];
	_ =	sdelay $0x3  }
0x96: {  	_ =	strace s3  }
0x97: {  	_ =	strace $0x8FFFFFFF  }
0x98: {  	s19 =	sld [smem:$0x3FDB];
	_ =	sdelay $0x1  }
0x99: {  	s4 =	simm.s32 $_scs_section_size  }
0x9a: {  	s5 =	simm.s32 $_size__tile_overlayer_lowered;
	s6 =	simm.s32 $_tile_overlayer_lowered  }
0x9b: {  	s22 =	simm.s32 $0x1BFF;
	s21 =	sshll.u32 s6, $0x1;
	s3 =	sadd.s32 s4, s19  }
0x9c: {  	s7 =	simm.s32 $0x0;
	s20 =	sshll.u32 s5, $0x1;
	s5 =	sadd.s32 s21, s3  }
0x9d: {  	[timem:s7], [sflag:s22] =	dma.local [hbm:s5], s20  }
0x9e: {  	_ =	swait.ge [sflag:s22], s20  }
0x9f: {  	s4 =	ssub.s32 $0x0, s20;
	[sflag:s22] =	ssyncset.done $0x0  }
0xa0: {  	[sflag:s22] =	ssyncadd.s32 s4;
	_ =	sdelay $0x1  }
0xa1: {  	s23 =	simm.s32 $0x1B8B  }
0xa2: {  	_ =	swait.ge [sflag:s23], $0x1  }
0xa3: {  	[sflag:s23] =	ssyncset.done $0x0  }
0xa4: {  	s25 =	simm.s32 $0x1B8E;
	s24 =	sld [smem:$0x3FFE];
	[sflag:s23] =	ssyncadd.s32 $0xFFFFFFFF  }
0xa5: {  	s26 =	simm.s32 $execute0_lowered;
	[smem:$0x3FD2] =	sst s25  }
0xa6: {  	s5 =	sshll.u32 s26, $0x1;
	_ =	strace $0x80000046;
	[dreg:$0x1] =	wrdreg $0xFFFFFFFF  }
0xa7: {  	s28 =	simm.s32 $_size_execute0_lowered;
	s3 =	sadd.s32 s3, s5;
	[dreg:$0x0] =	wrdreg $0x0  }
0xa8: {  	s5 =	sshll.u32 s28, $0x1;
	[dreg:$0x2] =	wrdreg s3  }
0xa9: {  	[dreg:$0x3] =	wrdreg s5  }
0xaa: {  	[dreg:$0x4] =	wrdreg $0xC0  }
0xab: {  	_ =	task [dreg:s7], $0x5FFFF  }
0xac: {  	[dreg:$0x1] =	wrdreg $0xFFFFFFFF  }
0xad: {  	[dreg:$0x0] =	wrdreg $0x60  }
0xae: {  	[dreg:$0x2] =	wrdreg s2  }
0xaf: {  	[dreg:$0x3] =	wrdreg s24  }
0xb0: {  	[dreg:$0x4] =	wrdreg $0x43000  }
0xb1: {  	[dreg:$0x5] =	wrdreg $0x9  }
0xb2: {  	_ =	task.clear_ibuf [dreg:s7], $0x6FFFF;
	_ =	strace $0x90000046  }
0xb3: {  	s29 =	simm.s32 $0x9;
	_ =	strace $0x80000048  }
0xb4: {  	_ =	swait.ge [sflag:s29], $0x1  }
0xb5: {  	[sflag:s29] =	ssyncadd.s32 $0xFFFFFFFF  }
0xb6: {  	_ =	strace $0x90000048  }
0xb7: {  	_ =	sfence  }
0xb8: {  	s30 =	sld [smem:$0x0];
	_ =	sdelay $0x2  }
0xb9: {  	s31 =	sshll.u32 s1, $0xD;
	s1 =	sshrl.u32 s1, $0x2  }
0xba: {  	s3 =	sand.u32 $0x4000, s31;
	s1 =	sadd.s32 s1, s30  }
0xbb: {  	s0 =	sor.u32 s3, s0;
	s1 =	sshll.u32 s1, $0x11  }
0xbc: {  	s0 =	sor.u32 s1, s0  }
0xbd: {  	s0 =	sadd.s32 $0x8F2B, s0  }
0xbe: {  	[sflag:s0] =	ssyncadd.remote.s32 $0x1  }
0xbf: {  	_ =	sfence.sel $0xFFFF  }
0xc0: {  	[dreg:$0x0] =	wrdreg $0xFFFFFFFF;
	(pc) =	sbr.abs _section_cstart, $3  }
0xc1: {  	[dreg:$0x1] =	wrdreg $0xFFFFFFFF  }
0xc2: {  	_ =	task.clear_ibuf [dreg:s7], $0x2FFFF;
	_ =	strace $0x9FFFFFFF  }
0xc3: {  	(tm) =	ssettm $0x7FFFFFFF  }
tec
execute0_lowered:
.L_overlay_start_1:
0x0: {  	(tag) =	ssettag $0x1  }
0x1: {  	s5 =	rddreg [dreg:$0x0]  }
0x2: {  	s6 =	rddreg [dreg:$0x1]  }
0x3: {  	s2 =	rddreg [dreg:$0x2]  }
0x4: {  	s0 =	rddreg [dreg:$0x3]  }
0x5: {  	s1 =	stileid.u32;
	s4 =	srdreg.scid;
	s3 =	simm.s32 $0x0  }
0x6: {  	s14 =	simm.s32 $0x0;
	s7 =	smul.u32 $0x280, s1;
	s8 =	sand.u32 $0x1, s4  }
0x7: {  	[smem:$0x7FF] =	sst s3;
	s4 =	sadd.s32 $0x4200, s6;
	s12 =	sshll.u32 s1, $0xB  }
0x8: {  	s9 =	smul.u32 $0x2800, s8;
	_ =	strace $0x80000047;
	s11 =	ssub.s32 $0x2, s8  }
0x9: {  	s8 =	sshll.u32 s8, $0xF;
	s5 =	sadd.s32 s5, s12;
	s12 =	simm.s32 $0x4080  }
0xa: {  	s10 =	sshrl.u32 s7, $0x3;
	s13 =	sshrl.u32 s11, $0x1;
	s5 =	sadd.s32 s8, s5  }
0xb: {  	s10 =	sadd.s32 s10, s6;
	s9 =	sadd.s32 s7, s9;
	s11 =	ssub.s32 s11, s13  }
0xc: {  	s7 =	sadd.s32 s7, s2;
	s13 =	simm.s32 $0x50;
	s9 =	sshrl.u32 s9, $0x3  }
0xd: {  	s9 =	sadd.s32 s9, s6;
	s6 =	sadd.s32 $0x4400, s10;
	s10 =	simm.s32 $0x1  }
0xe: {  	s8 =	sadd.s32 $0x4A00, s9;
	s9 =	smax.u32 s11, $0x1;
	s11 =	simm.s32 $0x4000  }
.LBB2_1:
0xf: {  	[tilespmem:s3], [sflag:$0x1] =	stream.linear.gather [hbm4b:s5+s3], $0x3E80, $0x38;
	[tilespmem:$0x4580] =	vst v63  }
0x10: {  	_ =	swait.ge [sflag:s10], $0x3E80  }
0x11: {  	[sflag:s10] =	ssyncset.done $0x0  }
0x12: {  	[sflag:s10] =	ssyncadd.s32 $0xFFFFC180  }
0x13: {  	[tilespmem:s11], [sflag:$0x1] =	stream.linear.gather [hbm4b:s4+s3], $0x80, $0x38;
	[tilespmem:$0x4580] =	vst v63  }
0x14: {  	_ =	swait.ge [sflag:s10], $0x80  }
0x15: {  	[sflag:s10] =	ssyncset.done $0x0  }
0x16: {  	[sflag:s10] =	ssyncadd.s32 $0xFFFFFF80  }
0x17: {  	[tilespmem:s12], [sflag:$0x1] =	stream.linear.gather [hbm4b:s6+s3], $0x280, $0x38;
	[tilespmem:$0x4580] =	vst v63  }
0x18: {  	_ =	swait.ge [sflag:s10], $0x280  }
0x19: {  	[sflag:s10] =	ssyncset.done $0x0  }
0x1a: {  	[sflag:s10] =	ssyncadd.s32 $0xFFFFFD80  }
0x1b: {  	[spmem:s7] =	stream.linear.scatter [tilespmem:s12], [sflag:$0x1], $0x280, $0x38;
	[tilespmem:$0x4580] =	vst v63  }
0x1c: {  	_ =	swait.ge [sflag:s10], $0x280  }
0x1d: {  	[sflag:s10] =	ssyncset.done $0x0  }
0x1e: {  	[sflag:s10] =	ssyncadd.s32 $0xFFFFFD80  }
0x1f: {  	s15 =	simm.s32 $0x0;
	[bflag:$0x0] =	sbarrier.arrive $0xFFFF  }
0x20: {  	[spmem:s2] =	stream.indirect.scatter.add.f32 [tilespmem:s11], [sflag:$0x1], $0x1, s15, s13, $0xb8;
	[tilespmem:$0x4580] =	vst v63  }
0x21: {  	_ =	swait.ge [sflag:s10], $0x50  }
0x22: {  	s15 =	simm.s32 $0x200;
	[sflag:s10] =	ssyncset.done $0x0  }
.LBB2_2:
0x23: {  	s16 =	sshra.s32 s15, $0x2;
	[sflag:s10] =	ssyncadd.s32 $0xFFFFFFB0;
	p0 =	sne.s32 s15, $0xF800  }
0x24: {  	[spmem:s2] =	stream.indirect.scatter.add.f32 [tilespmem:s11], [sflag:$0x1], $0x1, s16, s13, $0xb8;
	[tilespmem:$0x4580] =	vst v63  }
.Ltmp0:
0x25: {  	_ = 	snop;
	(pc) =	sbr.rel @p0 .LBB2_2-.Ltmp0, $4  }
0x26: {  	_ = 	snop  }
0x27: {  	s15 =	sadd.s32 $0x200, s15  }
0x28: {  	_ =	swait.ge [sflag:s10], $0x50  }
0x29: {  	[sflag:s10] =	ssyncset.done $0x0  }
0x2a: {  	[sflag:s10] =	ssyncadd.s32 $0xFFFFFFB0  }
0x2b: {  	[bflag:$0x0] =	sbarrier.arrive $0xFFFF  }
0x2c: {  	[tilespmem:s12], [sflag:$0x1] =	stream.linear.gather [spmem:s7], $0x280, $0x38;
	[tilespmem:$0x4580] =	vst v63  }
0x2d: {  	s14 =	sadd.s32 $0x1, s14;
	_ =	swait.ge [sflag:s10], $0x280  }
0x2e: {  	p0 =	sne.s32 s14, s9;
	[sflag:s10] =	ssyncset.done $0x0  }
.Ltmp1:
0x2f: {  	[sflag:s10] =	ssyncadd.s32 $0xFFFFFD80;
	(pc) =	sbr.rel @p0 .LBB2_1-.Ltmp1, $4  }
0x30: {  	[hbm4b:s8+s3] =	stream.linear.scatter [tilespmem:s12], [sflag:$0x1], $0x280, $0x38;
	[tilespmem:$0x4580] =	vst v63  }
0x31: {  	_ =	swait.ge [sflag:s10], $0x280  }
0x32: {  	[sflag:s10] =	ssyncset.done $0x0  }
0x33: {  	[sflag:s10] =	ssyncadd.s32 $0xFFFFFD80  }
0x34: {  	_ =	sfence.sel $0x180000  }
0x35: {  	[bflag:$0x0] =	sbarrier.arrive $0xFFFF  }
0x36: {  	p0 =	sne.s32 s1, $0x0;
	_ =	strace $0x90000047  }
0x37: {  	s0 =	sadd.s32 @!p0 $0x100000, s0;
	[bflag:$0x2] =	sbarrier.arrive $0xFFFF  }
0x38: {  	[sflag:s0] =	ssyncadd.tile.s32 @!p0 $0x1;
	_ =	shalt  }
.Lfunc_end2:
_tile_overlayer_lowered:
.L_overlay_start_2:
0x39: {  	(tag) =	ssettag $0x2  }
0x3a: {  	s0 =	rddreg [dreg:$0x0];
	s2 =	stileid.u32  }
0x3b: {  	s1 =	rddreg [dreg:$0x1];
	p0 =	sne.s32 s2, $0x0  }
0x3c: {  	s3 =	rddreg [dreg:$0x2];
	[bflag:$0x3] =	sbarrier.arrive $0xFFFF;
	s2 =	simm.s32 @!p0 $0x1C01  }
0x3d: {  	[timem:s3], [sflag:s2] =	dma.local @!p0 [hbm:s0], s1  }
0x3e: {  	s0 =	simm.s32 @!p0 $0x1  }
0x3f: {  	_ =	swait.ge @!p0 [sflag:s0], s1  }
0x40: {  	s1 =	ssub.s32 @!p0 $0x0, s1;
	[sflag:s0] =	ssyncset.done @!p0 $0x0  }
0x41: {  	[sflag:s0] =	ssyncadd.s32 @!p0 s1  }
0x42: {  	[bflag:$0x3] =	sbarrier.arrive $0xFFFF  }
0x43: {  	_ =	shalt  }

// kernel: kernel.16.cloned.1.call-start
scs
__scs_entry_jumppad:
0x0: {  	(pc) =	sbr.rel $0x88, $3  }
0x1: {  	(tag) =	ssettag $0x0;
	lr =	simm.s32 $0x1  }
0x2: {  	[smem:$0x3F95] =	sst lr;
	_ =	strace $0xD0000000  }
0x3: {  	_ = 	snop  }
0x4: {  	_ = 	snop  }
0x5: {  	_ = 	snop  }
0x6: {  	_ = 	snop  }
0x7: {  	_ = 	snop  }
__scs_overlays_trampoline_lowered:
0x8: {  	[smem:$0x3FA4] =	sst s0  }
0x9: {  	[smem:$0x3FA5] =	sst s1  }
0xa: {  	[smem:$0x3FA6] =	sst s2  }
0xb: {  	[smem:$0x3FA7] =	sst s3  }
0xc: {  	[smem:$0x3FA8] =	sst s4  }
0xd: {  	[smem:$0x3FA9] =	sst s5  }
0xe: {  	[smem:$0x3FAA] =	sst s6  }
0xf: {  	[smem:$0x3FAB] =	sst s7  }
0x10: {  	[smem:$0x3FAC] =	sst s8  }
0x11: {  	[smem:$0x3FAD] =	sst s9;
	s0 =	simm.s32 @!p0 $0x0  }
0x12: {  	s1 =	sld [smem:$0x3F93];
	s0 =	simm.s32 @p0 $0x1  }
0x13: {  	[smem:$0x3FAE] =	sst s0;
	s0 =	simm.s32 @!p1 $0x0  }
0x14: {  	s2 =	sld [smem:$0x3F92];
	s0 =	simm.s32 @p1 $0x1  }
0x15: {  	[smem:$0x3FAF] =	sst s0;
	s0 =	simm.s32 @!p2 $0x0  }
0x16: {  	s3 =	sld [smem:$0x3FDB];
	s0 =	simm.s32 @p2 $0x1  }
0x17: {  	s4 =	simm.s32 $0x1BF5;
	[smem:$0x3FB1] =	sst s0  }
0x18: {  	s0 =	sld [smem:$0x3F94];
	_ =	swait.ge [sflag:s4], $0x0  }
0x19: {  	s7 =	sld [smem:$0x3F95]  }
0x1a: {  	s8 =	sadd.s32 $0xFFFFE003, lr  }
0x1b: {  	s9 =	sadd.s32 $0xFFFFFEF7, lr;
	s5 =	simm.s32 $0xFFFFFFFF;
	p2 =	slt.u32 s8, $0xFFFFF086  }
0x1c: {  	p1 =	slt.u32 s9, $0xF7A;
	s5 =	simm.s32 @!p2 $0x0  }
0x1d: {  	s5 =	simm.s32 @p1 $0x1;
	p0 =	seq.s32 s7, s2  }
0x1e: {  	s7 =	smul.u32 @!p0 $0xF7A, s2;
	p2 =	seq.s32 @!p0 s5, $0x0  }
0x1f: {  	s9 =	smul.u32 $0xF7A, s1;
	s8 =	simm.s32 @!p0 $0x1BF5;
	p2 =	por !p2, p0  }
0x20: {  	[sflag:s8] =	ssyncset.s32 @!p0 $0xFFFFF086;
	s6 =	sadd.s32 @!p0 s3, s7;
	s7 =	simm.s32 @!p0 $0x108  }
0x21: {  	s3 =	sadd.s32 s3, s9;
	s6 =	sadd.s32 @!p0 $0x88, s6;
	s7 =	simm.s32 @p2 $0x1082  }
0x22: {  	[simem:s7], [sflag:s8] =	dma.local @!p0 [hbm:s6], $0xF7A  }
0x23: {  	s9 =	sor.u32 $0xD0000000, s2;
	s6 =	simm.s32 $0x108;
	_ =	swait.ge @!p0 [sflag:s8], $0x0  }
0x24: {  	s3 =	sadd.s32 $0x88, s3;
	s6 =	simm.s32 @!p1 $0x1082;
	[sflag:s4] =	ssyncset.s32 $0xFFFFF086  }
0x25: {  	[simem:s6], [sflag:s4] =	dma.local [hbm:s3], $0xF7A  }
0x26: {  	[smem:$0x3F95] =	sst s1;
	(tag) =	ssettag s2;
	_ =	strace s9  }
0x27: {  	s1 =	sld [smem:$0x3FA5]  }
0x28: {  	s2 =	sld [smem:$0x3FA6]  }
0x29: {  	s4 =	sld [smem:$0x3FA8]  }
0x2a: {  	p0 =	seq.s32 s5, $0x0;
	s5 =	sld [smem:$0x3FA9]  }
0x2b: {  	s6 =	sld [smem:$0x3FAA]  }
0x2c: {  	s7 =	sld [smem:$0x3FAB]  }
0x2d: {  	s3 =	simm.s32 $0x108;
	s8 =	sld [smem:$0x3FAC]  }
0x2e: {  	s3 =	simm.s32 @!p0 $0x1082;
	s9 =	sld [smem:$0x3FAD]  }
0x2f: {  	lr =	sadd.s32 s0, s3;
	s0 =	sld [smem:$0x3FA4]  }
0x30: {  	s3 =	sld [smem:$0x3FA7]  }
0x31: {  	[smem:$0x3FB0] =	sst s10  }
0x32: {  	s10 =	sld [smem:$0x3FAE];
	_ =	sdelay $0x3  }
0x33: {  	p0 =	seq.s32 s10, $0x1;
	s10 =	sld [smem:$0x3FB0];
	_ =	sdelay $0x3  }
0x34: {  	[smem:$0x3FB0] =	sst s10  }
0x35: {  	s10 =	sld [smem:$0x3FAF];
	_ =	sdelay $0x3  }
0x36: {  	p1 =	seq.s32 s10, $0x1;
	s10 =	sld [smem:$0x3FB0];
	_ =	sdelay $0x3  }
0x37: {  	[smem:$0x3FB0] =	sst s10  }
0x38: {  	s10 =	sld [smem:$0x3FB1]  }
0x39: {  	_ = 	snop;
	(pc) =	sbr.ind lr, $3  }
0x3a: {  	_ = 	snop  }
0x3b: {  	_ = 	snop  }
0x3c: {  	p2 =	seq.s32 s10, $0x1;
	s10 =	sld [smem:$0x3FB0]  }
0x3d: {  	_ =	shalt  }
0x3e: {  	_ =	shalt  }
0x3f: {  	_ =	shalt  }
0x40: {  	_ =	shalt  }
0x41: {  	_ =	shalt  }
0x42: {  	_ =	shalt  }
0x43: {  	_ =	shalt  }
0x44: {  	_ =	shalt  }
0x45: {  	_ =	shalt  }
0x46: {  	_ =	shalt  }
0x47: {  	_ =	shalt  }
0x48: {  	_ =	shalt  }
0x49: {  	_ =	shalt  }
0x4a: {  	_ =	shalt  }
0x4b: {  	_ =	shalt  }
0x4c: {  	_ =	shalt  }
0x4d: {  	_ =	shalt  }
0x4e: {  	_ =	shalt  }
0x4f: {  	_ =	shalt  }
0x50: {  	_ =	shalt  }
0x51: {  	_ =	shalt  }
0x52: {  	_ =	shalt  }
0x53: {  	_ =	shalt  }
0x54: {  	_ =	shalt  }
0x55: {  	_ =	shalt  }
0x56: {  	_ =	shalt  }
0x57: {  	_ =	shalt  }
0x58: {  	_ =	shalt  }
0x59: {  	_ =	shalt  }
0x5a: {  	_ =	shalt  }
0x5b: {  	_ =	shalt  }
0x5c: {  	_ =	shalt  }
0x5d: {  	_ =	shalt  }
0x5e: {  	_ =	shalt  }
0x5f: {  	_ =	shalt  }
0x60: {  	_ =	shalt  }
0x61: {  	_ =	shalt  }
0x62: {  	_ =	shalt  }
0x63: {  	_ =	shalt  }
0x64: {  	_ =	shalt  }
0x65: {  	_ =	shalt  }
0x66: {  	_ =	shalt  }
0x67: {  	_ =	shalt  }
0x68: {  	_ =	shalt  }
0x69: {  	_ =	shalt  }
0x6a: {  	_ =	shalt  }
0x6b: {  	_ =	shalt  }
0x6c: {  	_ =	shalt  }
0x6d: {  	_ =	shalt  }
0x6e: {  	_ =	shalt  }
0x6f: {  	_ =	shalt  }
0x70: {  	_ =	shalt  }
0x71: {  	_ =	shalt  }
0x72: {  	_ =	shalt  }
0x73: {  	_ =	shalt  }
0x74: {  	_ =	shalt  }
0x75: {  	_ =	shalt  }
0x76: {  	_ =	shalt  }
0x77: {  	_ =	shalt  }
0x78: {  	_ =	shalt  }
0x79: {  	_ =	shalt  }
0x7a: {  	_ =	shalt  }
0x7b: {  	_ =	shalt  }
0x7c: {  	_ =	shalt  }
0x7d: {  	_ =	shalt  }
0x7e: {  	_ =	shalt  }
0x7f: {  	_ =	shalt  }
0x80: {  	_ =	shalt  }
0x81: {  	_ =	shalt  }
0x82: {  	_ =	shalt  }
0x83: {  	_ =	shalt  }
0x84: {  	_ =	shalt  }
0x85: {  	_ =	shalt  }
0x86: {  	_ =	shalt  }
0x87: {  	_ =	shalt  }
.Lfunc_end0:
.L_simem_size_0:
called_computation.1_lowered:
.L_overlay_start_0:
0x88: {  	s2 =	sld [smem:$0x3FD9]  }
0x89: {  	s3 =	sld [smem:$0x3FFE];
	_ =	sdelay $0x1  }
0x8a: {  	s1 =	srdreg.scid  }
0x8b: {  	s0 =	sand.u32 $0x1, s1  }
0x8c: {  	s17 =	sshll.u32 s0, $0xA;
	s2 =	sadd.s32 s3, s2  }
0x8d: {  	s2 =	sadd.s32 s2, s17  }
0x8e: {  	[smem:$0x3FBC] =	sst s2  }
0x8f: {  	_ = 	snop  }
0x90: {  	s2 =	sld [smem:$0x3FD0];
	(tm) =	ssettm $0x1  }
0x91: {  	s18 =	sld [smem:$0x3FFB];
	_ =	sdelay $0x3  }
0x92: {  	_ =	strace s18  }
0x93: {  	s3 =	sld [smem:$0x3FFC];
	_ =	sdelay $0x3  }
0x94: {  	_ =	strace s3  }
0x95: {  	s3 =	sld [smem:$0x3FFD];
	_ =	sdelay $0x3  }
0x96: {  	_ =	strace s3  }
0x97: {  	_ =	strace $0x8FFFFFFF  }
0x98: {  	s19 =	sld [smem:$0x3FDB];
	_ =	sdelay $0x1  }
0x99: {  	s4 =	simm.s32 $_scs_section_size  }
0x9a: {  	s5 =	simm.s32 $_size__tile_overlayer_lowered;
	s6 =	simm.s32 $_tile_overlayer_lowered  }
0x9b: {  	s22 =	simm.s32 $0x1BFF;
	s21 =	sshll.u32 s6, $0x1;
	s3 =	sadd.s32 s4, s19  }
0x9c: {  	s7 =	simm.s32 $0x0;
	s20 =	sshll.u32 s5, $0x1;
	s5 =	sadd.s32 s21, s3  }
0x9d: {  	[timem:s7], [sflag:s22] =	dma.local [hbm:s5], s20  }
0x9e: {  	_ =	swait.ge [sflag:s22], s20  }
0x9f: {  	s4 =	ssub.s32 $0x0, s20;
	[sflag:s22] =	ssyncset.done $0x0  }
0xa0: {  	[sflag:s22] =	ssyncadd.s32 s4;
	_ =	sdelay $0x1  }
0xa1: {  	s23 =	simm.s32 $0x1B8B  }
0xa2: {  	_ =	swait.ge [sflag:s23], $0x1  }
0xa3: {  	[sflag:s23] =	ssyncset.done $0x0  }
0xa4: {  	s25 =	simm.s32 $0x1B8E;
	s24 =	sld [smem:$0x3FFE];
	[sflag:s23] =	ssyncadd.s32 $0xFFFFFFFF  }
0xa5: {  	s26 =	simm.s32 $execute0_lowered;
	[smem:$0x3FD2] =	sst s25  }
0xa6: {  	s5 =	sshll.u32 s26, $0x1;
	_ =	strace $0x80000049;
	[dreg:$0x1] =	wrdreg $0xFFFFFFFF  }
0xa7: {  	s28 =	simm.s32 $_size_execute0_lowered;
	s3 =	sadd.s32 s3, s5;
	[dreg:$0x0] =	wrdreg $0x0  }
0xa8: {  	s5 =	sshll.u32 s28, $0x1;
	[dreg:$0x2] =	wrdreg s3  }
0xa9: {  	[dreg:$0x3] =	wrdreg s5  }
0xaa: {  	[dreg:$0x4] =	wrdreg $0xC0  }
0xab: {  	_ =	task [dreg:s7], $0x5FFFF  }
0xac: {  	[dreg:$0x1] =	wrdreg $0xFFFFFFFF  }
0xad: {  	[dreg:$0x0] =	wrdreg $0x60  }
0xae: {  	[dreg:$0x2] =	wrdreg s2  }
0xaf: {  	[dreg:$0x3] =	wrdreg s24  }
0xb0: {  	[dreg:$0x4] =	wrdreg $0xA8000  }
0xb1: {  	[dreg:$0x5] =	wrdreg $0x9  }
0xb2: {  	_ =	task.clear_ibuf [dreg:s7], $0x6FFFF;
	_ =	strace $0x90000049  }
0xb3: {  	s29 =	simm.s32 $0x9;
	_ =	strace $0x8000004B  }
0xb4: {  	_ =	swait.ge [sflag:s29], $0x1  }
0xb5: {  	[sflag:s29] =	ssyncadd.s32 $0xFFFFFFFF  }
0xb6: {  	_ =	strace $0x9000004B  }
0xb7: {  	_ =	sfence  }
0xb8: {  	s30 =	sld [smem:$0x0];
	_ =	sdelay $0x2  }
0xb9: {  	s31 =	sshll.u32 s1, $0xD;
	s1 =	sshrl.u32 s1, $0x2  }
0xba: {  	s3 =	sand.u32 $0x4000, s31;
	s1 =	sadd.s32 s1, s30  }
0xbb: {  	s0 =	sor.u32 s3, s0;
	s1 =	sshll.u32 s1, $0x11  }
0xbc: {  	s0 =	sor.u32 s1, s0  }
0xbd: {  	s0 =	sadd.s32 $0x8F2B, s0  }
0xbe: {  	[sflag:s0] =	ssyncadd.remote.s32 $0x1  }
0xbf: {  	_ =	sfence.sel $0xFFFF  }
0xc0: {  	[dreg:$0x0] =	wrdreg $0xFFFFFFFF;
	(pc) =	sbr.abs _section_cstart, $3  }
0xc1: {  	[dreg:$0x1] =	wrdreg $0xFFFFFFFF  }
0xc2: {  	_ =	task.clear_ibuf [dreg:s7], $0x2FFFF;
	_ =	strace $0x9FFFFFFF  }
0xc3: {  	(tm) =	ssettm $0x7FFFFFFF  }
tec
execute0_lowered:
.L_overlay_start_1:
0x0: {  	(tag) =	ssettag $0x1  }
0x1: {  	s1 =	rddreg [dreg:$0x0]  }
0x2: {  	s6 =	rddreg [dreg:$0x1]  }
0x3: {  	s0 =	srdreg.scid;
	s3 =	rddreg [dreg:$0x2];
	s4 =	simm.s32 $0x0  }
0x4: {  	s13 =	simm.s32 $0x7D;
	s14 =	simm.s32 $0x2800;
	s15 =	simm.s32 $0x6800  }
0x5: {  	s16 =	simm.s32 $0x1;
	s5 =	sand.u32 $0x1, s0;
	s0 =	stileid.u32  }
0x6: {  	s17 =	simm.s32 $0x2;
	s18 =	simm.s32 $0x0;
	s8 =	smul.u32 $0x2800, s0  }
0x7: {  	[smem:$0x7FF] =	sst s4;
	s2 =	sshll.u32 s5, $0x4;
	s9 =	smul.u32 $0x28000, s5  }
0x8: {  	s5 =	ssub.s32 $0x2, s5;
	s28 =	smul.u32 $0x50000, s0;
	s2 =	sor.u32 s0, s2  }
0x9: {  	s31 =	sshll.u32 s0, $0x6;
	s29 =	sshrl.u32 s5, $0x1;
	s7 =	smul.u32 $0x5000, s2  }
0xa: {  	s2 =	rddreg [dreg:$0x3];
	_ =	strace $0x8000004A;
	s26 =	sadd.s32 s8, s9  }
0xb: {  	s8 =	sadd.s32 s8, s6;
	s11 =	ssub.s32 s5, s29;
	s30 =	sshrl.u32 s28, $0x2  }
0xc: {  	s12 =	sadd.s32 s30, s3;
	s5 =	sadd.s32 $0x40600, s8;
	s8 =	smax.u32 s11, $0x1  }
0xd: {  	s7 =	sshrl.u32 s7, $0x3;
	s11 =	sshrl.u32 s12, $0x3;
	s12 =	simm.s32 $0x3  }
0xe: {  	s10 =	sadd.s32 s7, s6;
	s7 =	sadd.s32 s26, s6;
	s6 =	sor.u32 $0x1C03, s31  }
0xf: {  	s7 =	sadd.s32 $0x68600, s7;
	s9 =	sadd.s32 $0x5400, s10;
	s10 =	sadd.s32 $0x5900, s10  }
.LBB2_1:
0x10: {  	[spmem:s11], [sflag:s6] =	dma.local [hbm:s5], $0x2800  }
0x11: {  	_ =	swait.ge [sflag:s12], $0x2800  }
0x12: {  	[sflag:s12] =	ssyncset.done $0x0  }
0x13: {  	[sflag:s12] =	ssyncadd.s32 $0xFFFFD800  }
0x14: {  	[bflag:$0x0] =	sbarrier.arrive $0xFFFF  }
0x15: {  	[tilespmem:s4], [sflag:$0x3] =	stream.linear.gather [hbm4b:s9+s4], $0x2800, $0x38;
	[tilespmem:$0x1E800] =	vst v63  }
0x16: {  	_ =	swait.ge [sflag:s12], $0x2800  }
0x17: {  	[sflag:s12] =	ssyncset.done $0x0  }
0x18: {  	s19 =	simm.s32 $0x0;
	[sflag:s12] =	ssyncadd.s32 $0xFFFFD800  }
0x19: {  	[tilespmem:s14], [sflag:$0x1] =	stream.indirect.gather [hbm4b:s1+s13], $0x80, s19, s13, $0xb8;
	[tilespmem:$0x1E800] =	vst v63  }
0x1a: {  	s29 =	simm.s32 $0x100  }
0x1b: {  	[tilespmem:s15], [sflag:$0x2] =	stream.indirect.gather [hbm4b:s1+s13], $0x80, s29, s13, $0xb8;
	[tilespmem:$0x1E800] =	vst v63  }
0x1c: {  	_ =	swait.ge [sflag:s16], $0x3E80  }
0x1d: {  	[sflag:s16] =	ssyncset.done $0x0  }
0x1e: {  	s30 =	simm.s32 $0x80;
	[sflag:s16] =	ssyncadd.s32 $0xFFFFC180  }
0x1f: {  	[spmem:s3] =	stream.indirect.scatter.add.f32 [tilespmem:s14], [sflag:$0x3], $0x80, s30, s13, $0xb8;
	[tilespmem:$0x1E800] =	vst v63  }
0x20: {  	_ =	swait.ge [sflag:s12], $0x3E80  }
0x21: {  	[sflag:s12] =	ssyncset.done $0x0  }
0x22: {  	[sflag:s12] =	ssyncadd.s32 $0xFFFFC180  }
0x23: {  	_ =	swait.ge [sflag:s17], $0x3E80  }
0x24: {  	[sflag:s17] =	ssyncset.done $0x0  }
0x25: {  	s31 =	simm.s32 $0x180;
	[sflag:s17] =	ssyncadd.s32 $0xFFFFC180  }
0x26: {  	[spmem:s3] =	stream.indirect.scatter.add.f32 [tilespmem:s15], [sflag:$0x3], $0x80, s31, s13, $0xb8;
	[tilespmem:$0x1E800] =	vst v63  }
0x27: {  	_ =	swait.ge [sflag:s12], $0x3E80  }
0x28: {  	s20 =	simm.s32 $0x1000;
	s19 =	simm.s32 $0x800;
	[sflag:s12] =	ssyncset.done $0x0  }
.LBB2_2:
0x29: {  	s21 =	sshra.s32 s19, $0x2  }
0x2a: {  	[sflag:s12] =	ssyncadd.s32 $0xFFFFC180;
	s19 =	smov.u32 s20;
	s22 =	sadd.s32 $0x800, s20  }
0x2b: {  	[tilespmem:s14], [sflag:$0x1] =	stream.indirect.gather [hbm4b:s1+s13], $0x80, s21, s13, $0xb8;
	[tilespmem:$0x1E800] =	vst v63  }
0x2c: {  	p0 =	sne.s32 s20, $0x9800;
	s20 =	sadd.s32 $0x100, s21  }
0x2d: {  	[tilespmem:s15], [sflag:$0x2] =	stream.indirect.gather [hbm4b:s1+s13], $0x80, s20, s13, $0xb8;
	[tilespmem:$0x1E800] =	vst v63  }
0x2e: {  	_ =	swait.ge [sflag:s16], $0x3E80  }
0x2f: {  	[sflag:s16] =	ssyncset.done $0x0  }
0x30: {  	s20 =	sadd.s32 $0x80, s21;
	[sflag:s16] =	ssyncadd.s32 $0xFFFFC180  }
0x31: {  	[spmem:s3] =	stream.indirect.scatter.add.f32 [tilespmem:s14], [sflag:$0x3], $0x80, s20, s13, $0xb8;
	[tilespmem:$0x1E800] =	vst v63  }
0x32: {  	_ =	swait.ge [sflag:s12], $0x3E80  }
0x33: {  	[sflag:s12] =	ssyncset.done $0x0  }
0x34: {  	[sflag:s12] =	ssyncadd.s32 $0xFFFFC180  }
0x35: {  	_ =	swait.ge [sflag:s17], $0x3E80  }
.Ltmp0:
0x36: {  	[sflag:s17] =	ssyncset.done $0x0;
	(pc) =	sbr.rel @p0 .LBB2_2-.Ltmp0, $4  }
0x37: {  	s20 =	sadd.s32 $0x180, s21;
	[sflag:s17] =	ssyncadd.s32 $0xFFFFC180  }
0x38: {  	[spmem:s3] =	stream.indirect.scatter.add.f32 [tilespmem:s15], [sflag:$0x3], $0x80, s20, s13, $0xb8;
	[tilespmem:$0x1E800] =	vst v63  }
0x39: {  	_ =	swait.ge [sflag:s12], $0x3E80  }
0x3a: {  	s20 =	smov.u32 s22;
	[sflag:s12] =	ssyncset.done $0x0  }
0x3b: {  	s19 =	sshra.s32 s19, $0x2;
	[sflag:s12] =	ssyncadd.s32 $0xFFFFC180  }
0x3c: {  	[tilespmem:s14], [sflag:$0x1] =	stream.indirect.gather [hbm4b:s1+s13], $0x80, s19, s13, $0xb8;
	[tilespmem:$0x1E800] =	vst v63  }
0x3d: {  	s20 =	sadd.s32 $0x100, s19  }
0x3e: {  	[tilespmem:s15], [sflag:$0x2] =	stream.indirect.gather [hbm4b:s1+s13], $0x80, s20, s13, $0xb8;
	[tilespmem:$0x1E800] =	vst v63  }
0x3f: {  	_ =	swait.ge [sflag:s16], $0x3E80  }
0x40: {  	[sflag:s16] =	ssyncset.done $0x0  }
0x41: {  	s25 =	sadd.s32 $0x80, s19;
	[sflag:s16] =	ssyncadd.s32 $0xFFFFC180  }
0x42: {  	[spmem:s3] =	stream.indirect.scatter.add.f32 [tilespmem:s14], [sflag:$0x3], $0x80, s25, s13, $0xb8;
	[tilespmem:$0x1E800] =	vst v63  }
0x43: {  	_ =	swait.ge [sflag:s12], $0x3E80  }
0x44: {  	[sflag:s12] =	ssyncset.done $0x0  }
0x45: {  	[sflag:s12] =	ssyncadd.s32 $0xFFFFC180  }
0x46: {  	_ =	swait.ge [sflag:s17], $0x3E80  }
0x47: {  	[sflag:s17] =	ssyncset.done $0x0  }
0x48: {  	s19 =	sadd.s32 $0x180, s19;
	[sflag:s17] =	ssyncadd.s32 $0xFFFFC180  }
0x49: {  	[spmem:s3] =	stream.indirect.scatter.add.f32 [tilespmem:s15], [sflag:$0x3], $0x80, s19, s13, $0xb8;
	[tilespmem:$0x1E800] =	vst v63  }
0x4a: {  	_ =	swait.ge [sflag:s12], $0x3E80  }
0x4b: {  	[sflag:s12] =	ssyncset.done $0x0  }
0x4c: {  	s26 =	simm.s32 $0x0;
	[sflag:s12] =	ssyncadd.s32 $0xFFFFC180  }
0x4d: {  	[tilespmem:s26], [sflag:$0x3] =	stream.linear.gather [hbm4b:s10+s26], $0x2800, $0x38;
	[tilespmem:$0x1E800] =	vst v63  }
0x4e: {  	_ =	swait.ge [sflag:s12], $0x2800  }
0x4f: {  	[sflag:s12] =	ssyncset.done $0x0  }
0x50: {  	s28 =	simm.s32 $0x0;
	[sflag:s12] =	ssyncadd.s32 $0xFFFFD800  }
0x51: {  	[tilespmem:s14], [sflag:$0x1] =	stream.indirect.gather [hbm4b:s1+s13], $0x80, s28, s13, $0xb8;
	[tilespmem:$0x1E800] =	vst v63  }
0x52: {  	s29 =	simm.s32 $0x100  }
0x53: {  	[tilespmem:s15], [sflag:$0x2] =	stream.indirect.gather [hbm4b:s1+s13], $0x80, s29, s13, $0xb8;
	[tilespmem:$0x1E800] =	vst v63  }
0x54: {  	_ =	swait.ge [sflag:s16], $0x3E80  }
0x55: {  	[sflag:s16] =	ssyncset.done $0x0  }
0x56: {  	s30 =	simm.s32 $0x80;
	[sflag:s16] =	ssyncadd.s32 $0xFFFFC180  }
0x57: {  	[spmem:s3] =	stream.indirect.scatter.add.f32 [tilespmem:s14], [sflag:$0x3], $0x80, s30, s13, $0xb8;
	[tilespmem:$0x1E800] =	vst v63  }
0x58: {  	_ =	swait.ge [sflag:s12], $0x3E80  }
0x59: {  	[sflag:s12] =	ssyncset.done $0x0  }
0x5a: {  	[sflag:s12] =	ssyncadd.s32 $0xFFFFC180  }
0x5b: {  	_ =	swait.ge [sflag:s17], $0x3E80  }
0x5c: {  	[sflag:s17] =	ssyncset.done $0x0  }
0x5d: {  	s31 =	simm.s32 $0x180;
	[sflag:s17] =	ssyncadd.s32 $0xFFFFC180  }
0x5e: {  	[spmem:s3] =	stream.indirect.scatter.add.f32 [tilespmem:s15], [sflag:$0x3], $0x80, s31, s13, $0xb8;
	[tilespmem:$0x1E800] =	vst v63  }
0x5f: {  	_ =	swait.ge [sflag:s12], $0x3E80  }
0x60: {  	s20 =	simm.s32 $0x1000;
	s19 =	simm.s32 $0x800;
	[sflag:s12] =	ssyncset.done $0x0  }
.LBB2_4:
0x61: {  	s21 =	sshra.s32 s19, $0x2  }
0x62: {  	[sflag:s12] =	ssyncadd.s32 $0xFFFFC180;
	s19 =	smov.u32 s20;
	s22 =	sadd.s32 $0x800, s20  }
0x63: {  	[tilespmem:s14], [sflag:$0x1] =	stream.indirect.gather [hbm4b:s1+s13], $0x80, s21, s13, $0xb8;
	[tilespmem:$0x1E800] =	vst v63  }
0x64: {  	p0 =	sne.s32 s20, $0x9800;
	s20 =	sadd.s32 $0x100, s21  }
0x65: {  	[tilespmem:s15], [sflag:$0x2] =	stream.indirect.gather [hbm4b:s1+s13], $0x80, s20, s13, $0xb8;
	[tilespmem:$0x1E800] =	vst v63  }
0x66: {  	_ =	swait.ge [sflag:s16], $0x3E80  }
0x67: {  	[sflag:s16] =	ssyncset.done $0x0  }
0x68: {  	s20 =	sadd.s32 $0x80, s21;
	[sflag:s16] =	ssyncadd.s32 $0xFFFFC180  }
0x69: {  	[spmem:s3] =	stream.indirect.scatter.add.f32 [tilespmem:s14], [sflag:$0x3], $0x80, s20, s13, $0xb8;
	[tilespmem:$0x1E800] =	vst v63  }
0x6a: {  	_ =	swait.ge [sflag:s12], $0x3E80  }
0x6b: {  	[sflag:s12] =	ssyncset.done $0x0  }
0x6c: {  	[sflag:s12] =	ssyncadd.s32 $0xFFFFC180  }
0x6d: {  	_ =	swait.ge [sflag:s17], $0x3E80  }
.Ltmp1:
0x6e: {  	[sflag:s17] =	ssyncset.done $0x0;
	(pc) =	sbr.rel @p0 .LBB2_4-.Ltmp1, $4  }
0x6f: {  	s20 =	sadd.s32 $0x180, s21;
	[sflag:s17] =	ssyncadd.s32 $0xFFFFC180  }
0x70: {  	[spmem:s3] =	stream.indirect.scatter.add.f32 [tilespmem:s15], [sflag:$0x3], $0x80, s20, s13, $0xb8;
	[tilespmem:$0x1E800] =	vst v63  }
0x71: {  	_ =	swait.ge [sflag:s12], $0x3E80  }
0x72: {  	s20 =	smov.u32 s22;
	[sflag:s12] =	ssyncset.done $0x0  }
0x73: {  	s19 =	sshra.s32 s19, $0x2;
	[sflag:s12] =	ssyncadd.s32 $0xFFFFC180  }
0x74: {  	[tilespmem:s14], [sflag:$0x1] =	stream.indirect.gather [hbm4b:s1+s13], $0x80, s19, s13, $0xb8;
	[tilespmem:$0x1E800] =	vst v63  }
0x75: {  	s20 =	sadd.s32 $0x100, s19  }
0x76: {  	[tilespmem:s15], [sflag:$0x2] =	stream.indirect.gather [hbm4b:s1+s13], $0x80, s20, s13, $0xb8;
	[tilespmem:$0x1E800] =	vst v63  }
0x77: {  	_ =	swait.ge [sflag:s16], $0x3E80  }
0x78: {  	[sflag:s16] =	ssyncset.done $0x0  }
0x79: {  	s31 =	sadd.s32 $0x80, s19;
	[sflag:s16] =	ssyncadd.s32 $0xFFFFC180  }
0x7a: {  	[spmem:s3] =	stream.indirect.scatter.add.f32 [tilespmem:s14], [sflag:$0x3], $0x80, s31, s13, $0xb8;
	[tilespmem:$0x1E800] =	vst v63  }
0x7b: {  	_ =	swait.ge [sflag:s12], $0x3E80  }
0x7c: {  	[sflag:s12] =	ssyncset.done $0x0  }
0x7d: {  	[sflag:s12] =	ssyncadd.s32 $0xFFFFC180  }
0x7e: {  	_ =	swait.ge [sflag:s17], $0x3E80  }
0x7f: {  	[sflag:s17] =	ssyncset.done $0x0  }
0x80: {  	s19 =	sadd.s32 $0x180, s19;
	[sflag:s17] =	ssyncadd.s32 $0xFFFFC180  }
0x81: {  	[spmem:s3] =	stream.indirect.scatter.add.f32 [tilespmem:s15], [sflag:$0x3], $0x80, s19, s13, $0xb8;
	[tilespmem:$0x1E800] =	vst v63  }
0x82: {  	_ =	swait.ge [sflag:s12], $0x3E80  }
0x83: {  	s18 =	sadd.s32 $0x1, s18;
	[sflag:s12] =	ssyncset.done $0x0  }
0x84: {  	p0 =	sne.s32 s18, s8;
	[sflag:s12] =	ssyncadd.s32 $0xFFFFC180  }
.Ltmp2:
0x85: {  	[bflag:$0x0] =	sbarrier.arrive $0xFFFF;
	(pc) =	sbr.rel @p0 .LBB2_1-.Ltmp2, $4  }
0x86: {  	[hbm:s7], [sflag:s6] =	dma.local [spmem:s11], $0x2800  }
0x87: {  	_ =	swait.ge [sflag:s12], $0x2800  }
0x88: {  	[sflag:s12] =	ssyncset.done $0x0  }
0x89: {  	[sflag:s12] =	ssyncadd.s32 $0xFFFFD800  }
0x8a: {  	_ =	sfence.sel $0x180000  }
0x8b: {  	[bflag:$0x0] =	sbarrier.arrive $0xFFFF  }
0x8c: {  	p0 =	sne.s32 s0, $0x0;
	_ =	strace $0x9000004A  }
0x8d: {  	s0 =	sadd.s32 @!p0 $0x100000, s2;
	[bflag:$0x2] =	sbarrier.arrive $0xFFFF  }
0x8e: {  	[sflag:s0] =	ssyncadd.tile.s32 @!p0 $0x1;
	_ =	shalt  }
.Lfunc_end2:
_tile_overlayer_lowered:
.L_overlay_start_2:
0x8f: {  	(tag) =	ssettag $0x2  }
0x90: {  	s0 =	rddreg [dreg:$0x0];
	s2 =	stileid.u32  }
0x91: {  	s1 =	rddreg [dreg:$0x1];
	p0 =	sne.s32 s2, $0x0  }
0x92: {  	s3 =	rddreg [dreg:$0x2];
	[bflag:$0x3] =	sbarrier.arrive $0xFFFF;
	s2 =	simm.s32 @!p0 $0x1C03  }
0x93: {  	[timem:s3], [sflag:s2] =	dma.local @!p0 [hbm:s0], s1  }
0x94: {  	s0 =	simm.s32 @!p0 $0x3  }
0x95: {  	_ =	swait.ge @!p0 [sflag:s0], s1  }
0x96: {  	s1 =	ssub.s32 @!p0 $0x0, s1;
	[sflag:s0] =	ssyncset.done @!p0 $0x0  }
0x97: {  	[sflag:s0] =	ssyncadd.s32 @!p0 s1  }
0x98: {  	[bflag:$0x3] =	sbarrier.arrive $0xFFFF  }
0x99: {  	_ =	shalt  }

// kernel: kernel.19.cloned.1.call-start
scs
__scs_entry_jumppad:
0x0: {  	(pc) =	sbr.rel $0x88, $3  }
0x1: {  	(tag) =	ssettag $0x0;
	lr =	simm.s32 $0x1  }
0x2: {  	[smem:$0x3F95] =	sst lr;
	_ =	strace $0xD0000000  }
0x3: {  	_ = 	snop  }
0x4: {  	_ = 	snop  }
0x5: {  	_ = 	snop  }
0x6: {  	_ = 	snop  }
0x7: {  	_ = 	snop  }
__scs_overlays_trampoline_lowered:
0x8: {  	[smem:$0x3FA4] =	sst s0  }
0x9: {  	[smem:$0x3FA5] =	sst s1  }
0xa: {  	[smem:$0x3FA6] =	sst s2  }
0xb: {  	[smem:$0x3FA7] =	sst s3  }
0xc: {  	[smem:$0x3FA8] =	sst s4  }
0xd: {  	[smem:$0x3FA9] =	sst s5  }
0xe: {  	[smem:$0x3FAA] =	sst s6  }
0xf: {  	[smem:$0x3FAB] =	sst s7  }
0x10: {  	[smem:$0x3FAC] =	sst s8  }
0x11: {  	[smem:$0x3FAD] =	sst s9;
	s0 =	simm.s32 @!p0 $0x0  }
0x12: {  	s1 =	sld [smem:$0x3F93];
	s0 =	simm.s32 @p0 $0x1  }
0x13: {  	[smem:$0x3FAE] =	sst s0;
	s0 =	simm.s32 @!p1 $0x0  }
0x14: {  	s2 =	sld [smem:$0x3F92];
	s0 =	simm.s32 @p1 $0x1  }
0x15: {  	[smem:$0x3FAF] =	sst s0;
	s0 =	simm.s32 @!p2 $0x0  }
0x16: {  	s3 =	sld [smem:$0x3FDB];
	s0 =	simm.s32 @p2 $0x1  }
0x17: {  	s4 =	simm.s32 $0x1BF5;
	[smem:$0x3FB1] =	sst s0  }
0x18: {  	s0 =	sld [smem:$0x3F94];
	_ =	swait.ge [sflag:s4], $0x0  }
0x19: {  	s7 =	sld [smem:$0x3F95]  }
0x1a: {  	s8 =	sadd.s32 $0xFFFFE003, lr  }
0x1b: {  	s9 =	sadd.s32 $0xFFFFFEF7, lr;
	s5 =	simm.s32 $0xFFFFFFFF;
	p2 =	slt.u32 s8, $0xFFFFF086  }
0x1c: {  	p1 =	slt.u32 s9, $0xF7A;
	s5 =	simm.s32 @!p2 $0x0  }
0x1d: {  	s5 =	simm.s32 @p1 $0x1;
	p0 =	seq.s32 s7, s2  }
0x1e: {  	s7 =	smul.u32 @!p0 $0xF7A, s2;
	p2 =	seq.s32 @!p0 s5, $0x0  }
0x1f: {  	s9 =	smul.u32 $0xF7A, s1;
	s8 =	simm.s32 @!p0 $0x1BF5;
	p2 =	por !p2, p0  }
0x20: {  	[sflag:s8] =	ssyncset.s32 @!p0 $0xFFFFF086;
	s6 =	sadd.s32 @!p0 s3, s7;
	s7 =	simm.s32 @!p0 $0x108  }
0x21: {  	s3 =	sadd.s32 s3, s9;
	s6 =	sadd.s32 @!p0 $0x88, s6;
	s7 =	simm.s32 @p2 $0x1082  }
0x22: {  	[simem:s7], [sflag:s8] =	dma.local @!p0 [hbm:s6], $0xF7A  }
0x23: {  	s9 =	sor.u32 $0xD0000000, s2;
	s6 =	simm.s32 $0x108;
	_ =	swait.ge @!p0 [sflag:s8], $0x0  }
0x24: {  	s3 =	sadd.s32 $0x88, s3;
	s6 =	simm.s32 @!p1 $0x1082;
	[sflag:s4] =	ssyncset.s32 $0xFFFFF086  }
0x25: {  	[simem:s6], [sflag:s4] =	dma.local [hbm:s3], $0xF7A  }
0x26: {  	[smem:$0x3F95] =	sst s1;
	(tag) =	ssettag s2;
	_ =	strace s9  }
0x27: {  	s1 =	sld [smem:$0x3FA5]  }
0x28: {  	s2 =	sld [smem:$0x3FA6]  }
0x29: {  	s4 =	sld [smem:$0x3FA8]  }
0x2a: {  	p0 =	seq.s32 s5, $0x0;
	s5 =	sld [smem:$0x3FA9]  }
0x2b: {  	s6 =	sld [smem:$0x3FAA]  }
0x2c: {  	s7 =	sld [smem:$0x3FAB]  }
0x2d: {  	s3 =	simm.s32 $0x108;
	s8 =	sld [smem:$0x3FAC]  }
0x2e: {  	s3 =	simm.s32 @!p0 $0x1082;
	s9 =	sld [smem:$0x3FAD]  }
0x2f: {  	lr =	sadd.s32 s0, s3;
	s0 =	sld [smem:$0x3FA4]  }
0x30: {  	s3 =	sld [smem:$0x3FA7]  }
0x31: {  	[smem:$0x3FB0] =	sst s10  }
0x32: {  	s10 =	sld [smem:$0x3FAE];
	_ =	sdelay $0x3  }
0x33: {  	p0 =	seq.s32 s10, $0x1;
	s10 =	sld [smem:$0x3FB0];
	_ =	sdelay $0x3  }
0x34: {  	[smem:$0x3FB0] =	sst s10  }
0x35: {  	s10 =	sld [smem:$0x3FAF];
	_ =	sdelay $0x3  }
0x36: {  	p1 =	seq.s32 s10, $0x1;
	s10 =	sld [smem:$0x3FB0];
	_ =	sdelay $0x3  }
0x37: {  	[smem:$0x3FB0] =	sst s10  }
0x38: {  	s10 =	sld [smem:$0x3FB1]  }
0x39: {  	_ = 	snop;
	(pc) =	sbr.ind lr, $3  }
0x3a: {  	_ = 	snop  }
0x3b: {  	_ = 	snop  }
0x3c: {  	p2 =	seq.s32 s10, $0x1;
	s10 =	sld [smem:$0x3FB0]  }
0x3d: {  	_ =	shalt  }
0x3e: {  	_ =	shalt  }
0x3f: {  	_ =	shalt  }
0x40: {  	_ =	shalt  }
0x41: {  	_ =	shalt  }
0x42: {  	_ =	shalt  }
0x43: {  	_ =	shalt  }
0x44: {  	_ =	shalt  }
0x45: {  	_ =	shalt  }
0x46: {  	_ =	shalt  }
0x47: {  	_ =	shalt  }
0x48: {  	_ =	shalt  }
0x49: {  	_ =	shalt  }
0x4a: {  	_ =	shalt  }
0x4b: {  	_ =	shalt  }
0x4c: {  	_ =	shalt  }
0x4d: {  	_ =	shalt  }
0x4e: {  	_ =	shalt  }
0x4f: {  	_ =	shalt  }
0x50: {  	_ =	shalt  }
0x51: {  	_ =	shalt  }
0x52: {  	_ =	shalt  }
0x53: {  	_ =	shalt  }
0x54: {  	_ =	shalt  }
0x55: {  	_ =	shalt  }
0x56: {  	_ =	shalt  }
0x57: {  	_ =	shalt  }
0x58: {  	_ =	shalt  }
0x59: {  	_ =	shalt  }
0x5a: {  	_ =	shalt  }
0x5b: {  	_ =	shalt  }
0x5c: {  	_ =	shalt  }
0x5d: {  	_ =	shalt  }
0x5e: {  	_ =	shalt  }
0x5f: {  	_ =	shalt  }
0x60: {  	_ =	shalt  }
0x61: {  	_ =	shalt  }
0x62: {  	_ =	shalt  }
0x63: {  	_ =	shalt  }
0x64: {  	_ =	shalt  }
0x65: {  	_ =	shalt  }
0x66: {  	_ =	shalt  }
0x67: {  	_ =	shalt  }
0x68: {  	_ =	shalt  }
0x69: {  	_ =	shalt  }
0x6a: {  	_ =	shalt  }
0x6b: {  	_ =	shalt  }
0x6c: {  	_ =	shalt  }
0x6d: {  	_ =	shalt  }
0x6e: {  	_ =	shalt  }
0x6f: {  	_ =	shalt  }
0x70: {  	_ =	shalt  }
0x71: {  	_ =	shalt  }
0x72: {  	_ =	shalt  }
0x73: {  	_ =	shalt  }
0x74: {  	_ =	shalt  }
0x75: {  	_ =	shalt  }
0x76: {  	_ =	shalt  }
0x77: {  	_ =	shalt  }
0x78: {  	_ =	shalt  }
0x79: {  	_ =	shalt  }
0x7a: {  	_ =	shalt  }
0x7b: {  	_ =	shalt  }
0x7c: {  	_ =	shalt  }
0x7d: {  	_ =	shalt  }
0x7e: {  	_ =	shalt  }
0x7f: {  	_ =	shalt  }
0x80: {  	_ =	shalt  }
0x81: {  	_ =	shalt  }
0x82: {  	_ =	shalt  }
0x83: {  	_ =	shalt  }
0x84: {  	_ =	shalt  }
0x85: {  	_ =	shalt  }
0x86: {  	_ =	shalt  }
0x87: {  	_ =	shalt  }
.Lfunc_end0:
.L_simem_size_0:
called_computation.2_lowered:
.L_overlay_start_0:
0x88: {  	s2 =	sld [smem:$0x3FD9]  }
0x89: {  	s3 =	sld [smem:$0x3FFE];
	_ =	sdelay $0x1  }
0x8a: {  	s1 =	srdreg.scid  }
0x8b: {  	s0 =	sand.u32 $0x1, s1  }
0x8c: {  	s17 =	sshll.u32 s0, $0xA;
	s2 =	sadd.s32 s3, s2  }
0x8d: {  	s2 =	sadd.s32 s2, s17  }
0x8e: {  	[smem:$0x3FBC] =	sst s2  }
0x8f: {  	_ = 	snop  }
0x90: {  	s2 =	sld [smem:$0x3FD0];
	(tm) =	ssettm $0x1  }
0x91: {  	s18 =	sld [smem:$0x3FFB];
	_ =	sdelay $0x3  }
0x92: {  	_ =	strace s18  }
0x93: {  	s3 =	sld [smem:$0x3FFC];
	_ =	sdelay $0x3  }
0x94: {  	_ =	strace s3  }
0x95: {  	s3 =	sld [smem:$0x3FFD];
	_ =	sdelay $0x3  }
0x96: {  	_ =	strace s3  }
0x97: {  	_ =	strace $0x8FFFFFFF  }
0x98: {  	s19 =	sld [smem:$0x3FDB];
	_ =	sdelay $0x1  }
0x99: {  	s4 =	simm.s32 $_scs_section_size  }
0x9a: {  	s5 =	simm.s32 $_size__tile_overlayer_lowered;
	s6 =	simm.s32 $_tile_overlayer_lowered  }
0x9b: {  	s22 =	simm.s32 $0x1BFF;
	s21 =	sshll.u32 s6, $0x1;
	s3 =	sadd.s32 s4, s19  }
0x9c: {  	s7 =	simm.s32 $0x0;
	s20 =	sshll.u32 s5, $0x1;
	s5 =	sadd.s32 s21, s3  }
0x9d: {  	[timem:s7], [sflag:s22] =	dma.local [hbm:s5], s20  }
0x9e: {  	_ =	swait.ge [sflag:s22], s20  }
0x9f: {  	s4 =	ssub.s32 $0x0, s20;
	[sflag:s22] =	ssyncset.done $0x0  }
0xa0: {  	[sflag:s22] =	ssyncadd.s32 s4;
	_ =	sdelay $0x1  }
0xa1: {  	s23 =	simm.s32 $0x1B8B  }
0xa2: {  	_ =	swait.ge [sflag:s23], $0x1  }
0xa3: {  	[sflag:s23] =	ssyncset.done $0x0  }
0xa4: {  	s25 =	simm.s32 $0x1B8E;
	s24 =	sld [smem:$0x3FFE];
	[sflag:s23] =	ssyncadd.s32 $0xFFFFFFFF  }
0xa5: {  	s26 =	simm.s32 $execute0_lowered;
	[smem:$0x3FD2] =	sst s25  }
0xa6: {  	s5 =	sshll.u32 s26, $0x1;
	_ =	strace $0x8000004C;
	[dreg:$0x1] =	wrdreg $0xFFFFFFFF  }
0xa7: {  	s28 =	simm.s32 $_size_execute0_lowered;
	s3 =	sadd.s32 s3, s5;
	[dreg:$0x0] =	wrdreg $0x0  }
0xa8: {  	s5 =	sshll.u32 s28, $0x1;
	[dreg:$0x2] =	wrdreg s3  }
0xa9: {  	[dreg:$0x3] =	wrdreg s5  }
0xaa: {  	[dreg:$0x4] =	wrdreg $0xC0  }
0xab: {  	_ =	task [dreg:s7], $0x5FFFF  }
0xac: {  	[dreg:$0x1] =	wrdreg $0xFFFFFFFF  }
0xad: {  	[dreg:$0x0] =	wrdreg $0x60  }
0xae: {  	[dreg:$0x2] =	wrdreg s2  }
0xaf: {  	[dreg:$0x3] =	wrdreg s24  }
0xb0: {  	[dreg:$0x4] =	wrdreg $0xA8000  }
0xb1: {  	[dreg:$0x5] =	wrdreg $0x9  }
0xb2: {  	_ =	task.clear_ibuf [dreg:s7], $0x6FFFF;
	_ =	strace $0x9000004C  }
0xb3: {  	s29 =	simm.s32 $0x9;
	_ =	strace $0x8000004E  }
0xb4: {  	_ =	swait.ge [sflag:s29], $0x1  }
0xb5: {  	[sflag:s29] =	ssyncadd.s32 $0xFFFFFFFF  }
0xb6: {  	_ =	strace $0x9000004E  }
0xb7: {  	_ =	sfence  }
0xb8: {  	s30 =	sld [smem:$0x0];
	_ =	sdelay $0x2  }
0xb9: {  	s31 =	sshll.u32 s1, $0xD;
	s1 =	sshrl.u32 s1, $0x2  }
0xba: {  	s3 =	sand.u32 $0x4000, s31;
	s1 =	sadd.s32 s1, s30  }
0xbb: {  	s0 =	sor.u32 s3, s0;
	s1 =	sshll.u32 s1, $0x11  }
0xbc: {  	s0 =	sor.u32 s1, s0  }
0xbd: {  	s0 =	sadd.s32 $0x8F2B, s0  }
0xbe: {  	[sflag:s0] =	ssyncadd.remote.s32 $0x1  }
0xbf: {  	_ =	sfence.sel $0xFFFF  }
0xc0: {  	[dreg:$0x0] =	wrdreg $0xFFFFFFFF;
	(pc) =	sbr.abs _section_cstart, $3  }
0xc1: {  	[dreg:$0x1] =	wrdreg $0xFFFFFFFF  }
0xc2: {  	_ =	task.clear_ibuf [dreg:s7], $0x2FFFF;
	_ =	strace $0x9FFFFFFF  }
0xc3: {  	(tm) =	ssettm $0x7FFFFFFF  }
tec
execute0_lowered:
.L_overlay_start_1:
0x0: {  	(tag) =	ssettag $0x1  }
0x1: {  	s1 =	rddreg [dreg:$0x0]  }
0x2: {  	s6 =	rddreg [dreg:$0x1]  }
0x3: {  	s0 =	srdreg.scid;
	s3 =	rddreg [dreg:$0x2];
	s4 =	simm.s32 $0x0  }
0x4: {  	s13 =	simm.s32 $0x7D;
	s14 =	simm.s32 $0x2800;
	s15 =	simm.s32 $0x6800  }
0x5: {  	s16 =	simm.s32 $0x1;
	s5 =	sand.u32 $0x1, s0;
	s0 =	stileid.u32  }
0x6: {  	s17 =	simm.s32 $0x2;
	s18 =	simm.s32 $0x0;
	s8 =	smul.u32 $0x2800, s0  }
0x7: {  	[smem:$0x7FF] =	sst s4;
	s2 =	sshll.u32 s5, $0x4;
	s9 =	smul.u32 $0x28000, s5  }
0x8: {  	s5 =	ssub.s32 $0x2, s5;
	s28 =	smul.u32 $0x50000, s0;
	s2 =	sor.u32 s0, s2  }
0x9: {  	s31 =	sshll.u32 s0, $0x6;
	s29 =	sshrl.u32 s5, $0x1;
	s7 =	smul.u32 $0x5000, s2  }
0xa: {  	s2 =	rddreg [dreg:$0x3];
	_ =	strace $0x8000004D;
	s26 =	sadd.s32 s8, s9  }
0xb: {  	s8 =	sadd.s32 s8, s6;
	s11 =	ssub.s32 s5, s29;
	s30 =	sshrl.u32 s28, $0x2  }
0xc: {  	s12 =	sadd.s32 s30, s3;
	s5 =	sadd.s32 $0x40600, s8;
	s8 =	smax.u32 s11, $0x1  }
0xd: {  	s7 =	sshrl.u32 s7, $0x3;
	s11 =	sshrl.u32 s12, $0x3;
	s12 =	simm.s32 $0x3  }
0xe: {  	s10 =	sadd.s32 s7, s6;
	s7 =	sadd.s32 s26, s6;
	s6 =	sor.u32 $0x1C03, s31  }
0xf: {  	s7 =	sadd.s32 $0x68600, s7;
	s9 =	sadd.s32 $0x5400, s10;
	s10 =	sadd.s32 $0x5900, s10  }
.LBB2_1:
0x10: {  	[spmem:s11], [sflag:s6] =	dma.local [hbm:s5], $0x2800  }
0x11: {  	_ =	swait.ge [sflag:s12], $0x2800  }
0x12: {  	[sflag:s12] =	ssyncset.done $0x0  }
0x13: {  	[sflag:s12] =	ssyncadd.s32 $0xFFFFD800  }
0x14: {  	[bflag:$0x0] =	sbarrier.arrive $0xFFFF  }
0x15: {  	[tilespmem:s4], [sflag:$0x3] =	stream.linear.gather [hbm4b:s9+s4], $0x2800, $0x38;
	[tilespmem:$0x1E800] =	vst v63  }
0x16: {  	_ =	swait.ge [sflag:s12], $0x2800  }
0x17: {  	[sflag:s12] =	ssyncset.done $0x0  }
0x18: {  	s19 =	simm.s32 $0x0;
	[sflag:s12] =	ssyncadd.s32 $0xFFFFD800  }
0x19: {  	[tilespmem:s14], [sflag:$0x1] =	stream.indirect.gather [hbm4b:s1+s13], $0x80, s19, s13, $0xb8;
	[tilespmem:$0x1E800] =	vst v63  }
0x1a: {  	s29 =	simm.s32 $0x100  }
0x1b: {  	[tilespmem:s15], [sflag:$0x2] =	stream.indirect.gather [hbm4b:s1+s13], $0x80, s29, s13, $0xb8;
	[tilespmem:$0x1E800] =	vst v63  }
0x1c: {  	_ =	swait.ge [sflag:s16], $0x3E80  }
0x1d: {  	[sflag:s16] =	ssyncset.done $0x0  }
0x1e: {  	s30 =	simm.s32 $0x80;
	[sflag:s16] =	ssyncadd.s32 $0xFFFFC180  }
0x1f: {  	[spmem:s3] =	stream.indirect.scatter.add.f32 [tilespmem:s14], [sflag:$0x3], $0x80, s30, s13, $0xb8;
	[tilespmem:$0x1E800] =	vst v63  }
0x20: {  	_ =	swait.ge [sflag:s12], $0x3E80  }
0x21: {  	[sflag:s12] =	ssyncset.done $0x0  }
0x22: {  	[sflag:s12] =	ssyncadd.s32 $0xFFFFC180  }
0x23: {  	_ =	swait.ge [sflag:s17], $0x3E80  }
0x24: {  	[sflag:s17] =	ssyncset.done $0x0  }
0x25: {  	s31 =	simm.s32 $0x180;
	[sflag:s17] =	ssyncadd.s32 $0xFFFFC180  }
0x26: {  	[spmem:s3] =	stream.indirect.scatter.add.f32 [tilespmem:s15], [sflag:$0x3], $0x80, s31, s13, $0xb8;
	[tilespmem:$0x1E800] =	vst v63  }
0x27: {  	_ =	swait.ge [sflag:s12], $0x3E80  }
0x28: {  	s20 =	simm.s32 $0x1000;
	s19 =	simm.s32 $0x800;
	[sflag:s12] =	ssyncset.done $0x0  }
.LBB2_2:
0x29: {  	s21 =	sshra.s32 s19, $0x2  }
0x2a: {  	[sflag:s12] =	ssyncadd.s32 $0xFFFFC180;
	s19 =	smov.u32 s20;
	s22 =	sadd.s32 $0x800, s20  }
0x2b: {  	[tilespmem:s14], [sflag:$0x1] =	stream.indirect.gather [hbm4b:s1+s13], $0x80, s21, s13, $0xb8;
	[tilespmem:$0x1E800] =	vst v63  }
0x2c: {  	p0 =	sne.s32 s20, $0x9800;
	s20 =	sadd.s32 $0x100, s21  }
0x2d: {  	[tilespmem:s15], [sflag:$0x2] =	stream.indirect.gather [hbm4b:s1+s13], $0x80, s20, s13, $0xb8;
	[tilespmem:$0x1E800] =	vst v63  }
0x2e: {  	_ =	swait.ge [sflag:s16], $0x3E80  }
0x2f: {  	[sflag:s16] =	ssyncset.done $0x0  }
0x30: {  	s20 =	sadd.s32 $0x80, s21;
	[sflag:s16] =	ssyncadd.s32 $0xFFFFC180  }
0x31: {  	[spmem:s3] =	stream.indirect.scatter.add.f32 [tilespmem:s14], [sflag:$0x3], $0x80, s20, s13, $0xb8;
	[tilespmem:$0x1E800] =	vst v63  }
0x32: {  	_ =	swait.ge [sflag:s12], $0x3E80  }
0x33: {  	[sflag:s12] =	ssyncset.done $0x0  }
0x34: {  	[sflag:s12] =	ssyncadd.s32 $0xFFFFC180  }
0x35: {  	_ =	swait.ge [sflag:s17], $0x3E80  }
.Ltmp0:
0x36: {  	[sflag:s17] =	ssyncset.done $0x0;
	(pc) =	sbr.rel @p0 .LBB2_2-.Ltmp0, $4  }
0x37: {  	s20 =	sadd.s32 $0x180, s21;
	[sflag:s17] =	ssyncadd.s32 $0xFFFFC180  }
0x38: {  	[spmem:s3] =	stream.indirect.scatter.add.f32 [tilespmem:s15], [sflag:$0x3], $0x80, s20, s13, $0xb8;
	[tilespmem:$0x1E800] =	vst v63  }
0x39: {  	_ =	swait.ge [sflag:s12], $0x3E80  }
0x3a: {  	s20 =	smov.u32 s22;
	[sflag:s12] =	ssyncset.done $0x0  }
0x3b: {  	s19 =	sshra.s32 s19, $0x2;
	[sflag:s12] =	ssyncadd.s32 $0xFFFFC180  }
0x3c: {  	[tilespmem:s14], [sflag:$0x1] =	stream.indirect.gather [hbm4b:s1+s13], $0x80, s19, s13, $0xb8;
	[tilespmem:$0x1E800] =	vst v63  }
0x3d: {  	s20 =	sadd.s32 $0x100, s19  }
0x3e: {  	[tilespmem:s15], [sflag:$0x2] =	stream.indirect.gather [hbm4b:s1+s13], $0x80, s20, s13, $0xb8;
	[tilespmem:$0x1E800] =	vst v63  }
0x3f: {  	_ =	swait.ge [sflag:s16], $0x3E80  }
0x40: {  	[sflag:s16] =	ssyncset.done $0x0  }
0x41: {  	s25 =	sadd.s32 $0x80, s19;
	[sflag:s16] =	ssyncadd.s32 $0xFFFFC180  }
0x42: {  	[spmem:s3] =	stream.indirect.scatter.add.f32 [tilespmem:s14], [sflag:$0x3], $0x80, s25, s13, $0xb8;
	[tilespmem:$0x1E800] =	vst v63  }
0x43: {  	_ =	swait.ge [sflag:s12], $0x3E80  }
0x44: {  	[sflag:s12] =	ssyncset.done $0x0  }
0x45: {  	[sflag:s12] =	ssyncadd.s32 $0xFFFFC180  }
0x46: {  	_ =	swait.ge [sflag:s17], $0x3E80  }
0x47: {  	[sflag:s17] =	ssyncset.done $0x0  }
0x48: {  	s19 =	sadd.s32 $0x180, s19;
	[sflag:s17] =	ssyncadd.s32 $0xFFFFC180  }
0x49: {  	[spmem:s3] =	stream.indirect.scatter.add.f32 [tilespmem:s15], [sflag:$0x3], $0x80, s19, s13, $0xb8;
	[tilespmem:$0x1E800] =	vst v63  }
0x4a: {  	_ =	swait.ge [sflag:s12], $0x3E80  }
0x4b: {  	[sflag:s12] =	ssyncset.done $0x0  }
0x4c: {  	s26 =	simm.s32 $0x0;
	[sflag:s12] =	ssyncadd.s32 $0xFFFFC180  }
0x4d: {  	[tilespmem:s26], [sflag:$0x3] =	stream.linear.gather [hbm4b:s10+s26], $0x2800, $0x38;
	[tilespmem:$0x1E800] =	vst v63  }
0x4e: {  	_ =	swait.ge [sflag:s12], $0x2800  }
0x4f: {  	[sflag:s12] =	ssyncset.done $0x0  }
0x50: {  	s28 =	simm.s32 $0x0;
	[sflag:s12] =	ssyncadd.s32 $0xFFFFD800  }
0x51: {  	[tilespmem:s14], [sflag:$0x1] =	stream.indirect.gather [hbm4b:s1+s13], $0x80, s28, s13, $0xb8;
	[tilespmem:$0x1E800] =	vst v63  }
0x52: {  	s29 =	simm.s32 $0x100  }
0x53: {  	[tilespmem:s15], [sflag:$0x2] =	stream.indirect.gather [hbm4b:s1+s13], $0x80, s29, s13, $0xb8;
	[tilespmem:$0x1E800] =	vst v63  }
0x54: {  	_ =	swait.ge [sflag:s16], $0x3E80  }
0x55: {  	[sflag:s16] =	ssyncset.done $0x0  }
0x56: {  	s30 =	simm.s32 $0x80;
	[sflag:s16] =	ssyncadd.s32 $0xFFFFC180  }
0x57: {  	[spmem:s3] =	stream.indirect.scatter.add.f32 [tilespmem:s14], [sflag:$0x3], $0x80, s30, s13, $0xb8;
	[tilespmem:$0x1E800] =	vst v63  }
0x58: {  	_ =	swait.ge [sflag:s12], $0x3E80  }
0x59: {  	[sflag:s12] =	ssyncset.done $0x0  }
0x5a: {  	[sflag:s12] =	ssyncadd.s32 $0xFFFFC180  }
0x5b: {  	_ =	swait.ge [sflag:s17], $0x3E80  }
0x5c: {  	[sflag:s17] =	ssyncset.done $0x0  }
0x5d: {  	s31 =	simm.s32 $0x180;
	[sflag:s17] =	ssyncadd.s32 $0xFFFFC180  }
0x5e: {  	[spmem:s3] =	stream.indirect.scatter.add.f32 [tilespmem:s15], [sflag:$0x3], $0x80, s31, s13, $0xb8;
	[tilespmem:$0x1E800] =	vst v63  }
0x5f: {  	_ =	swait.ge [sflag:s12], $0x3E80  }
0x60: {  	s20 =	simm.s32 $0x1000;
	s19 =	simm.s32 $0x800;
	[sflag:s12] =	ssyncset.done $0x0  }
.LBB2_4:
0x61: {  	s21 =	sshra.s32 s19, $0x2  }
0x62: {  	[sflag:s12] =	ssyncadd.s32 $0xFFFFC180;
	s19 =	smov.u32 s20;
	s22 =	sadd.s32 $0x800, s20  }
0x63: {  	[tilespmem:s14], [sflag:$0x1] =	stream.indirect.gather [hbm4b:s1+s13], $0x80, s21, s13, $0xb8;
	[tilespmem:$0x1E800] =	vst v63  }
0x64: {  	p0 =	sne.s32 s20, $0x9800;
	s20 =	sadd.s32 $0x100, s21  }
0x65: {  	[tilespmem:s15], [sflag:$0x2] =	stream.indirect.gather [hbm4b:s1+s13], $0x80, s20, s13, $0xb8;
	[tilespmem:$0x1E800] =	vst v63  }
0x66: {  	_ =	swait.ge [sflag:s16], $0x3E80  }
0x67: {  	[sflag:s16] =	ssyncset.done $0x0  }
0x68: {  	s20 =	sadd.s32 $0x80, s21;
	[sflag:s16] =	ssyncadd.s32 $0xFFFFC180  }
0x69: {  	[spmem:s3] =	stream.indirect.scatter.add.f32 [tilespmem:s14], [sflag:$0x3], $0x80, s20, s13, $0xb8;
	[tilespmem:$0x1E800] =	vst v63  }
0x6a: {  	_ =	swait.ge [sflag:s12], $0x3E80  }
0x6b: {  	[sflag:s12] =	ssyncset.done $0x0  }
0x6c: {  	[sflag:s12] =	ssyncadd.s32 $0xFFFFC180  }
0x6d: {  	_ =	swait.ge [sflag:s17], $0x3E80  }
.Ltmp1:
0x6e: {  	[sflag:s17] =	ssyncset.done $0x0;
	(pc) =	sbr.rel @p0 .LBB2_4-.Ltmp1, $4  }
0x6f: {  	s20 =	sadd.s32 $0x180, s21;
	[sflag:s17] =	ssyncadd.s32 $0xFFFFC180  }
0x70: {  	[spmem:s3] =	stream.indirect.scatter.add.f32 [tilespmem:s15], [sflag:$0x3], $0x80, s20, s13, $0xb8;
	[tilespmem:$0x1E800] =	vst v63  }
0x71: {  	_ =	swait.ge [sflag:s12], $0x3E80  }
0x72: {  	s20 =	smov.u32 s22;
	[sflag:s12] =	ssyncset.done $0x0  }
0x73: {  	s19 =	sshra.s32 s19, $0x2;
	[sflag:s12] =	ssyncadd.s32 $0xFFFFC180  }
0x74: {  	[tilespmem:s14], [sflag:$0x1] =	stream.indirect.gather [hbm4b:s1+s13], $0x80, s19, s13, $0xb8;
	[tilespmem:$0x1E800] =	vst v63  }
0x75: {  	s20 =	sadd.s32 $0x100, s19  }
0x76: {  	[tilespmem:s15], [sflag:$0x2] =	stream.indirect.gather [hbm4b:s1+s13], $0x80, s20, s13, $0xb8;
	[tilespmem:$0x1E800] =	vst v63  }
0x77: {  	_ =	swait.ge [sflag:s16], $0x3E80  }
0x78: {  	[sflag:s16] =	ssyncset.done $0x0  }
0x79: {  	s31 =	sadd.s32 $0x80, s19;
	[sflag:s16] =	ssyncadd.s32 $0xFFFFC180  }
0x7a: {  	[spmem:s3] =	stream.indirect.scatter.add.f32 [tilespmem:s14], [sflag:$0x3], $0x80, s31, s13, $0xb8;
	[tilespmem:$0x1E800] =	vst v63  }
0x7b: {  	_ =	swait.ge [sflag:s12], $0x3E80  }
0x7c: {  	[sflag:s12] =	ssyncset.done $0x0  }
0x7d: {  	[sflag:s12] =	ssyncadd.s32 $0xFFFFC180  }
0x7e: {  	_ =	swait.ge [sflag:s17], $0x3E80  }
0x7f: {  	[sflag:s17] =	ssyncset.done $0x0  }
0x80: {  	s19 =	sadd.s32 $0x180, s19;
	[sflag:s17] =	ssyncadd.s32 $0xFFFFC180  }
0x81: {  	[spmem:s3] =	stream.indirect.scatter.add.f32 [tilespmem:s15], [sflag:$0x3], $0x80, s19, s13, $0xb8;
	[tilespmem:$0x1E800] =	vst v63  }
0x82: {  	_ =	swait.ge [sflag:s12], $0x3E80  }
0x83: {  	s18 =	sadd.s32 $0x1, s18;
	[sflag:s12] =	ssyncset.done $0x0  }
0x84: {  	p0 =	sne.s32 s18, s8;
	[sflag:s12] =	ssyncadd.s32 $0xFFFFC180  }
.Ltmp2:
0x85: {  	[bflag:$0x0] =	sbarrier.arrive $0xFFFF;
	(pc) =	sbr.rel @p0 .LBB2_1-.Ltmp2, $4  }
0x86: {  	[hbm:s7], [sflag:s6] =	dma.local [spmem:s11], $0x2800  }
0x87: {  	_ =	swait.ge [sflag:s12], $0x2800  }
0x88: {  	[sflag:s12] =	ssyncset.done $0x0  }
0x89: {  	[sflag:s12] =	ssyncadd.s32 $0xFFFFD800  }
0x8a: {  	_ =	sfence.sel $0x180000  }
0x8b: {  	[bflag:$0x0] =	sbarrier.arrive $0xFFFF  }
0x8c: {  	p0 =	sne.s32 s0, $0x0;
	_ =	strace $0x9000004D  }
0x8d: {  	s0 =	sadd.s32 @!p0 $0x100000, s2;
	[bflag:$0x2] =	sbarrier.arrive $0xFFFF  }
0x8e: {  	[sflag:s0] =	ssyncadd.tile.s32 @!p0 $0x1;
	_ =	shalt  }
.Lfunc_end2:
_tile_overlayer_lowered:
.L_overlay_start_2:
0x8f: {  	(tag) =	ssettag $0x2  }
0x90: {  	s0 =	rddreg [dreg:$0x0];
	s2 =	stileid.u32  }
0x91: {  	s1 =	rddreg [dreg:$0x1];
	p0 =	sne.s32 s2, $0x0  }
0x92: {  	s3 =	rddreg [dreg:$0x2];
	[bflag:$0x3] =	sbarrier.arrive $0xFFFF;
	s2 =	simm.s32 @!p0 $0x1C03  }
0x93: {  	[timem:s3], [sflag:s2] =	dma.local @!p0 [hbm:s0], s1  }
0x94: {  	s0 =	simm.s32 @!p0 $0x3  }
0x95: {  	_ =	swait.ge @!p0 [sflag:s0], s1  }
0x96: {  	s1 =	ssub.s32 @!p0 $0x0, s1;
	[sflag:s0] =	ssyncset.done @!p0 $0x0  }
0x97: {  	[sflag:s0] =	ssyncadd.s32 @!p0 s1  }
0x98: {  	[bflag:$0x3] =	sbarrier.arrive $0xFFFF  }
0x99: {  	_ =	shalt  }

// kernel: kernel.22.cloned.1.call-start
scs
__scs_entry_jumppad:
0x0: {  	(pc) =	sbr.rel $0x88, $3  }
0x1: {  	(tag) =	ssettag $0x0;
	lr =	simm.s32 $0x1  }
0x2: {  	[smem:$0x3F95] =	sst lr;
	_ =	strace $0xD0000000  }
0x3: {  	_ = 	snop  }
0x4: {  	_ = 	snop  }
0x5: {  	_ = 	snop  }
0x6: {  	_ = 	snop  }
0x7: {  	_ = 	snop  }
__scs_overlays_trampoline_lowered:
0x8: {  	[smem:$0x3FA4] =	sst s0  }
0x9: {  	[smem:$0x3FA5] =	sst s1  }
0xa: {  	[smem:$0x3FA6] =	sst s2  }
0xb: {  	[smem:$0x3FA7] =	sst s3  }
0xc: {  	[smem:$0x3FA8] =	sst s4  }
0xd: {  	[smem:$0x3FA9] =	sst s5  }
0xe: {  	[smem:$0x3FAA] =	sst s6  }
0xf: {  	[smem:$0x3FAB] =	sst s7  }
0x10: {  	[smem:$0x3FAC] =	sst s8  }
0x11: {  	[smem:$0x3FAD] =	sst s9;
	s0 =	simm.s32 @!p0 $0x0  }
0x12: {  	s1 =	sld [smem:$0x3F93];
	s0 =	simm.s32 @p0 $0x1  }
0x13: {  	[smem:$0x3FAE] =	sst s0;
	s0 =	simm.s32 @!p1 $0x0  }
0x14: {  	s2 =	sld [smem:$0x3F92];
	s0 =	simm.s32 @p1 $0x1  }
0x15: {  	[smem:$0x3FAF] =	sst s0;
	s0 =	simm.s32 @!p2 $0x0  }
0x16: {  	s3 =	sld [smem:$0x3FDB];
	s0 =	simm.s32 @p2 $0x1  }
0x17: {  	s4 =	simm.s32 $0x1BF5;
	[smem:$0x3FB1] =	sst s0  }
0x18: {  	s0 =	sld [smem:$0x3F94];
	_ =	swait.ge [sflag:s4], $0x0  }
0x19: {  	s7 =	sld [smem:$0x3F95]  }
0x1a: {  	s8 =	sadd.s32 $0xFFFFE003, lr  }
0x1b: {  	s9 =	sadd.s32 $0xFFFFFEF7, lr;
	s5 =	simm.s32 $0xFFFFFFFF;
	p2 =	slt.u32 s8, $0xFFFFF086  }
0x1c: {  	p1 =	slt.u32 s9, $0xF7A;
	s5 =	simm.s32 @!p2 $0x0  }
0x1d: {  	s5 =	simm.s32 @p1 $0x1;
	p0 =	seq.s32 s7, s2  }
0x1e: {  	s7 =	smul.u32 @!p0 $0xF7A, s2;
	p2 =	seq.s32 @!p0 s5, $0x0  }
0x1f: {  	s9 =	smul.u32 $0xF7A, s1;
	s8 =	simm.s32 @!p0 $0x1BF5;
	p2 =	por !p2, p0  }
0x20: {  	[sflag:s8] =	ssyncset.s32 @!p0 $0xFFFFF086;
	s6 =	sadd.s32 @!p0 s3, s7;
	s7 =	simm.s32 @!p0 $0x108  }
0x21: {  	s3 =	sadd.s32 s3, s9;
	s6 =	sadd.s32 @!p0 $0x88, s6;
	s7 =	simm.s32 @p2 $0x1082  }
0x22: {  	[simem:s7], [sflag:s8] =	dma.local @!p0 [hbm:s6], $0xF7A  }
0x23: {  	s9 =	sor.u32 $0xD0000000, s2;
	s6 =	simm.s32 $0x108;
	_ =	swait.ge @!p0 [sflag:s8], $0x0  }
0x24: {  	s3 =	sadd.s32 $0x88, s3;
	s6 =	simm.s32 @!p1 $0x1082;
	[sflag:s4] =	ssyncset.s32 $0xFFFFF086  }
0x25: {  	[simem:s6], [sflag:s4] =	dma.local [hbm:s3], $0xF7A  }
0x26: {  	[smem:$0x3F95] =	sst s1;
	(tag) =	ssettag s2;
	_ =	strace s9  }
0x27: {  	s1 =	sld [smem:$0x3FA5]  }
0x28: {  	s2 =	sld [smem:$0x3FA6]  }
0x29: {  	s4 =	sld [smem:$0x3FA8]  }
0x2a: {  	p0 =	seq.s32 s5, $0x0;
	s5 =	sld [smem:$0x3FA9]  }
0x2b: {  	s6 =	sld [smem:$0x3FAA]  }
0x2c: {  	s7 =	sld [smem:$0x3FAB]  }
0x2d: {  	s3 =	simm.s32 $0x108;
	s8 =	sld [smem:$0x3FAC]  }
0x2e: {  	s3 =	simm.s32 @!p0 $0x1082;
	s9 =	sld [smem:$0x3FAD]  }
0x2f: {  	lr =	sadd.s32 s0, s3;
	s0 =	sld [smem:$0x3FA4]  }
0x30: {  	s3 =	sld [smem:$0x3FA7]  }
0x31: {  	[smem:$0x3FB0] =	sst s10  }
0x32: {  	s10 =	sld [smem:$0x3FAE];
	_ =	sdelay $0x3  }
0x33: {  	p0 =	seq.s32 s10, $0x1;
	s10 =	sld [smem:$0x3FB0];
	_ =	sdelay $0x3  }
0x34: {  	[smem:$0x3FB0] =	sst s10  }
0x35: {  	s10 =	sld [smem:$0x3FAF];
	_ =	sdelay $0x3  }
0x36: {  	p1 =	seq.s32 s10, $0x1;
	s10 =	sld [smem:$0x3FB0];
	_ =	sdelay $0x3  }
0x37: {  	[smem:$0x3FB0] =	sst s10  }
0x38: {  	s10 =	sld [smem:$0x3FB1]  }
0x39: {  	_ = 	snop;
	(pc) =	sbr.ind lr, $3  }
0x3a: {  	_ = 	snop  }
0x3b: {  	_ = 	snop  }
0x3c: {  	p2 =	seq.s32 s10, $0x1;
	s10 =	sld [smem:$0x3FB0]  }
0x3d: {  	_ =	shalt  }
0x3e: {  	_ =	shalt  }
0x3f: {  	_ =	shalt  }
0x40: {  	_ =	shalt  }
0x41: {  	_ =	shalt  }
0x42: {  	_ =	shalt  }
0x43: {  	_ =	shalt  }
0x44: {  	_ =	shalt  }
0x45: {  	_ =	shalt  }
0x46: {  	_ =	shalt  }
0x47: {  	_ =	shalt  }
0x48: {  	_ =	shalt  }
0x49: {  	_ =	shalt  }
0x4a: {  	_ =	shalt  }
0x4b: {  	_ =	shalt  }
0x4c: {  	_ =	shalt  }
0x4d: {  	_ =	shalt  }
0x4e: {  	_ =	shalt  }
0x4f: {  	_ =	shalt  }
0x50: {  	_ =	shalt  }
0x51: {  	_ =	shalt  }
0x52: {  	_ =	shalt  }
0x53: {  	_ =	shalt  }
0x54: {  	_ =	shalt  }
0x55: {  	_ =	shalt  }
0x56: {  	_ =	shalt  }
0x57: {  	_ =	shalt  }
0x58: {  	_ =	shalt  }
0x59: {  	_ =	shalt  }
0x5a: {  	_ =	shalt  }
0x5b: {  	_ =	shalt  }
0x5c: {  	_ =	shalt  }
0x5d: {  	_ =	shalt  }
0x5e: {  	_ =	shalt  }
0x5f: {  	_ =	shalt  }
0x60: {  	_ =	shalt  }
0x61: {  	_ =	shalt  }
0x62: {  	_ =	shalt  }
0x63: {  	_ =	shalt  }
0x64: {  	_ =	shalt  }
0x65: {  	_ =	shalt  }
0x66: {  	_ =	shalt  }
0x67: {  	_ =	shalt  }
0x68: {  	_ =	shalt  }
0x69: {  	_ =	shalt  }
0x6a: {  	_ =	shalt  }
0x6b: {  	_ =	shalt  }
0x6c: {  	_ =	shalt  }
0x6d: {  	_ =	shalt  }
0x6e: {  	_ =	shalt  }
0x6f: {  	_ =	shalt  }
0x70: {  	_ =	shalt  }
0x71: {  	_ =	shalt  }
0x72: {  	_ =	shalt  }
0x73: {  	_ =	shalt  }
0x74: {  	_ =	shalt  }
0x75: {  	_ =	shalt  }
0x76: {  	_ =	shalt  }
0x77: {  	_ =	shalt  }
0x78: {  	_ =	shalt  }
0x79: {  	_ =	shalt  }
0x7a: {  	_ =	shalt  }
0x7b: {  	_ =	shalt  }
0x7c: {  	_ =	shalt  }
0x7d: {  	_ =	shalt  }
0x7e: {  	_ =	shalt  }
0x7f: {  	_ =	shalt  }
0x80: {  	_ =	shalt  }
0x81: {  	_ =	shalt  }
0x82: {  	_ =	shalt  }
0x83: {  	_ =	shalt  }
0x84: {  	_ =	shalt  }
0x85: {  	_ =	shalt  }
0x86: {  	_ =	shalt  }
0x87: {  	_ =	shalt  }
.Lfunc_end0:
.L_simem_size_0:
called_computation.3_lowered:
.L_overlay_start_0:
0x88: {  	s2 =	sld [smem:$0x3FD9]  }
0x89: {  	s3 =	sld [smem:$0x3FFE];
	_ =	sdelay $0x1  }
0x8a: {  	s1 =	srdreg.scid  }
0x8b: {  	s0 =	sand.u32 $0x1, s1  }
0x8c: {  	s17 =	sshll.u32 s0, $0xA;
	s2 =	sadd.s32 s3, s2  }
0x8d: {  	s2 =	sadd.s32 s2, s17  }
0x8e: {  	[smem:$0x3FBC] =	sst s2  }
0x8f: {  	_ = 	snop  }
0x90: {  	s2 =	sld [smem:$0x3FD0];
	(tm) =	ssettm $0x1  }
0x91: {  	s18 =	sld [smem:$0x3FFB];
	_ =	sdelay $0x3  }
0x92: {  	_ =	strace s18  }
0x93: {  	s3 =	sld [smem:$0x3FFC];
	_ =	sdelay $0x3  }
0x94: {  	_ =	strace s3  }
0x95: {  	s3 =	sld [smem:$0x3FFD];
	_ =	sdelay $0x3  }
0x96: {  	_ =	strace s3  }
0x97: {  	_ =	strace $0x8FFFFFFF  }
0x98: {  	s19 =	sld [smem:$0x3FDB];
	_ =	sdelay $0x1  }
0x99: {  	s4 =	simm.s32 $_scs_section_size  }
0x9a: {  	s5 =	simm.s32 $_size__tile_overlayer_lowered;
	s6 =	simm.s32 $_tile_overlayer_lowered  }
0x9b: {  	s22 =	simm.s32 $0x1BFF;
	s21 =	sshll.u32 s6, $0x1;
	s3 =	sadd.s32 s4, s19  }
0x9c: {  	s7 =	simm.s32 $0x0;
	s20 =	sshll.u32 s5, $0x1;
	s5 =	sadd.s32 s21, s3  }
0x9d: {  	[timem:s7], [sflag:s22] =	dma.local [hbm:s5], s20  }
0x9e: {  	_ =	swait.ge [sflag:s22], s20  }
0x9f: {  	s4 =	ssub.s32 $0x0, s20;
	[sflag:s22] =	ssyncset.done $0x0  }
0xa0: {  	[sflag:s22] =	ssyncadd.s32 s4;
	_ =	sdelay $0x1  }
0xa1: {  	s23 =	simm.s32 $0x1B8B  }
0xa2: {  	_ =	swait.ge [sflag:s23], $0x1  }
0xa3: {  	[sflag:s23] =	ssyncset.done $0x0  }
0xa4: {  	s25 =	simm.s32 $0x1B8E;
	s24 =	sld [smem:$0x3FFE];
	[sflag:s23] =	ssyncadd.s32 $0xFFFFFFFF  }
0xa5: {  	s26 =	simm.s32 $execute0_lowered;
	[smem:$0x3FD2] =	sst s25  }
0xa6: {  	s5 =	sshll.u32 s26, $0x1;
	_ =	strace $0x8000004F;
	[dreg:$0x1] =	wrdreg $0xFFFFFFFF  }
0xa7: {  	s28 =	simm.s32 $_size_execute0_lowered;
	s3 =	sadd.s32 s3, s5;
	[dreg:$0x0] =	wrdreg $0x0  }
0xa8: {  	s5 =	sshll.u32 s28, $0x1;
	[dreg:$0x2] =	wrdreg s3  }
0xa9: {  	[dreg:$0x3] =	wrdreg s5  }
0xaa: {  	[dreg:$0x4] =	wrdreg $0xC0  }
0xab: {  	_ =	task [dreg:s7], $0x5FFFF  }
0xac: {  	[dreg:$0x1] =	wrdreg $0xFFFFFFFF  }
0xad: {  	[dreg:$0x0] =	wrdreg $0x60  }
0xae: {  	[dreg:$0x2] =	wrdreg s2  }
0xaf: {  	[dreg:$0x3] =	wrdreg s24  }
0xb0: {  	[dreg:$0x4] =	wrdreg $0xA8000  }
0xb1: {  	[dreg:$0x5] =	wrdreg $0x9  }
0xb2: {  	_ =	task.clear_ibuf [dreg:s7], $0x6FFFF;
	_ =	strace $0x9000004F  }
0xb3: {  	s29 =	simm.s32 $0x9;
	_ =	strace $0x80000051  }
0xb4: {  	_ =	swait.ge [sflag:s29], $0x1  }
0xb5: {  	[sflag:s29] =	ssyncadd.s32 $0xFFFFFFFF  }
0xb6: {  	_ =	strace $0x90000051  }
0xb7: {  	_ =	sfence  }
0xb8: {  	s30 =	sld [smem:$0x0];
	_ =	sdelay $0x2  }
0xb9: {  	s31 =	sshll.u32 s1, $0xD;
	s1 =	sshrl.u32 s1, $0x2  }
0xba: {  	s3 =	sand.u32 $0x4000, s31;
	s1 =	sadd.s32 s1, s30  }
0xbb: {  	s0 =	sor.u32 s3, s0;
	s1 =	sshll.u32 s1, $0x11  }
0xbc: {  	s0 =	sor.u32 s1, s0  }
0xbd: {  	s0 =	sadd.s32 $0x8F2B, s0  }
0xbe: {  	[sflag:s0] =	ssyncadd.remote.s32 $0x1  }
0xbf: {  	_ =	sfence.sel $0xFFFF  }
0xc0: {  	[dreg:$0x0] =	wrdreg $0xFFFFFFFF;
	(pc) =	sbr.abs _section_cstart, $3  }
0xc1: {  	[dreg:$0x1] =	wrdreg $0xFFFFFFFF  }
0xc2: {  	_ =	task.clear_ibuf [dreg:s7], $0x2FFFF;
	_ =	strace $0x9FFFFFFF  }
0xc3: {  	(tm) =	ssettm $0x7FFFFFFF  }
tec
execute0_lowered:
.L_overlay_start_1:
0x0: {  	(tag) =	ssettag $0x1  }
0x1: {  	s1 =	rddreg [dreg:$0x0]  }
0x2: {  	s6 =	rddreg [dreg:$0x1]  }
0x3: {  	s0 =	srdreg.scid;
	s3 =	rddreg [dreg:$0x2];
	s4 =	simm.s32 $0x0  }
0x4: {  	s13 =	simm.s32 $0x7D;
	s14 =	simm.s32 $0x2800;
	s15 =	simm.s32 $0x6800  }
0x5: {  	s16 =	simm.s32 $0x1;
	s5 =	sand.u32 $0x1, s0;
	s0 =	stileid.u32  }
0x6: {  	s17 =	simm.s32 $0x2;
	s18 =	simm.s32 $0x0;
	s8 =	smul.u32 $0x2800, s0  }
0x7: {  	[smem:$0x7FF] =	sst s4;
	s2 =	sshll.u32 s5, $0x4;
	s9 =	smul.u32 $0x28000, s5  }
0x8: {  	s5 =	ssub.s32 $0x2, s5;
	s28 =	smul.u32 $0x50000, s0;
	s2 =	sor.u32 s0, s2  }
0x9: {  	s31 =	sshll.u32 s0, $0x6;
	s29 =	sshrl.u32 s5, $0x1;
	s7 =	smul.u32 $0x5000, s2  }
0xa: {  	s2 =	rddreg [dreg:$0x3];
	_ =	strace $0x80000050;
	s26 =	sadd.s32 s8, s9  }
0xb: {  	s8 =	sadd.s32 s8, s6;
	s11 =	ssub.s32 s5, s29;
	s30 =	sshrl.u32 s28, $0x2  }
0xc: {  	s12 =	sadd.s32 s30, s3;
	s5 =	sadd.s32 $0x40600, s8;
	s8 =	smax.u32 s11, $0x1  }
0xd: {  	s7 =	sshrl.u32 s7, $0x3;
	s11 =	sshrl.u32 s12, $0x3;
	s12 =	simm.s32 $0x3  }
0xe: {  	s10 =	sadd.s32 s7, s6;
	s7 =	sadd.s32 s26, s6;
	s6 =	sor.u32 $0x1C03, s31  }
0xf: {  	s7 =	sadd.s32 $0x68600, s7;
	s9 =	sadd.s32 $0x5400, s10;
	s10 =	sadd.s32 $0x5900, s10  }
.LBB2_1:
0x10: {  	[spmem:s11], [sflag:s6] =	dma.local [hbm:s5], $0x2800  }
0x11: {  	_ =	swait.ge [sflag:s12], $0x2800  }
0x12: {  	[sflag:s12] =	ssyncset.done $0x0  }
0x13: {  	[sflag:s12] =	ssyncadd.s32 $0xFFFFD800  }
0x14: {  	[bflag:$0x0] =	sbarrier.arrive $0xFFFF  }
0x15: {  	[tilespmem:s4], [sflag:$0x3] =	stream.linear.gather [hbm4b:s9+s4], $0x2800, $0x38;
	[tilespmem:$0x1E800] =	vst v63  }
0x16: {  	_ =	swait.ge [sflag:s12], $0x2800  }
0x17: {  	[sflag:s12] =	ssyncset.done $0x0  }
0x18: {  	s19 =	simm.s32 $0x0;
	[sflag:s12] =	ssyncadd.s32 $0xFFFFD800  }
0x19: {  	[tilespmem:s14], [sflag:$0x1] =	stream.indirect.gather [hbm4b:s1+s13], $0x80, s19, s13, $0xb8;
	[tilespmem:$0x1E800] =	vst v63  }
0x1a: {  	s29 =	simm.s32 $0x100  }
0x1b: {  	[tilespmem:s15], [sflag:$0x2] =	stream.indirect.gather [hbm4b:s1+s13], $0x80, s29, s13, $0xb8;
	[tilespmem:$0x1E800] =	vst v63  }
0x1c: {  	_ =	swait.ge [sflag:s16], $0x3E80  }
0x1d: {  	[sflag:s16] =	ssyncset.done $0x0  }
0x1e: {  	s30 =	simm.s32 $0x80;
	[sflag:s16] =	ssyncadd.s32 $0xFFFFC180  }
0x1f: {  	[spmem:s3] =	stream.indirect.scatter.add.f32 [tilespmem:s14], [sflag:$0x3], $0x80, s30, s13, $0xb8;
	[tilespmem:$0x1E800] =	vst v63  }
0x20: {  	_ =	swait.ge [sflag:s12], $0x3E80  }
0x21: {  	[sflag:s12] =	ssyncset.done $0x0  }
0x22: {  	[sflag:s12] =	ssyncadd.s32 $0xFFFFC180  }
0x23: {  	_ =	swait.ge [sflag:s17], $0x3E80  }
0x24: {  	[sflag:s17] =	ssyncset.done $0x0  }
0x25: {  	s31 =	simm.s32 $0x180;
	[sflag:s17] =	ssyncadd.s32 $0xFFFFC180  }
0x26: {  	[spmem:s3] =	stream.indirect.scatter.add.f32 [tilespmem:s15], [sflag:$0x3], $0x80, s31, s13, $0xb8;
	[tilespmem:$0x1E800] =	vst v63  }
0x27: {  	_ =	swait.ge [sflag:s12], $0x3E80  }
0x28: {  	s20 =	simm.s32 $0x1000;
	s19 =	simm.s32 $0x800;
	[sflag:s12] =	ssyncset.done $0x0  }
.LBB2_2:
0x29: {  	s21 =	sshra.s32 s19, $0x2  }
0x2a: {  	[sflag:s12] =	ssyncadd.s32 $0xFFFFC180;
	s19 =	smov.u32 s20;
	s22 =	sadd.s32 $0x800, s20  }
0x2b: {  	[tilespmem:s14], [sflag:$0x1] =	stream.indirect.gather [hbm4b:s1+s13], $0x80, s21, s13, $0xb8;
	[tilespmem:$0x1E800] =	vst v63  }
0x2c: {  	p0 =	sne.s32 s20, $0x9800;
	s20 =	sadd.s32 $0x100, s21  }
0x2d: {  	[tilespmem:s15], [sflag:$0x2] =	stream.indirect.gather [hbm4b:s1+s13], $0x80, s20, s13, $0xb8;
	[tilespmem:$0x1E800] =	vst v63  }
0x2e: {  	_ =	swait.ge [sflag:s16], $0x3E80  }
0x2f: {  	[sflag:s16] =	ssyncset.done $0x0  }
0x30: {  	s20 =	sadd.s32 $0x80, s21;
	[sflag:s16] =	ssyncadd.s32 $0xFFFFC180  }
0x31: {  	[spmem:s3] =	stream.indirect.scatter.add.f32 [tilespmem:s14], [sflag:$0x3], $0x80, s20, s13, $0xb8;
	[tilespmem:$0x1E800] =	vst v63  }
0x32: {  	_ =	swait.ge [sflag:s12], $0x3E80  }
0x33: {  	[sflag:s12] =	ssyncset.done $0x0  }
0x34: {  	[sflag:s12] =	ssyncadd.s32 $0xFFFFC180  }
0x35: {  	_ =	swait.ge [sflag:s17], $0x3E80  }
.Ltmp0:
0x36: {  	[sflag:s17] =	ssyncset.done $0x0;
	(pc) =	sbr.rel @p0 .LBB2_2-.Ltmp0, $4  }
0x37: {  	s20 =	sadd.s32 $0x180, s21;
	[sflag:s17] =	ssyncadd.s32 $0xFFFFC180  }
0x38: {  	[spmem:s3] =	stream.indirect.scatter.add.f32 [tilespmem:s15], [sflag:$0x3], $0x80, s20, s13, $0xb8;
	[tilespmem:$0x1E800] =	vst v63  }
0x39: {  	_ =	swait.ge [sflag:s12], $0x3E80  }
0x3a: {  	s20 =	smov.u32 s22;
	[sflag:s12] =	ssyncset.done $0x0  }
0x3b: {  	s19 =	sshra.s32 s19, $0x2;
	[sflag:s12] =	ssyncadd.s32 $0xFFFFC180  }
0x3c: {  	[tilespmem:s14], [sflag:$0x1] =	stream.indirect.gather [hbm4b:s1+s13], $0x80, s19, s13, $0xb8;
	[tilespmem:$0x1E800] =	vst v63  }
0x3d: {  	s20 =	sadd.s32 $0x100, s19  }
0x3e: {  	[tilespmem:s15], [sflag:$0x2] =	stream.indirect.gather [hbm4b:s1+s13], $0x80, s20, s13, $0xb8;
	[tilespmem:$0x1E800] =	vst v63  }
0x3f: {  	_ =	swait.ge [sflag:s16], $0x3E80  }
0x40: {  	[sflag:s16] =	ssyncset.done $0x0  }
0x41: {  	s25 =	sadd.s32 $0x80, s19;
	[sflag:s16] =	ssyncadd.s32 $0xFFFFC180  }
0x42: {  	[spmem:s3] =	stream.indirect.scatter.add.f32 [tilespmem:s14], [sflag:$0x3], $0x80, s25, s13, $0xb8;
	[tilespmem:$0x1E800] =	vst v63  }
0x43: {  	_ =	swait.ge [sflag:s12], $0x3E80  }
0x44: {  	[sflag:s12] =	ssyncset.done $0x0  }
0x45: {  	[sflag:s12] =	ssyncadd.s32 $0xFFFFC180  }
0x46: {  	_ =	swait.ge [sflag:s17], $0x3E80  }
0x47: {  	[sflag:s17] =	ssyncset.done $0x0  }
0x48: {  	s19 =	sadd.s32 $0x180, s19;
	[sflag:s17] =	ssyncadd.s32 $0xFFFFC180  }
0x49: {  	[spmem:s3] =	stream.indirect.scatter.add.f32 [tilespmem:s15], [sflag:$0x3], $0x80, s19, s13, $0xb8;
	[tilespmem:$0x1E800] =	vst v63  }
0x4a: {  	_ =	swait.ge [sflag:s12], $0x3E80  }
0x4b: {  	[sflag:s12] =	ssyncset.done $0x0  }
0x4c: {  	s26 =	simm.s32 $0x0;
	[sflag:s12] =	ssyncadd.s32 $0xFFFFC180  }
0x4d: {  	[tilespmem:s26], [sflag:$0x3] =	stream.linear.gather [hbm4b:s10+s26], $0x2800, $0x38;
	[tilespmem:$0x1E800] =	vst v63  }
0x4e: {  	_ =	swait.ge [sflag:s12], $0x2800  }
0x4f: {  	[sflag:s12] =	ssyncset.done $0x0  }
0x50: {  	s28 =	simm.s32 $0x0;
	[sflag:s12] =	ssyncadd.s32 $0xFFFFD800  }
0x51: {  	[tilespmem:s14], [sflag:$0x1] =	stream.indirect.gather [hbm4b:s1+s13], $0x80, s28, s13, $0xb8;
	[tilespmem:$0x1E800] =	vst v63  }
0x52: {  	s29 =	simm.s32 $0x100  }
0x53: {  	[tilespmem:s15], [sflag:$0x2] =	stream.indirect.gather [hbm4b:s1+s13], $0x80, s29, s13, $0xb8;
	[tilespmem:$0x1E800] =	vst v63  }
0x54: {  	_ =	swait.ge [sflag:s16], $0x3E80  }
0x55: {  	[sflag:s16] =	ssyncset.done $0x0  }
0x56: {  	s30 =	simm.s32 $0x80;
	[sflag:s16] =	ssyncadd.s32 $0xFFFFC180  }
0x57: {  	[spmem:s3] =	stream.indirect.scatter.add.f32 [tilespmem:s14], [sflag:$0x3], $0x80, s30, s13, $0xb8;
	[tilespmem:$0x1E800] =	vst v63  }
0x58: {  	_ =	swait.ge [sflag:s12], $0x3E80  }
0x59: {  	[sflag:s12] =	ssyncset.done $0x0  }
0x5a: {  	[sflag:s12] =	ssyncadd.s32 $0xFFFFC180  }
0x5b: {  	_ =	swait.ge [sflag:s17], $0x3E80  }
0x5c: {  	[sflag:s17] =	ssyncset.done $0x0  }
0x5d: {  	s31 =	simm.s32 $0x180;
	[sflag:s17] =	ssyncadd.s32 $0xFFFFC180  }
0x5e: {  	[spmem:s3] =	stream.indirect.scatter.add.f32 [tilespmem:s15], [sflag:$0x3], $0x80, s31, s13, $0xb8;
	[tilespmem:$0x1E800] =	vst v63  }
0x5f: {  	_ =	swait.ge [sflag:s12], $0x3E80  }
0x60: {  	s20 =	simm.s32 $0x1000;
	s19 =	simm.s32 $0x800;
	[sflag:s12] =	ssyncset.done $0x0  }
.LBB2_4:
0x61: {  	s21 =	sshra.s32 s19, $0x2  }
0x62: {  	[sflag:s12] =	ssyncadd.s32 $0xFFFFC180;
	s19 =	smov.u32 s20;
	s22 =	sadd.s32 $0x800, s20  }
0x63: {  	[tilespmem:s14], [sflag:$0x1] =	stream.indirect.gather [hbm4b:s1+s13], $0x80, s21, s13, $0xb8;
	[tilespmem:$0x1E800] =	vst v63  }
0x64: {  	p0 =	sne.s32 s20, $0x9800;
	s20 =	sadd.s32 $0x100, s21  }
0x65: {  	[tilespmem:s15], [sflag:$0x2] =	stream.indirect.gather [hbm4b:s1+s13], $0x80, s20, s13, $0xb8;
	[tilespmem:$0x1E800] =	vst v63  }
0x66: {  	_ =	swait.ge [sflag:s16], $0x3E80  }
0x67: {  	[sflag:s16] =	ssyncset.done $0x0  }
0x68: {  	s20 =	sadd.s32 $0x80, s21;
	[sflag:s16] =	ssyncadd.s32 $0xFFFFC180  }
0x69: {  	[spmem:s3] =	stream.indirect.scatter.add.f32 [tilespmem:s14], [sflag:$0x3], $0x80, s20, s13, $0xb8;
	[tilespmem:$0x1E800] =	vst v63  }
0x6a: {  	_ =	swait.ge [sflag:s12], $0x3E80  }
0x6b: {  	[sflag:s12] =	ssyncset.done $0x0  }
0x6c: {  	[sflag:s12] =	ssyncadd.s32 $0xFFFFC180  }
0x6d: {  	_ =	swait.ge [sflag:s17], $0x3E80  }
.Ltmp1:
0x6e: {  	[sflag:s17] =	ssyncset.done $0x0;
	(pc) =	sbr.rel @p0 .LBB2_4-.Ltmp1, $4  }
0x6f: {  	s20 =	sadd.s32 $0x180, s21;
	[sflag:s17] =	ssyncadd.s32 $0xFFFFC180  }
0x70: {  	[spmem:s3] =	stream.indirect.scatter.add.f32 [tilespmem:s15], [sflag:$0x3], $0x80, s20, s13, $0xb8;
	[tilespmem:$0x1E800] =	vst v63  }
0x71: {  	_ =	swait.ge [sflag:s12], $0x3E80  }
0x72: {  	s20 =	smov.u32 s22;
	[sflag:s12] =	ssyncset.done $0x0  }
0x73: {  	s19 =	sshra.s32 s19, $0x2;
	[sflag:s12] =	ssyncadd.s32 $0xFFFFC180  }
0x74: {  	[tilespmem:s14], [sflag:$0x1] =	stream.indirect.gather [hbm4b:s1+s13], $0x80, s19, s13, $0xb8;
	[tilespmem:$0x1E800] =	vst v63  }
0x75: {  	s20 =	sadd.s32 $0x100, s19  }
0x76: {  	[tilespmem:s15], [sflag:$0x2] =	stream.indirect.gather [hbm4b:s1+s13], $0x80, s20, s13, $0xb8;
	[tilespmem:$0x1E800] =	vst v63  }
0x77: {  	_ =	swait.ge [sflag:s16], $0x3E80  }
0x78: {  	[sflag:s16] =	ssyncset.done $0x0  }
0x79: {  	s31 =	sadd.s32 $0x80, s19;
	[sflag:s16] =	ssyncadd.s32 $0xFFFFC180  }
0x7a: {  	[spmem:s3] =	stream.indirect.scatter.add.f32 [tilespmem:s14], [sflag:$0x3], $0x80, s31, s13, $0xb8;
	[tilespmem:$0x1E800] =	vst v63  }
0x7b: {  	_ =	swait.ge [sflag:s12], $0x3E80  }
0x7c: {  	[sflag:s12] =	ssyncset.done $0x0  }
0x7d: {  	[sflag:s12] =	ssyncadd.s32 $0xFFFFC180  }
0x7e: {  	_ =	swait.ge [sflag:s17], $0x3E80  }
0x7f: {  	[sflag:s17] =	ssyncset.done $0x0  }
0x80: {  	s19 =	sadd.s32 $0x180, s19;
	[sflag:s17] =	ssyncadd.s32 $0xFFFFC180  }
0x81: {  	[spmem:s3] =	stream.indirect.scatter.add.f32 [tilespmem:s15], [sflag:$0x3], $0x80, s19, s13, $0xb8;
	[tilespmem:$0x1E800] =	vst v63  }
0x82: {  	_ =	swait.ge [sflag:s12], $0x3E80  }
0x83: {  	s18 =	sadd.s32 $0x1, s18;
	[sflag:s12] =	ssyncset.done $0x0  }
0x84: {  	p0 =	sne.s32 s18, s8;
	[sflag:s12] =	ssyncadd.s32 $0xFFFFC180  }
.Ltmp2:
0x85: {  	[bflag:$0x0] =	sbarrier.arrive $0xFFFF;
	(pc) =	sbr.rel @p0 .LBB2_1-.Ltmp2, $4  }
0x86: {  	[hbm:s7], [sflag:s6] =	dma.local [spmem:s11], $0x2800  }
0x87: {  	_ =	swait.ge [sflag:s12], $0x2800  }
0x88: {  	[sflag:s12] =	ssyncset.done $0x0  }
0x89: {  	[sflag:s12] =	ssyncadd.s32 $0xFFFFD800  }
0x8a: {  	_ =	sfence.sel $0x180000  }
0x8b: {  	[bflag:$0x0] =	sbarrier.arrive $0xFFFF  }
0x8c: {  	p0 =	sne.s32 s0, $0x0;
	_ =	strace $0x90000050  }
0x8d: {  	s0 =	sadd.s32 @!p0 $0x100000, s2;
	[bflag:$0x2] =	sbarrier.arrive $0xFFFF  }
0x8e: {  	[sflag:s0] =	ssyncadd.tile.s32 @!p0 $0x1;
	_ =	shalt  }
.Lfunc_end2:
_tile_overlayer_lowered:
.L_overlay_start_2:
0x8f: {  	(tag) =	ssettag $0x2  }
0x90: {  	s0 =	rddreg [dreg:$0x0];
	s2 =	stileid.u32  }
0x91: {  	s1 =	rddreg [dreg:$0x1];
	p0 =	sne.s32 s2, $0x0  }
0x92: {  	s3 =	rddreg [dreg:$0x2];
	[bflag:$0x3] =	sbarrier.arrive $0xFFFF;
	s2 =	simm.s32 @!p0 $0x1C03  }
0x93: {  	[timem:s3], [sflag:s2] =	dma.local @!p0 [hbm:s0], s1  }
0x94: {  	s0 =	simm.s32 @!p0 $0x3  }
0x95: {  	_ =	swait.ge @!p0 [sflag:s0], s1  }
0x96: {  	s1 =	ssub.s32 @!p0 $0x0, s1;
	[sflag:s0] =	ssyncset.done @!p0 $0x0  }
0x97: {  	[sflag:s0] =	ssyncadd.s32 @!p0 s1  }
0x98: {  	[bflag:$0x3] =	sbarrier.arrive $0xFFFF  }
0x99: {  	_ =	shalt  }

// kernel: kernel.25.cloned.1.call-start
scs
__scs_entry_jumppad:
0x0: {  	(pc) =	sbr.rel $0x88, $3  }
0x1: {  	(tag) =	ssettag $0x0;
	lr =	simm.s32 $0x1  }
0x2: {  	[smem:$0x3F95] =	sst lr;
	_ =	strace $0xD0000000  }
0x3: {  	_ = 	snop  }
0x4: {  	_ = 	snop  }
0x5: {  	_ = 	snop  }
0x6: {  	_ = 	snop  }
0x7: {  	_ = 	snop  }
__scs_overlays_trampoline_lowered:
0x8: {  	[smem:$0x3FA4] =	sst s0  }
0x9: {  	[smem:$0x3FA5] =	sst s1  }
0xa: {  	[smem:$0x3FA6] =	sst s2  }
0xb: {  	[smem:$0x3FA7] =	sst s3  }
0xc: {  	[smem:$0x3FA8] =	sst s4  }
0xd: {  	[smem:$0x3FA9] =	sst s5  }
0xe: {  	[smem:$0x3FAA] =	sst s6  }
0xf: {  	[smem:$0x3FAB] =	sst s7  }
0x10: {  	[smem:$0x3FAC] =	sst s8  }
0x11: {  	[smem:$0x3FAD] =	sst s9;
	s0 =	simm.s32 @!p0 $0x0  }
0x12: {  	s1 =	sld [smem:$0x3F93];
	s0 =	simm.s32 @p0 $0x1  }
0x13: {  	[smem:$0x3FAE] =	sst s0;
	s0 =	simm.s32 @!p1 $0x0  }
0x14: {  	s2 =	sld [smem:$0x3F92];
	s0 =	simm.s32 @p1 $0x1  }
0x15: {  	[smem:$0x3FAF] =	sst s0;
	s0 =	simm.s32 @!p2 $0x0  }
0x16: {  	s3 =	sld [smem:$0x3FDB];
	s0 =	simm.s32 @p2 $0x1  }
0x17: {  	s4 =	simm.s32 $0x1BF5;
	[smem:$0x3FB1] =	sst s0  }
0x18: {  	s0 =	sld [smem:$0x3F94];
	_ =	swait.ge [sflag:s4], $0x0  }
0x19: {  	s7 =	sld [smem:$0x3F95]  }
0x1a: {  	s8 =	sadd.s32 $0xFFFFE003, lr  }
0x1b: {  	s9 =	sadd.s32 $0xFFFFFEF7, lr;
	s5 =	simm.s32 $0xFFFFFFFF;
	p2 =	slt.u32 s8, $0xFFFFF086  }
0x1c: {  	p1 =	slt.u32 s9, $0xF7A;
	s5 =	simm.s32 @!p2 $0x0  }
0x1d: {  	s5 =	simm.s32 @p1 $0x1;
	p0 =	seq.s32 s7, s2  }
0x1e: {  	s7 =	smul.u32 @!p0 $0xF7A, s2;
	p2 =	seq.s32 @!p0 s5, $0x0  }
0x1f: {  	s9 =	smul.u32 $0xF7A, s1;
	s8 =	simm.s32 @!p0 $0x1BF5;
	p2 =	por !p2, p0  }
0x20: {  	[sflag:s8] =	ssyncset.s32 @!p0 $0xFFFFF086;
	s6 =	sadd.s32 @!p0 s3, s7;
	s7 =	simm.s32 @!p0 $0x108  }
0x21: {  	s3 =	sadd.s32 s3, s9;
	s6 =	sadd.s32 @!p0 $0x88, s6;
	s7 =	simm.s32 @p2 $0x1082  }
0x22: {  	[simem:s7], [sflag:s8] =	dma.local @!p0 [hbm:s6], $0xF7A  }
0x23: {  	s9 =	sor.u32 $0xD0000000, s2;
	s6 =	simm.s32 $0x108;
	_ =	swait.ge @!p0 [sflag:s8], $0x0  }
0x24: {  	s3 =	sadd.s32 $0x88, s3;
	s6 =	simm.s32 @!p1 $0x1082;
	[sflag:s4] =	ssyncset.s32 $0xFFFFF086  }
0x25: {  	[simem:s6], [sflag:s4] =	dma.local [hbm:s3], $0xF7A  }
0x26: {  	[smem:$0x3F95] =	sst s1;
	(tag) =	ssettag s2;
	_ =	strace s9  }
0x27: {  	s1 =	sld [smem:$0x3FA5]  }
0x28: {  	s2 =	sld [smem:$0x3FA6]  }
0x29: {  	s4 =	sld [smem:$0x3FA8]  }
0x2a: {  	p0 =	seq.s32 s5, $0x0;
	s5 =	sld [smem:$0x3FA9]  }
0x2b: {  	s6 =	sld [smem:$0x3FAA]  }
0x2c: {  	s7 =	sld [smem:$0x3FAB]  }
0x2d: {  	s3 =	simm.s32 $0x108;
	s8 =	sld [smem:$0x3FAC]  }
0x2e: {  	s3 =	simm.s32 @!p0 $0x1082;
	s9 =	sld [smem:$0x3FAD]  }
0x2f: {  	lr =	sadd.s32 s0, s3;
	s0 =	sld [smem:$0x3FA4]  }
0x30: {  	s3 =	sld [smem:$0x3FA7]  }
0x31: {  	[smem:$0x3FB0] =	sst s10  }
0x32: {  	s10 =	sld [smem:$0x3FAE];
	_ =	sdelay $0x3  }
0x33: {  	p0 =	seq.s32 s10, $0x1;
	s10 =	sld [smem:$0x3FB0];
	_ =	sdelay $0x3  }
0x34: {  	[smem:$0x3FB0] =	sst s10  }
0x35: {  	s10 =	sld [smem:$0x3FAF];
	_ =	sdelay $0x3  }
0x36: {  	p1 =	seq.s32 s10, $0x1;
	s10 =	sld [smem:$0x3FB0];
	_ =	sdelay $0x3  }
0x37: {  	[smem:$0x3FB0] =	sst s10  }
0x38: {  	s10 =	sld [smem:$0x3FB1]  }
0x39: {  	_ = 	snop;
	(pc) =	sbr.ind lr, $3  }
0x3a: {  	_ = 	snop  }
0x3b: {  	_ = 	snop  }
0x3c: {  	p2 =	seq.s32 s10, $0x1;
	s10 =	sld [smem:$0x3FB0]  }
0x3d: {  	_ =	shalt  }
0x3e: {  	_ =	shalt  }
0x3f: {  	_ =	shalt  }
0x40: {  	_ =	shalt  }
0x41: {  	_ =	shalt  }
0x42: {  	_ =	shalt  }
0x43: {  	_ =	shalt  }
0x44: {  	_ =	shalt  }
0x45: {  	_ =	shalt  }
0x46: {  	_ =	shalt  }
0x47: {  	_ =	shalt  }
0x48: {  	_ =	shalt  }
0x49: {  	_ =	shalt  }
0x4a: {  	_ =	shalt  }
0x4b: {  	_ =	shalt  }
0x4c: {  	_ =	shalt  }
0x4d: {  	_ =	shalt  }
0x4e: {  	_ =	shalt  }
0x4f: {  	_ =	shalt  }
0x50: {  	_ =	shalt  }
0x51: {  	_ =	shalt  }
0x52: {  	_ =	shalt  }
0x53: {  	_ =	shalt  }
0x54: {  	_ =	shalt  }
0x55: {  	_ =	shalt  }
0x56: {  	_ =	shalt  }
0x57: {  	_ =	shalt  }
0x58: {  	_ =	shalt  }
0x59: {  	_ =	shalt  }
0x5a: {  	_ =	shalt  }
0x5b: {  	_ =	shalt  }
0x5c: {  	_ =	shalt  }
0x5d: {  	_ =	shalt  }
0x5e: {  	_ =	shalt  }
0x5f: {  	_ =	shalt  }
0x60: {  	_ =	shalt  }
0x61: {  	_ =	shalt  }
0x62: {  	_ =	shalt  }
0x63: {  	_ =	shalt  }
0x64: {  	_ =	shalt  }
0x65: {  	_ =	shalt  }
0x66: {  	_ =	shalt  }
0x67: {  	_ =	shalt  }
0x68: {  	_ =	shalt  }
0x69: {  	_ =	shalt  }
0x6a: {  	_ =	shalt  }
0x6b: {  	_ =	shalt  }
0x6c: {  	_ =	shalt  }
0x6d: {  	_ =	shalt  }
0x6e: {  	_ =	shalt  }
0x6f: {  	_ =	shalt  }
0x70: {  	_ =	shalt  }
0x71: {  	_ =	shalt  }
0x72: {  	_ =	shalt  }
0x73: {  	_ =	shalt  }
0x74: {  	_ =	shalt  }
0x75: {  	_ =	shalt  }
0x76: {  	_ =	shalt  }
0x77: {  	_ =	shalt  }
0x78: {  	_ =	shalt  }
0x79: {  	_ =	shalt  }
0x7a: {  	_ =	shalt  }
0x7b: {  	_ =	shalt  }
0x7c: {  	_ =	shalt  }
0x7d: {  	_ =	shalt  }
0x7e: {  	_ =	shalt  }
0x7f: {  	_ =	shalt  }
0x80: {  	_ =	shalt  }
0x81: {  	_ =	shalt  }
0x82: {  	_ =	shalt  }
0x83: {  	_ =	shalt  }
0x84: {  	_ =	shalt  }
0x85: {  	_ =	shalt  }
0x86: {  	_ =	shalt  }
0x87: {  	_ =	shalt  }
.Lfunc_end0:
.L_simem_size_0:
called_computation.4_lowered:
.L_overlay_start_0:
0x88: {  	s2 =	sld [smem:$0x3FD9]  }
0x89: {  	s3 =	sld [smem:$0x3FFE];
	_ =	sdelay $0x1  }
0x8a: {  	s1 =	srdreg.scid  }
0x8b: {  	s0 =	sand.u32 $0x1, s1  }
0x8c: {  	s17 =	sshll.u32 s0, $0xA;
	s2 =	sadd.s32 s3, s2  }
0x8d: {  	s2 =	sadd.s32 s2, s17  }
0x8e: {  	[smem:$0x3FBC] =	sst s2  }
0x8f: {  	_ = 	snop  }
0x90: {  	s2 =	sld [smem:$0x3FD0];
	(tm) =	ssettm $0x1  }
0x91: {  	s18 =	sld [smem:$0x3FFB];
	_ =	sdelay $0x3  }
0x92: {  	_ =	strace s18  }
0x93: {  	s3 =	sld [smem:$0x3FFC];
	_ =	sdelay $0x3  }
0x94: {  	_ =	strace s3  }
0x95: {  	s3 =	sld [smem:$0x3FFD];
	_ =	sdelay $0x3  }
0x96: {  	_ =	strace s3  }
0x97: {  	_ =	strace $0x8FFFFFFF  }
0x98: {  	s19 =	sld [smem:$0x3FDB];
	_ =	sdelay $0x1  }
0x99: {  	s4 =	simm.s32 $_scs_section_size  }
0x9a: {  	s5 =	simm.s32 $_size__tile_overlayer_lowered;
	s6 =	simm.s32 $_tile_overlayer_lowered  }
0x9b: {  	s22 =	simm.s32 $0x1BFF;
	s21 =	sshll.u32 s6, $0x1;
	s3 =	sadd.s32 s4, s19  }
0x9c: {  	s7 =	simm.s32 $0x0;
	s20 =	sshll.u32 s5, $0x1;
	s5 =	sadd.s32 s21, s3  }
0x9d: {  	[timem:s7], [sflag:s22] =	dma.local [hbm:s5], s20  }
0x9e: {  	_ =	swait.ge [sflag:s22], s20  }
0x9f: {  	s4 =	ssub.s32 $0x0, s20;
	[sflag:s22] =	ssyncset.done $0x0  }
0xa0: {  	[sflag:s22] =	ssyncadd.s32 s4;
	_ =	sdelay $0x1  }
0xa1: {  	s23 =	simm.s32 $0x1B8B  }
0xa2: {  	_ =	swait.ge [sflag:s23], $0x1  }
0xa3: {  	[sflag:s23] =	ssyncset.done $0x0  }
0xa4: {  	s25 =	simm.s32 $0x1B8E;
	s24 =	sld [smem:$0x3FFE];
	[sflag:s23] =	ssyncadd.s32 $0xFFFFFFFF  }
0xa5: {  	s26 =	simm.s32 $execute0_lowered;
	[smem:$0x3FD2] =	sst s25  }
0xa6: {  	s5 =	sshll.u32 s26, $0x1;
	_ =	strace $0x80000052;
	[dreg:$0x1] =	wrdreg $0xFFFFFFFF  }
0xa7: {  	s28 =	simm.s32 $_size_execute0_lowered;
	s3 =	sadd.s32 s3, s5;
	[dreg:$0x0] =	wrdreg $0x0  }
0xa8: {  	s5 =	sshll.u32 s28, $0x1;
	[dreg:$0x2] =	wrdreg s3  }
0xa9: {  	[dreg:$0x3] =	wrdreg s5  }
0xaa: {  	[dreg:$0x4] =	wrdreg $0xC0  }
0xab: {  	_ =	task [dreg:s7], $0x5FFFF  }
0xac: {  	[dreg:$0x1] =	wrdreg $0xFFFFFFFF  }
0xad: {  	[dreg:$0x0] =	wrdreg $0x60  }
0xae: {  	[dreg:$0x2] =	wrdreg s2  }
0xaf: {  	[dreg:$0x3] =	wrdreg s24  }
0xb0: {  	[dreg:$0x4] =	wrdreg $0xA8000  }
0xb1: {  	[dreg:$0x5] =	wrdreg $0x9  }
0xb2: {  	_ =	task.clear_ibuf [dreg:s7], $0x6FFFF;
	_ =	strace $0x90000052  }
0xb3: {  	s29 =	simm.s32 $0x9;
	_ =	strace $0x80000054  }
0xb4: {  	_ =	swait.ge [sflag:s29], $0x1  }
0xb5: {  	[sflag:s29] =	ssyncadd.s32 $0xFFFFFFFF  }
0xb6: {  	_ =	strace $0x90000054  }
0xb7: {  	_ =	sfence  }
0xb8: {  	s30 =	sld [smem:$0x0];
	_ =	sdelay $0x2  }
0xb9: {  	s31 =	sshll.u32 s1, $0xD;
	s1 =	sshrl.u32 s1, $0x2  }
0xba: {  	s3 =	sand.u32 $0x4000, s31;
	s1 =	sadd.s32 s1, s30  }
0xbb: {  	s0 =	sor.u32 s3, s0;
	s1 =	sshll.u32 s1, $0x11  }
0xbc: {  	s0 =	sor.u32 s1, s0  }
0xbd: {  	s0 =	sadd.s32 $0x8F2B, s0  }
0xbe: {  	[sflag:s0] =	ssyncadd.remote.s32 $0x1  }
0xbf: {  	_ =	sfence.sel $0xFFFF  }
0xc0: {  	[dreg:$0x0] =	wrdreg $0xFFFFFFFF;
	(pc) =	sbr.abs _section_cstart, $3  }
0xc1: {  	[dreg:$0x1] =	wrdreg $0xFFFFFFFF  }
0xc2: {  	_ =	task.clear_ibuf [dreg:s7], $0x2FFFF;
	_ =	strace $0x9FFFFFFF  }
0xc3: {  	(tm) =	ssettm $0x7FFFFFFF  }
tec
execute0_lowered:
.L_overlay_start_1:
0x0: {  	(tag) =	ssettag $0x1  }
0x1: {  	s1 =	rddreg [dreg:$0x0]  }
0x2: {  	s6 =	rddreg [dreg:$0x1]  }
0x3: {  	s0 =	srdreg.scid;
	s3 =	rddreg [dreg:$0x2];
	s4 =	simm.s32 $0x0  }
0x4: {  	s13 =	simm.s32 $0x7D;
	s14 =	simm.s32 $0x2800;
	s15 =	simm.s32 $0x6800  }
0x5: {  	s16 =	simm.s32 $0x1;
	s5 =	sand.u32 $0x1, s0;
	s0 =	stileid.u32  }
0x6: {  	s17 =	simm.s32 $0x2;
	s18 =	simm.s32 $0x0;
	s8 =	smul.u32 $0x2800, s0  }
0x7: {  	[smem:$0x7FF] =	sst s4;
	s2 =	sshll.u32 s5, $0x4;
	s9 =	smul.u32 $0x28000, s5  }
0x8: {  	s5 =	ssub.s32 $0x2, s5;
	s28 =	smul.u32 $0x50000, s0;
	s2 =	sor.u32 s0, s2  }
0x9: {  	s31 =	sshll.u32 s0, $0x6;
	s29 =	sshrl.u32 s5, $0x1;
	s7 =	smul.u32 $0x5000, s2  }
0xa: {  	s2 =	rddreg [dreg:$0x3];
	_ =	strace $0x80000053;
	s26 =	sadd.s32 s8, s9  }
0xb: {  	s8 =	sadd.s32 s8, s6;
	s11 =	ssub.s32 s5, s29;
	s30 =	sshrl.u32 s28, $0x2  }
0xc: {  	s12 =	sadd.s32 s30, s3;
	s5 =	sadd.s32 $0x40600, s8;
	s8 =	smax.u32 s11, $0x1  }
0xd: {  	s7 =	sshrl.u32 s7, $0x3;
	s11 =	sshrl.u32 s12, $0x3;
	s12 =	simm.s32 $0x3  }
0xe: {  	s10 =	sadd.s32 s7, s6;
	s7 =	sadd.s32 s26, s6;
	s6 =	sor.u32 $0x1C03, s31  }
0xf: {  	s7 =	sadd.s32 $0x68600, s7;
	s9 =	sadd.s32 $0x5400, s10;
	s10 =	sadd.s32 $0x5900, s10  }
.LBB2_1:
0x10: {  	[spmem:s11], [sflag:s6] =	dma.local [hbm:s5], $0x2800  }
0x11: {  	_ =	swait.ge [sflag:s12], $0x2800  }
0x12: {  	[sflag:s12] =	ssyncset.done $0x0  }
0x13: {  	[sflag:s12] =	ssyncadd.s32 $0xFFFFD800  }
0x14: {  	[bflag:$0x0] =	sbarrier.arrive $0xFFFF  }
0x15: {  	[tilespmem:s4], [sflag:$0x3] =	stream.linear.gather [hbm4b:s9+s4], $0x2800, $0x38;
	[tilespmem:$0x1E800] =	vst v63  }
0x16: {  	_ =	swait.ge [sflag:s12], $0x2800  }
0x17: {  	[sflag:s12] =	ssyncset.done $0x0  }
0x18: {  	s19 =	simm.s32 $0x0;
	[sflag:s12] =	ssyncadd.s32 $0xFFFFD800  }
0x19: {  	[tilespmem:s14], [sflag:$0x1] =	stream.indirect.gather [hbm4b:s1+s13], $0x80, s19, s13, $0xb8;
	[tilespmem:$0x1E800] =	vst v63  }
0x1a: {  	s29 =	simm.s32 $0x100  }
0x1b: {  	[tilespmem:s15], [sflag:$0x2] =	stream.indirect.gather [hbm4b:s1+s13], $0x80, s29, s13, $0xb8;
	[tilespmem:$0x1E800] =	vst v63  }
0x1c: {  	_ =	swait.ge [sflag:s16], $0x3E80  }
0x1d: {  	[sflag:s16] =	ssyncset.done $0x0  }
0x1e: {  	s30 =	simm.s32 $0x80;
	[sflag:s16] =	ssyncadd.s32 $0xFFFFC180  }
0x1f: {  	[spmem:s3] =	stream.indirect.scatter.add.f32 [tilespmem:s14], [sflag:$0x3], $0x80, s30, s13, $0xb8;
	[tilespmem:$0x1E800] =	vst v63  }
0x20: {  	_ =	swait.ge [sflag:s12], $0x3E80  }
0x21: {  	[sflag:s12] =	ssyncset.done $0x0  }
0x22: {  	[sflag:s12] =	ssyncadd.s32 $0xFFFFC180  }
0x23: {  	_ =	swait.ge [sflag:s17], $0x3E80  }
0x24: {  	[sflag:s17] =	ssyncset.done $0x0  }
0x25: {  	s31 =	simm.s32 $0x180;
	[sflag:s17] =	ssyncadd.s32 $0xFFFFC180  }
0x26: {  	[spmem:s3] =	stream.indirect.scatter.add.f32 [tilespmem:s15], [sflag:$0x3], $0x80, s31, s13, $0xb8;
	[tilespmem:$0x1E800] =	vst v63  }
0x27: {  	_ =	swait.ge [sflag:s12], $0x3E80  }
0x28: {  	s20 =	simm.s32 $0x1000;
	s19 =	simm.s32 $0x800;
	[sflag:s12] =	ssyncset.done $0x0  }
.LBB2_2:
0x29: {  	s21 =	sshra.s32 s19, $0x2  }
0x2a: {  	[sflag:s12] =	ssyncadd.s32 $0xFFFFC180;
	s19 =	smov.u32 s20;
	s22 =	sadd.s32 $0x800, s20  }
0x2b: {  	[tilespmem:s14], [sflag:$0x1] =	stream.indirect.gather [hbm4b:s1+s13], $0x80, s21, s13, $0xb8;
	[tilespmem:$0x1E800] =	vst v63  }
0x2c: {  	p0 =	sne.s32 s20, $0x9800;
	s20 =	sadd.s32 $0x100, s21  }
0x2d: {  	[tilespmem:s15], [sflag:$0x2] =	stream.indirect.gather [hbm4b:s1+s13], $0x80, s20, s13, $0xb8;
	[tilespmem:$0x1E800] =	vst v63  }
0x2e: {  	_ =	swait.ge [sflag:s16], $0x3E80  }
0x2f: {  	[sflag:s16] =	ssyncset.done $0x0  }
0x30: {  	s20 =	sadd.s32 $0x80, s21;
	[sflag:s16] =	ssyncadd.s32 $0xFFFFC180  }
0x31: {  	[spmem:s3] =	stream.indirect.scatter.add.f32 [tilespmem:s14], [sflag:$0x3], $0x80, s20, s13, $0xb8;
	[tilespmem:$0x1E800] =	vst v63  }
0x32: {  	_ =	swait.ge [sflag:s12], $0x3E80  }
0x33: {  	[sflag:s12] =	ssyncset.done $0x0  }
0x34: {  	[sflag:s12] =	ssyncadd.s32 $0xFFFFC180  }
0x35: {  	_ =	swait.ge [sflag:s17], $0x3E80  }
.Ltmp0:
0x36: {  	[sflag:s17] =	ssyncset.done $0x0;
	(pc) =	sbr.rel @p0 .LBB2_2-.Ltmp0, $4  }
0x37: {  	s20 =	sadd.s32 $0x180, s21;
	[sflag:s17] =	ssyncadd.s32 $0xFFFFC180  }
0x38: {  	[spmem:s3] =	stream.indirect.scatter.add.f32 [tilespmem:s15], [sflag:$0x3], $0x80, s20, s13, $0xb8;
	[tilespmem:$0x1E800] =	vst v63  }
0x39: {  	_ =	swait.ge [sflag:s12], $0x3E80  }
0x3a: {  	s20 =	smov.u32 s22;
	[sflag:s12] =	ssyncset.done $0x0  }
0x3b: {  	s19 =	sshra.s32 s19, $0x2;
	[sflag:s12] =	ssyncadd.s32 $0xFFFFC180  }
0x3c: {  	[tilespmem:s14], [sflag:$0x1] =	stream.indirect.gather [hbm4b:s1+s13], $0x80, s19, s13, $0xb8;
	[tilespmem:$0x1E800] =	vst v63  }
0x3d: {  	s20 =	sadd.s32 $0x100, s19  }
0x3e: {  	[tilespmem:s15], [sflag:$0x2] =	stream.indirect.gather [hbm4b:s1+s13], $0x80, s20, s13, $0xb8;
	[tilespmem:$0x1E800] =	vst v63  }
0x3f: {  	_ =	swait.ge [sflag:s16], $0x3E80  }
0x40: {  	[sflag:s16] =	ssyncset.done $0x0  }
0x41: {  	s25 =	sadd.s32 $0x80, s19;
	[sflag:s16] =	ssyncadd.s32 $0xFFFFC180  }
0x42: {  	[spmem:s3] =	stream.indirect.scatter.add.f32 [tilespmem:s14], [sflag:$0x3], $0x80, s25, s13, $0xb8;
	[tilespmem:$0x1E800] =	vst v63  }
0x43: {  	_ =	swait.ge [sflag:s12], $0x3E80  }
0x44: {  	[sflag:s12] =	ssyncset.done $0x0  }
0x45: {  	[sflag:s12] =	ssyncadd.s32 $0xFFFFC180  }
0x46: {  	_ =	swait.ge [sflag:s17], $0x3E80  }
0x47: {  	[sflag:s17] =	ssyncset.done $0x0  }
0x48: {  	s19 =	sadd.s32 $0x180, s19;
	[sflag:s17] =	ssyncadd.s32 $0xFFFFC180  }
0x49: {  	[spmem:s3] =	stream.indirect.scatter.add.f32 [tilespmem:s15], [sflag:$0x3], $0x80, s19, s13, $0xb8;
	[tilespmem:$0x1E800] =	vst v63  }
0x4a: {  	_ =	swait.ge [sflag:s12], $0x3E80  }
0x4b: {  	[sflag:s12] =	ssyncset.done $0x0  }
0x4c: {  	s26 =	simm.s32 $0x0;
	[sflag:s12] =	ssyncadd.s32 $0xFFFFC180  }
0x4d: {  	[tilespmem:s26], [sflag:$0x3] =	stream.linear.gather [hbm4b:s10+s26], $0x2800, $0x38;
	[tilespmem:$0x1E800] =	vst v63  }
0x4e: {  	_ =	swait.ge [sflag:s12], $0x2800  }
0x4f: {  	[sflag:s12] =	ssyncset.done $0x0  }
0x50: {  	s28 =	simm.s32 $0x0;
	[sflag:s12] =	ssyncadd.s32 $0xFFFFD800  }
0x51: {  	[tilespmem:s14], [sflag:$0x1] =	stream.indirect.gather [hbm4b:s1+s13], $0x80, s28, s13, $0xb8;
	[tilespmem:$0x1E800] =	vst v63  }
0x52: {  	s29 =	simm.s32 $0x100  }
0x53: {  	[tilespmem:s15], [sflag:$0x2] =	stream.indirect.gather [hbm4b:s1+s13], $0x80, s29, s13, $0xb8;
	[tilespmem:$0x1E800] =	vst v63  }
0x54: {  	_ =	swait.ge [sflag:s16], $0x3E80  }
0x55: {  	[sflag:s16] =	ssyncset.done $0x0  }
0x56: {  	s30 =	simm.s32 $0x80;
	[sflag:s16] =	ssyncadd.s32 $0xFFFFC180  }
0x57: {  	[spmem:s3] =	stream.indirect.scatter.add.f32 [tilespmem:s14], [sflag:$0x3], $0x80, s30, s13, $0xb8;
	[tilespmem:$0x1E800] =	vst v63  }
0x58: {  	_ =	swait.ge [sflag:s12], $0x3E80  }
0x59: {  	[sflag:s12] =	ssyncset.done $0x0  }
0x5a: {  	[sflag:s12] =	ssyncadd.s32 $0xFFFFC180  }
0x5b: {  	_ =	swait.ge [sflag:s17], $0x3E80  }
0x5c: {  	[sflag:s17] =	ssyncset.done $0x0  }
0x5d: {  	s31 =	simm.s32 $0x180;
	[sflag:s17] =	ssyncadd.s32 $0xFFFFC180  }
0x5e: {  	[spmem:s3] =	stream.indirect.scatter.add.f32 [tilespmem:s15], [sflag:$0x3], $0x80, s31, s13, $0xb8;
	[tilespmem:$0x1E800] =	vst v63  }
0x5f: {  	_ =	swait.ge [sflag:s12], $0x3E80  }
0x60: {  	s20 =	simm.s32 $0x1000;
	s19 =	simm.s32 $0x800;
	[sflag:s12] =	ssyncset.done $0x0  }
.LBB2_4:
0x61: {  	s21 =	sshra.s32 s19, $0x2  }
0x62: {  	[sflag:s12] =	ssyncadd.s32 $0xFFFFC180;
	s19 =	smov.u32 s20;
	s22 =	sadd.s32 $0x800, s20  }
0x63: {  	[tilespmem:s14], [sflag:$0x1] =	stream.indirect.gather [hbm4b:s1+s13], $0x80, s21, s13, $0xb8;
	[tilespmem:$0x1E800] =	vst v63  }
0x64: {  	p0 =	sne.s32 s20, $0x9800;
	s20 =	sadd.s32 $0x100, s21  }
0x65: {  	[tilespmem:s15], [sflag:$0x2] =	stream.indirect.gather [hbm4b:s1+s13], $0x80, s20, s13, $0xb8;
	[tilespmem:$0x1E800] =	vst v63  }
0x66: {  	_ =	swait.ge [sflag:s16], $0x3E80  }
0x67: {  	[sflag:s16] =	ssyncset.done $0x0  }
0x68: {  	s20 =	sadd.s32 $0x80, s21;
	[sflag:s16] =	ssyncadd.s32 $0xFFFFC180  }
0x69: {  	[spmem:s3] =	stream.indirect.scatter.add.f32 [tilespmem:s14], [sflag:$0x3], $0x80, s20, s13, $0xb8;
	[tilespmem:$0x1E800] =	vst v63  }
0x6a: {  	_ =	swait.ge [sflag:s12], $0x3E80  }
0x6b: {  	[sflag:s12] =	ssyncset.done $0x0  }
0x6c: {  	[sflag:s12] =	ssyncadd.s32 $0xFFFFC180  }
0x6d: {  	_ =	swait.ge [sflag:s17], $0x3E80  }
.Ltmp1:
0x6e: {  	[sflag:s17] =	ssyncset.done $0x0;
	(pc) =	sbr.rel @p0 .LBB2_4-.Ltmp1, $4  }
0x6f: {  	s20 =	sadd.s32 $0x180, s21;
	[sflag:s17] =	ssyncadd.s32 $0xFFFFC180  }
0x70: {  	[spmem:s3] =	stream.indirect.scatter.add.f32 [tilespmem:s15], [sflag:$0x3], $0x80, s20, s13, $0xb8;
	[tilespmem:$0x1E800] =	vst v63  }
0x71: {  	_ =	swait.ge [sflag:s12], $0x3E80  }
0x72: {  	s20 =	smov.u32 s22;
	[sflag:s12] =	ssyncset.done $0x0  }
0x73: {  	s19 =	sshra.s32 s19, $0x2;
	[sflag:s12] =	ssyncadd.s32 $0xFFFFC180  }
0x74: {  	[tilespmem:s14], [sflag:$0x1] =	stream.indirect.gather [hbm4b:s1+s13], $0x80, s19, s13, $0xb8;
	[tilespmem:$0x1E800] =	vst v63  }
0x75: {  	s20 =	sadd.s32 $0x100, s19  }
0x76: {  	[tilespmem:s15], [sflag:$0x2] =	stream.indirect.gather [hbm4b:s1+s13], $0x80, s20, s13, $0xb8;
	[tilespmem:$0x1E800] =	vst v63  }
0x77: {  	_ =	swait.ge [sflag:s16], $0x3E80  }
0x78: {  	[sflag:s16] =	ssyncset.done $0x0  }
0x79: {  	s31 =	sadd.s32 $0x80, s19;
	[sflag:s16] =	ssyncadd.s32 $0xFFFFC180  }
0x7a: {  	[spmem:s3] =	stream.indirect.scatter.add.f32 [tilespmem:s14], [sflag:$0x3], $0x80, s31, s13, $0xb8;
	[tilespmem:$0x1E800] =	vst v63  }
0x7b: {  	_ =	swait.ge [sflag:s12], $0x3E80  }
0x7c: {  	[sflag:s12] =	ssyncset.done $0x0  }
0x7d: {  	[sflag:s12] =	ssyncadd.s32 $0xFFFFC180  }
0x7e: {  	_ =	swait.ge [sflag:s17], $0x3E80  }
0x7f: {  	[sflag:s17] =	ssyncset.done $0x0  }
0x80: {  	s19 =	sadd.s32 $0x180, s19;
	[sflag:s17] =	ssyncadd.s32 $0xFFFFC180  }
0x81: {  	[spmem:s3] =	stream.indirect.scatter.add.f32 [tilespmem:s15], [sflag:$0x3], $0x80, s19, s13, $0xb8;
	[tilespmem:$0x1E800] =	vst v63  }
0x82: {  	_ =	swait.ge [sflag:s12], $0x3E80  }
0x83: {  	s18 =	sadd.s32 $0x1, s18;
	[sflag:s12] =	ssyncset.done $0x0  }
0x84: {  	p0 =	sne.s32 s18, s8;
	[sflag:s12] =	ssyncadd.s32 $0xFFFFC180  }
.Ltmp2:
0x85: {  	[bflag:$0x0] =	sbarrier.arrive $0xFFFF;
	(pc) =	sbr.rel @p0 .LBB2_1-.Ltmp2, $4  }
0x86: {  	[hbm:s7], [sflag:s6] =	dma.local [spmem:s11], $0x2800  }
0x87: {  	_ =	swait.ge [sflag:s12], $0x2800  }
0x88: {  	[sflag:s12] =	ssyncset.done $0x0  }
0x89: {  	[sflag:s12] =	ssyncadd.s32 $0xFFFFD800  }
0x8a: {  	_ =	sfence.sel $0x180000  }
0x8b: {  	[bflag:$0x0] =	sbarrier.arrive $0xFFFF  }
0x8c: {  	p0 =	sne.s32 s0, $0x0;
	_ =	strace $0x90000053  }
0x8d: {  	s0 =	sadd.s32 @!p0 $0x100000, s2;
	[bflag:$0x2] =	sbarrier.arrive $0xFFFF  }
0x8e: {  	[sflag:s0] =	ssyncadd.tile.s32 @!p0 $0x1;
	_ =	shalt  }
.Lfunc_end2:
_tile_overlayer_lowered:
.L_overlay_start_2:
0x8f: {  	(tag) =	ssettag $0x2  }
0x90: {  	s0 =	rddreg [dreg:$0x0];
	s2 =	stileid.u32  }
0x91: {  	s1 =	rddreg [dreg:$0x1];
	p0 =	sne.s32 s2, $0x0  }
0x92: {  	s3 =	rddreg [dreg:$0x2];
	[bflag:$0x3] =	sbarrier.arrive $0xFFFF;
	s2 =	simm.s32 @!p0 $0x1C03  }
0x93: {  	[timem:s3], [sflag:s2] =	dma.local @!p0 [hbm:s0], s1  }
0x94: {  	s0 =	simm.s32 @!p0 $0x3  }
0x95: {  	_ =	swait.ge @!p0 [sflag:s0], s1  }
0x96: {  	s1 =	ssub.s32 @!p0 $0x0, s1;
	[sflag:s0] =	ssyncset.done @!p0 $0x0  }
0x97: {  	[sflag:s0] =	ssyncadd.s32 @!p0 s1  }
0x98: {  	[bflag:$0x3] =	sbarrier.arrive $0xFFFF  }
0x99: {  	_ =	shalt  }

</sc_bundles>
